<compile_context>
chip_gen: v7x
topology: tpu7x:2x2x1
jax: 0.10.2.dev20260603
libtpu: 0.0.44.dev20260713+nightly
codegen_flags: <defaults>
</compile_context>

<pallas_src>
import functools

import jax
import jax.numpy as jnp
from jax import lax
from jax.experimental import pallas as pl
from jax.experimental.pallas import tpu as pltpu
from jax.experimental.pallas import tpu_sc as plsc

_N = 100000
_C = 64
_B = 2
_G = 128
_GP = _G + 4
_NPAD = 102400
_ROWS = _NPAD // 128
_TSIZE = 4_608_000
_PSAFE = ((0 * _GP + 2) * _GP + 2) * _GP + 2

_NC = 2
_NS = 16


def _prep_body(f_ref, b_ref, z_ref, y_ref, x_ref,
               fa_ref, fm_ref, ps_ref, pg_ref):
  i = pl.program_id(0)
  f = f_ref[...]
  fa_ref[...] = jnp.mean(f, axis=1).reshape(8, 128)
  fm_ref[...] = jnp.max(f, axis=1).reshape(8, 128)
  r = lax.broadcasted_iota(jnp.int32, (8, 128), 0)
  c = lax.broadcasted_iota(jnp.int32, (8, 128), 1)
  vid = (i * 8 + r) * 128 + c
  p = ((b_ref[...] * _GP + z_ref[...] + 2) * _GP
       + y_ref[...] + 2) * _GP + x_ref[...] + 2
  valid = vid < _N
  ps_ref[...] = jnp.where(valid, p, 0)
  pg_ref[...] = jnp.where(valid, p, _PSAFE)


def _prep(feats_pad, b2, z2, y2, x2):
  coord_spec = pl.BlockSpec((8, 128), lambda i: (i, 0))
  return pl.pallas_call(
      _prep_body,
      grid=(100,),
      in_specs=[pl.BlockSpec((1024, 64), lambda i: (i, 0)),
                coord_spec, coord_spec, coord_spec, coord_spec],
      out_specs=[coord_spec, coord_spec, coord_spec, coord_spec],
      out_shape=[
          jax.ShapeDtypeStruct((_ROWS, 128), jnp.float32),
          jax.ShapeDtypeStruct((_ROWS, 128), jnp.float32),
          jax.ShapeDtypeStruct((_ROWS, 128), jnp.int32),
          jax.ShapeDtypeStruct((_ROWS, 128), jnp.int32),
      ],
  )(feats_pad, b2, z2, y2, x2)


_ZCHUNK = 12000


def _scatter_body(ps_hbm, fa_hbm, fm_hbm, ga_hbm, gm_hbm,
                  zbuf, idx_v, fa_v, fm_v, sem):
  tid = lax.axis_index("s")
  nv = _NPAD // _NS
  nwords = _TSIZE // _NS
  nchunk = nwords // _ZCHUNK

  def zfill(t, carry):
    zbuf[pl.ds(16 * t, 16)] = jnp.zeros((16,), jnp.float32)
    return carry
  lax.fori_loop(0, _ZCHUNK // 16, zfill, 0)

  base = tid * nwords

  def zissue(t, carry):
    pltpu.async_copy(zbuf, ga_hbm.at[pl.ds(base + t * _ZCHUNK, _ZCHUNK)], sem)
    pltpu.async_copy(zbuf, gm_hbm.at[pl.ds(base + t * _ZCHUNK, _ZCHUNK)], sem)
    return carry
  lax.fori_loop(0, nchunk, zissue, 0)

  def zdrain(t, carry):
    pltpu.make_async_copy(
        zbuf, ga_hbm.at[pl.ds(base + t * _ZCHUNK, _ZCHUNK)], sem).wait()
    pltpu.make_async_copy(
        zbuf, gm_hbm.at[pl.ds(base + t * _ZCHUNK, _ZCHUNK)], sem).wait()
    return carry
  lax.fori_loop(0, nchunk, zdrain, 0)

  plsc.subcore_barrier()

  v0 = tid * nv
  pltpu.sync_copy(ps_hbm.at[pl.ds(v0, nv)], idx_v)
  pltpu.sync_copy(fa_hbm.at[pl.ds(v0, nv)], fa_v)
  pltpu.sync_copy(fm_hbm.at[pl.ds(v0, nv)], fm_v)
  ca = pltpu.async_copy(fa_v, ga_hbm.at[idx_v], sem)
  cm = pltpu.async_copy(fm_v, gm_hbm.at[idx_v], sem)
  ca.wait()
  cm.wait()


def _scatter(ps1, fa1, fm1):
  mesh = plsc.VectorSubcoreMesh(
      core_axis_name="c", subcore_axis_name="s", num_cores=1)
  nv = _NPAD // _NS
  return pl.kernel(
      _scatter_body,
      out_type=[jax.ShapeDtypeStruct((_TSIZE,), jnp.float32),
                jax.ShapeDtypeStruct((_TSIZE,), jnp.float32)],
      mesh=mesh,
      scratch_types=[
          pltpu.VMEM((_ZCHUNK,), jnp.float32),
          pltpu.VMEM((nv,), jnp.int32),
          pltpu.VMEM((nv,), jnp.float32),
          pltpu.VMEM((nv,), jnp.float32),
          pltpu.SemaphoreType.DMA,
      ],
  )(ps1, fa1, fm1)


def _gather_body(ga_hbm, gm_hbm, pg_hbm, w0_hbm, w1_hbm, acc_hbm,
                 pb_v, ia_v, ib_v, gaa_v, gma_v, gab_v, gmb_v,
                 acc_v, w0_v, w1_v, sema, semb):
  wid = lax.axis_index("s") * _NC + lax.axis_index("c")
  nv = _NPAD // (_NC * _NS)
  ng = nv // 16
  v0 = wid * nv
  pltpu.sync_copy(pg_hbm.at[pl.ds(v0, nv)], pb_v)
  pltpu.sync_copy(w0_hbm, w0_v)
  pltpu.sync_copy(w1_hbm, w1_v)

  def azero(t, carry):
    acc_v[pl.ds(16 * t, 16)] = jnp.zeros((16,), jnp.float32)
    return carry
  lax.fori_loop(0, ng, azero, 0)

  def build(k, ivec):
    dz = k // 25 - 2
    dy = (k // 5) % 5 - 2
    dx = k % 5 - 2
    d = (dz * _GP + dy) * _GP + dx

    def tbody(t, c2):
      s = pl.ds(16 * t, 16)
      ivec[s] = pb_v[s] + d
      return c2
    lax.fori_loop(0, ng, tbody, 0)

  nsub = 16
  sub = nv // nsub

  def issue(ivec, gav, gmv, sem):
    for u in range(nsub):
      s = pl.ds(u * sub, sub)
      pltpu.async_copy(ga_hbm.at[ivec.at[s]], gav.at[s], sem)
      pltpu.async_copy(gm_hbm.at[ivec.at[s]], gmv.at[s], sem)

  def drain(ivec, gav, gmv, sem):
    for u in range(nsub):
      s = pl.ds(u * sub, sub)
      pltpu.make_async_copy(ga_hbm.at[ivec.at[s]], gav.at[s], sem).wait()
      pltpu.make_async_copy(gm_hbm.at[ivec.at[s]], gmv.at[s], sem).wait()

  def accum(k, gav, gmv):
    w0 = w0_v[k]
    w1 = w1_v[k]

    def tb(t, c2):
      s = pl.ds(16 * t, 16)
      acc_v[s] = acc_v[s] + w0 * gav[s] + w1 * gmv[s]
      return c2
    lax.fori_loop(0, ng, tb, 0)

  build(0, ia_v)
  issue(ia_v, gaa_v, gma_v, sema)

  def kbody(i2, carry):
    k0 = 2 * i2
    k1 = k0 + 1

    @pl.when(k1 < 125)
    def _():
      build(k1, ib_v)
      issue(ib_v, gab_v, gmb_v, semb)

    drain(ia_v, gaa_v, gma_v, sema)
    accum(k0, gaa_v, gma_v)

    k2 = k0 + 2

    @pl.when(k2 < 125)
    def _():
      build(k2, ia_v)
      issue(ia_v, gaa_v, gma_v, sema)

    @pl.when(k1 < 125)
    def _():
      drain(ib_v, gab_v, gmb_v, semb)
      accum(k1, gab_v, gmb_v)
    return carry
  lax.fori_loop(0, 63, kbody, 0)

  pltpu.sync_copy(acc_v, acc_hbm.at[pl.ds(v0, nv)])


def _gather(ga, gm, pg1, w0t, w1t):
  mesh = plsc.VectorSubcoreMesh(core_axis_name="c", subcore_axis_name="s")
  nv = _NPAD // (_NC * _NS)
  return pl.kernel(
      _gather_body,
      out_type=jax.ShapeDtypeStruct((_NPAD,), jnp.float32),
      mesh=mesh,
      scratch_types=[
          pltpu.VMEM((nv,), jnp.int32),
          pltpu.VMEM((nv,), jnp.int32),
          pltpu.VMEM((nv,), jnp.int32),
          pltpu.VMEM((nv,), jnp.float32),
          pltpu.VMEM((nv,), jnp.float32),
          pltpu.VMEM((nv,), jnp.float32),
          pltpu.VMEM((nv,), jnp.float32),
          pltpu.VMEM((nv,), jnp.float32),
          pltpu.VMEM((128, 16), jnp.float32),
          pltpu.VMEM((128, 16), jnp.float32),
          pltpu.SemaphoreType.DMA,
          pltpu.SemaphoreType.DMA,
      ],
  )(ga, gm, pg1, w0t, w1t)


def _gate_body(f_ref, a_ref, o_ref):
  g8 = 1.0 / (1.0 + jnp.exp(-a_ref[...]))
  ones = jnp.ones((1, _C), jnp.float32)
  for s in range(8):
    gcol = lax.dot_general(g8[s:s + 1, :], ones, (((0,), (0,)), ((), ())),
                           preferred_element_type=jnp.float32)
    rs = pl.ds(s * 128, 128)
    o_ref[rs, :] = f_ref[rs, :] * gcol


def _gate(feats_pad, acc2):
  return pl.pallas_call(
      _gate_body,
      grid=(100,),
      in_specs=[pl.BlockSpec((1024, 64), lambda i: (i, 0)),
                pl.BlockSpec((8, 128), lambda i: (i, 0))],
      out_specs=pl.BlockSpec((1024, 64), lambda i: (i, 0)),
      out_shape=jax.ShapeDtypeStruct((_NPAD, _C), jnp.float32),
  )(feats_pad, acc2)


def kernel(features, indices, W):
  n = features.shape[0]
  pad = _NPAD - n
  feats_pad = jnp.pad(features, ((0, pad), (0, 0)))
  b2 = jnp.pad(indices[:, 0], (0, pad)).reshape(_ROWS, 128)
  z2 = jnp.pad(indices[:, 1], (0, pad)).reshape(_ROWS, 128)
  y2 = jnp.pad(indices[:, 2], (0, pad)).reshape(_ROWS, 128)
  x2 = jnp.pad(indices[:, 3], (0, pad)).reshape(_ROWS, 128)

  w0t = jnp.pad(jnp.broadcast_to(W[:, 0, :], (125, 16)), ((0, 3), (0, 0)))
  w1t = jnp.pad(jnp.broadcast_to(W[:, 1, :], (125, 16)), ((0, 3), (0, 0)))

  fa2, fm2, ps2, pg2 = _prep(feats_pad, b2, z2, y2, x2)
  ga, gm = _scatter(ps2.reshape(-1), fa2.reshape(-1), fm2.reshape(-1))
  acc1 = _gather(ga, gm, pg2.reshape(-1), w0t, w1t)
  out = _gate(feats_pad, acc1.reshape(_ROWS, 128))
  return out[:n]

# --- scband reference (transcript-rebuilt; emitter-appended) ---
"""Pipeline reference for scband-salayer-77120432767725 (READ-ONLY COPY).

The authoritative reference and input builder live on the scoring server;
editing this copy changes nothing except your own understanding.
"""

import jax, jax.numpy as jnp
import numpy as np

N = 100000
C = 64
B = 2
G = 128
K = 5

def setup_inputs(seed: int = 0):
    key = jax.random.key(seed)
    kf, kw = jax.random.split(key)
    rng = np.random.default_rng(0)
    flat = rng.choice(B * G * G * G, size=N, replace=False)
    b = flat // (G * G * G)
    rem = flat % (G * G * G)
    z = rem // (G * G)
    y = (rem // G) % G
    x = rem % G
    indices = jnp.asarray(np.stack([b, z, y, x], axis=1).astype(np.int32))
    features = jax.random.normal(kf, (N, C), dtype=jnp.float32)
    W = jax.random.normal(kw, (K * K * K, 2, 1), dtype=jnp.float32) * 0.1
    return {"features": features, "indices": indices, "W": W}

def reference(features, indices, W):
    # SALayer: spatial-attention via SubMConv3d(2 -> 1, kernel 5) on a sparse voxel tensor.
    b = indices[:, 0]
    z = indices[:, 1]
    y = indices[:, 2]
    x = indices[:, 3]
    # dense hash grid: active voxel -> row index, -1 elsewhere (submanifold rulebook)
    grid = -jnp.ones((B, G, G, G), dtype=jnp.int32)
    grid = grid.at[b, z, y, x].set(jnp.arange(N, dtype=jnp.int32))
    # channel-wise avg/max pooling -> 2-channel attention input
    avg_out = jnp.mean(features, axis=1, keepdims=True)
    max_out = jnp.max(features, axis=1, keepdims=True)
    feat2 = jnp.concatenate([avg_out, max_out], axis=1)
    # submanifold conv: output sites == input sites; gather active neighbors over 5x5x5 offsets
    acc = jnp.zeros((N, 1), dtype=features.dtype)
    r = K // 2
    k = 0
    for dz in range(-r, r + 1):
        for dy in range(-r, r + 1):
            for dx in range(-r, r + 1):
                nz = z + dz
                ny = y + dy
                nx = x + dx
                valid = (nz >= 0) & (nz < G) & (ny >= 0) & (ny < G) & (nx >= 0) & (nx < G)
                cz = jnp.clip(nz, 0, G - 1)
                cy = jnp.clip(ny, 0, G - 1)
                cx = jnp.clip(nx, 0, G - 1)
                nidx = grid[b, cz, cy, cx]
                ok = valid & (nidx >= 0)
                gathered = feat2[jnp.clip(nidx, 0, N - 1)]
                contrib = gathered @ W[k]
                acc = acc + jnp.where(ok[:, None], contrib, jnp.zeros_like(contrib))
                k += 1
    gate = jax.nn.sigmoid(acc)
    # x.features * sigmoid(conv(...)) with (N,1) broadcast over (N,C)
    return features * gate

if __name__ == "__main__":
    import jax
    _d = setup_inputs()
    print(jax.jit(kernel)(*tuple(_d.values())))

</pallas_src>

<mosaic_0001>
#map = affine_map<(d0, d1) -> (0)>
module attributes {stable_mosaic.version = 14 : i64} {
  func.func @_scatter_body(%arg0: i32, %arg1: i32, %arg2: memref<102400xi32, #tpu.memory_space<hbm>>, %arg3: memref<102400xf32, #tpu.memory_space<hbm>>, %arg4: memref<102400xf32, #tpu.memory_space<hbm>>, %arg5: memref<4608000xf32, #tpu.memory_space<hbm>>, %arg6: memref<4608000xf32, #tpu.memory_space<hbm>>, %arg7: memref<12000xf32, #tpu.memory_space<vmem>>, %arg8: memref<6400xi32, #tpu.memory_space<vmem>>, %arg9: memref<6400xf32, #tpu.memory_space<vmem>>, %arg10: memref<6400xf32, #tpu.memory_space<vmem>>, %arg11: memref<!tpu.dma_semaphore, #tpu.memory_space<semaphore_mem>>) attributes {dimension_semantics = [#tpu.dimension_semantics<core_parallel>, #tpu.dimension_semantics<subcore_parallel>], iteration_bounds = array<i64: 1, 16>, scalar_prefetch = 0 : i64, scratch_operands = 5 : i64, tpu.core_type = #tpu.core_type<sc_vector_subcore>, window_params = [{transform_indices = #map}, {transform_indices = #map}, {transform_indices = #map}, {transform_indices = #map}, {transform_indices = #map}]} {
    %scan3A = arith.constant 0 : i32
    %scan3A_0 = arith.constant 0 : i32
    %scan3A_1 = arith.constant 750 : i32
    %scan3A_2 = arith.addi %scan3A_0, %scan3A_1 : i32
    %scan3A_3 = arith.constant 1 : i32
    scf.for %scan3A_26 = %scan3A_0 to %scan3A_2 step %scan3A_3  : i32 {
      %broadcast_in_dim3A = arith.constant 0.000000e+00 : f32
      %broadcast_in_dim3A_27 = vector.broadcast %broadcast_in_dim3A : f32 to vector<16xf32>
      %mul3A_28 = arith.constant 16 : i32
      %mul3A_29 = arith.muli %mul3A_28, %scan3A_26 : i32
      %swap3A = arith.index_cast %mul3A_29 : i32 to index
      %swap3A_30 = tpu.vector_load %arg7[%swap3A] {strides = array<i32>} : memref<12000xf32, #tpu.memory_space<vmem>>, vector<16xf32>,
      %swap3A_31 = vector.shape_cast %swap3A_30 : vector<16xf32> to vector<16xf32>
      %swap3A_32 = vector.shape_cast %broadcast_in_dim3A_27 : vector<16xf32> to vector<16xf32>
      tpu.vector_store %arg7[%swap3A], %swap3A_32 {strides = array<i32>} : memref<12000xf32, #tpu.memory_space<vmem>>, vector<16xf32>,
    }
    %scan3A_4 = arith.constant 750 : i32
    %mul3A = arith.constant 288000 : i32
    %mul3A_5 = arith.muli %arg1, %mul3A : i32
    %scan3A_6 = arith.constant 0 : i32
    %scan3A_7 = arith.constant 0 : i32
    %scan3A_8 = arith.constant 24 : i32
    %scan3A_9 = arith.addi %scan3A_7, %scan3A_8 : i32
    %scan3A_10 = arith.constant 1 : i32
    scf.for %scan3A_26 = %scan3A_7 to %scan3A_9 step %scan3A_10  : i32 {
      %mul3A_27 = arith.constant 12000 : i32
      %mul3A_28 = arith.muli %scan3A_26, %mul3A_27 : i32
      %add3A = arith.addi %mul3A_5, %mul3A_28 : i32
      %dma_start3A_29 = tpu.memref_slice %arg5[%add3A] : memref<4608000xf32, #tpu.memory_space<hbm>> -> memref<12000xf32, #tpu.memory_space<hbm>>
      %dma_start3A_30 = tpu.memref_slice %arg5[%add3A] : memref<4608000xf32, #tpu.memory_space<hbm>> -> memref<12000xf32, #tpu.memory_space<hbm>>
      tpu.enqueue_dma source(%arg7 : memref<12000xf32, #tpu.memory_space<vmem>>) target(%dma_start3A_30 : memref<12000xf32, #tpu.memory_space<hbm>>) target_semaphore(%arg11 : memref<!tpu.dma_semaphore, #tpu.memory_space<semaphore_mem>>)
      %mul3A_31 = arith.constant 12000 : i32
      %mul3A_32 = arith.muli %scan3A_26, %mul3A_31 : i32
      %add3A_33 = arith.addi %mul3A_5, %mul3A_32 : i32
      %dma_start3A_34 = tpu.memref_slice %arg6[%add3A_33] : memref<4608000xf32, #tpu.memory_space<hbm>> -> memref<12000xf32, #tpu.memory_space<hbm>>
      %dma_start3A_35 = tpu.memref_slice %arg6[%add3A_33] : memref<4608000xf32, #tpu.memory_space<hbm>> -> memref<12000xf32, #tpu.memory_space<hbm>>
      tpu.enqueue_dma source(%arg7 : memref<12000xf32, #tpu.memory_space<vmem>>) target(%dma_start3A_35 : memref<12000xf32, #tpu.memory_space<hbm>>) target_semaphore(%arg11 : memref<!tpu.dma_semaphore, #tpu.memory_space<semaphore_mem>>)
    }
    %scan3A_11 = arith.constant 24 : i32
    %scan3A_12 = arith.constant 0 : i32
    %scan3A_13 = arith.constant 0 : i32
    %scan3A_14 = arith.constant 24 : i32
    %scan3A_15 = arith.addi %scan3A_13, %scan3A_14 : i32
    %scan3A_16 = arith.constant 1 : i32
    scf.for %scan3A_26 = %scan3A_13 to %scan3A_15 step %scan3A_16  : i32 {
      %mul3A_27 = arith.constant 12000 : i32
      %mul3A_28 = arith.muli %scan3A_26, %mul3A_27 : i32
      %add3A = arith.addi %mul3A_5, %mul3A_28 : i32
      %dma_wait3A_29 = tpu.memref_slice %arg5[%add3A] : memref<4608000xf32, #tpu.memory_space<hbm>> -> memref<12000xf32, #tpu.memory_space<hbm>>
      %dma_wait3A_30 = tpu.memref_slice %arg5[%add3A] : memref<4608000xf32, #tpu.memory_space<hbm>> -> memref<12000xf32, #tpu.memory_space<hbm>>
      tpu.wait_dma2 semaphore(%arg11 : memref<!tpu.dma_semaphore, #tpu.memory_space<semaphore_mem>>) src(%arg7 : memref<12000xf32, #tpu.memory_space<vmem>>) dst(%dma_wait3A_30 : memref<12000xf32, #tpu.memory_space<hbm>>)
      %mul3A_31 = arith.constant 12000 : i32
      %mul3A_32 = arith.muli %scan3A_26, %mul3A_31 : i32
      %add3A_33 = arith.addi %mul3A_5, %mul3A_32 : i32
      %dma_wait3A_34 = tpu.memref_slice %arg6[%add3A_33] : memref<4608000xf32, #tpu.memory_space<hbm>> -> memref<12000xf32, #tpu.memory_space<hbm>>
      %dma_wait3A_35 = tpu.memref_slice %arg6[%add3A_33] : memref<4608000xf32, #tpu.memory_space<hbm>> -> memref<12000xf32, #tpu.memory_space<hbm>>
      tpu.wait_dma2 semaphore(%arg11 : memref<!tpu.dma_semaphore, #tpu.memory_space<semaphore_mem>>) src(%arg7 : memref<12000xf32, #tpu.memory_space<vmem>>) dst(%dma_wait3A_35 : memref<12000xf32, #tpu.memory_space<hbm>>)
    }
    %scan3A_17 = arith.constant 24 : i32
    %barrier3A = arith.constant 0 : index
    tpu.barrier barrier_id(%barrier3A)
    %mul3A_18 = arith.constant 6400 : i32
    %mul3A_19 = arith.muli %arg1, %mul3A_18 : i32
    "tpu.region"() ({
      %run_scoped3A = tpu.sem_alloc : memref<!tpu.dma_semaphore, #tpu.memory_space<semaphore_mem>>
      %dma_start3A_26 = tpu.memref_slice %arg2[%mul3A_19] : memref<102400xi32, #tpu.memory_space<hbm>> -> memref<6400xi32, #tpu.memory_space<hbm>>
      %dma_start3A_27 = tpu.memref_slice %arg2[%mul3A_19] : memref<102400xi32, #tpu.memory_space<hbm>> -> memref<6400xi32, #tpu.memory_space<hbm>>
      tpu.enqueue_dma source(%dma_start3A_27 : memref<6400xi32, #tpu.memory_space<hbm>>) target(%arg8 : memref<6400xi32, #tpu.memory_space<vmem>>) target_semaphore(%run_scoped3A : memref<!tpu.dma_semaphore, #tpu.memory_space<semaphore_mem>>)
      %dma_wait3A_28 = tpu.memref_slice %arg2[%mul3A_19] : memref<102400xi32, #tpu.memory_space<hbm>> -> memref<6400xi32, #tpu.memory_space<hbm>>
      %dma_wait3A_29 = tpu.memref_slice %arg2[%mul3A_19] : memref<102400xi32, #tpu.memory_space<hbm>> -> memref<6400xi32, #tpu.memory_space<hbm>>
      tpu.wait_dma2 semaphore(%run_scoped3A : memref<!tpu.dma_semaphore, #tpu.memory_space<semaphore_mem>>) src(%dma_wait3A_29 : memref<6400xi32, #tpu.memory_space<hbm>>) dst(%arg8 : memref<6400xi32, #tpu.memory_space<vmem>>)
      tpu.yield
    }) : () -> ()
    "tpu.region"() ({
      %run_scoped3A = tpu.sem_alloc : memref<!tpu.dma_semaphore, #tpu.memory_space<semaphore_mem>>
      %dma_start3A_26 = tpu.memref_slice %arg3[%mul3A_19] : memref<102400xf32, #tpu.memory_space<hbm>> -> memref<6400xf32, #tpu.memory_space<hbm>>
      %dma_start3A_27 = tpu.memref_slice %arg3[%mul3A_19] : memref<102400xf32, #tpu.memory_space<hbm>> -> memref<6400xf32, #tpu.memory_space<hbm>>
      tpu.enqueue_dma source(%dma_start3A_27 : memref<6400xf32, #tpu.memory_space<hbm>>) target(%arg9 : memref<6400xf32, #tpu.memory_space<vmem>>) target_semaphore(%run_scoped3A : memref<!tpu.dma_semaphore, #tpu.memory_space<semaphore_mem>>)
      %dma_wait3A_28 = tpu.memref_slice %arg3[%mul3A_19] : memref<102400xf32, #tpu.memory_space<hbm>> -> memref<6400xf32, #tpu.memory_space<hbm>>
      %dma_wait3A_29 = tpu.memref_slice %arg3[%mul3A_19] : memref<102400xf32, #tpu.memory_space<hbm>> -> memref<6400xf32, #tpu.memory_space<hbm>>
      tpu.wait_dma2 semaphore(%run_scoped3A : memref<!tpu.dma_semaphore, #tpu.memory_space<semaphore_mem>>) src(%dma_wait3A_29 : memref<6400xf32, #tpu.memory_space<hbm>>) dst(%arg9 : memref<6400xf32, #tpu.memory_space<vmem>>)
      tpu.yield
    }) : () -> ()
    "tpu.region"() ({
      %run_scoped3A = tpu.sem_alloc : memref<!tpu.dma_semaphore, #tpu.memory_space<semaphore_mem>>
      %dma_start3A_26 = tpu.memref_slice %arg4[%mul3A_19] : memref<102400xf32, #tpu.memory_space<hbm>> -> memref<6400xf32, #tpu.memory_space<hbm>>
      %dma_start3A_27 = tpu.memref_slice %arg4[%mul3A_19] : memref<102400xf32, #tpu.memory_space<hbm>> -> memref<6400xf32, #tpu.memory_space<hbm>>
      tpu.enqueue_dma source(%dma_start3A_27 : memref<6400xf32, #tpu.memory_space<hbm>>) target(%arg10 : memref<6400xf32, #tpu.memory_space<vmem>>) target_semaphore(%run_scoped3A : memref<!tpu.dma_semaphore, #tpu.memory_space<semaphore_mem>>)
      %dma_wait3A_28 = tpu.memref_slice %arg4[%mul3A_19] : memref<102400xf32, #tpu.memory_space<hbm>> -> memref<6400xf32, #tpu.memory_space<hbm>>
      %dma_wait3A_29 = tpu.memref_slice %arg4[%mul3A_19] : memref<102400xf32, #tpu.memory_space<hbm>> -> memref<6400xf32, #tpu.memory_space<hbm>>
      tpu.wait_dma2 semaphore(%run_scoped3A : memref<!tpu.dma_semaphore, #tpu.memory_space<semaphore_mem>>) src(%dma_wait3A_29 : memref<6400xf32, #tpu.memory_space<hbm>>) dst(%arg10 : memref<6400xf32, #tpu.memory_space<vmem>>)
      tpu.yield
    }) : () -> ()
    %dma_start3A = arith.constant 0 : i32
    %dma_start3A_20 = tpu.memref_slice %arg5[%dma_start3A] : memref<4608000xf32, #tpu.memory_space<hbm>> -> memref<4608000xf32, #tpu.memory_space<hbm>>
    tpu.enqueue_indirect_dma source(%arg9 : memref<6400xf32, #tpu.memory_space<vmem>>) target(%dma_start3A_20 : memref<4608000xf32, #tpu.memory_space<hbm>>) offsets(%arg8 : memref<6400xi32, #tpu.memory_space<vmem>>) semaphore(%arg11 : memref<!tpu.dma_semaphore, #tpu.memory_space<semaphore_mem>>)
    %dma_start3A_21 = arith.constant 0 : i32
    %dma_start3A_22 = tpu.memref_slice %arg6[%dma_start3A_21] : memref<4608000xf32, #tpu.memory_space<hbm>> -> memref<4608000xf32, #tpu.memory_space<hbm>>
    tpu.enqueue_indirect_dma source(%arg10 : memref<6400xf32, #tpu.memory_space<vmem>>) target(%dma_start3A_22 : memref<4608000xf32, #tpu.memory_space<hbm>>) offsets(%arg8 : memref<6400xi32, #tpu.memory_space<vmem>>) semaphore(%arg11 : memref<!tpu.dma_semaphore, #tpu.memory_space<semaphore_mem>>)
    %dma_wait3A = arith.constant 0 : i32
    %dma_wait3A_23 = tpu.memref_slice %arg5[%dma_wait3A] : memref<4608000xf32, #tpu.memory_space<hbm>> -> memref<4608000xf32, #tpu.memory_space<hbm>>
    tpu.wait_indirect_dma semaphore(%arg11 : memref<!tpu.dma_semaphore, #tpu.memory_space<semaphore_mem>>) src(%arg9 : memref<6400xf32, #tpu.memory_space<vmem>>) dst(%dma_wait3A_23 : memref<4608000xf32, #tpu.memory_space<hbm>>)
    %dma_wait3A_24 = arith.constant 0 : i32
    %dma_wait3A_25 = tpu.memref_slice %arg6[%dma_wait3A_24] : memref<4608000xf32, #tpu.memory_space<hbm>> -> memref<4608000xf32, #tpu.memory_space<hbm>>
    tpu.wait_indirect_dma semaphore(%arg11 : memref<!tpu.dma_semaphore, #tpu.memory_space<semaphore_mem>>) src(%arg10 : memref<6400xf32, #tpu.memory_space<vmem>>) dst(%dma_wait3A_25 : memref<4608000xf32, #tpu.memory_space<hbm>>)
    return
  }
}

#map = affine_map<(d0, d1) -> (0)>
#map1 = affine_map<(d0, d1) -> (0, 0)>
module attributes {stable_mosaic.version = 14 : i64} {
  func.func @_gather_body(%arg0: i32, %arg1: i32, %arg2: memref<4608000xf32, #tpu.memory_space<hbm>>, %arg3: memref<4608000xf32, #tpu.memory_space<hbm>>, %arg4: memref<102400xi32, #tpu.memory_space<hbm>>, %arg5: memref<128x16xf32, #tpu.memory_space<hbm>>, %arg6: memref<128x16xf32, #tpu.memory_space<hbm>>, %arg7: memref<102400xf32, #tpu.memory_space<hbm>>, %arg8: memref<3200xi32, #tpu.memory_space<vmem>>, %arg9: memref<3200xi32, #tpu.memory_space<vmem>>, %arg10: memref<3200xi32, #tpu.memory_space<vmem>>, %arg11: memref<3200xf32, #tpu.memory_space<vmem>>, %arg12: memref<3200xf32, #tpu.memory_space<vmem>>, %arg13: memref<3200xf32, #tpu.memory_space<vmem>>, %arg14: memref<3200xf32, #tpu.memory_space<vmem>>, %arg15: memref<3200xf32, #tpu.memory_space<vmem>>, %arg16: memref<128x16xf32, #tpu.memory_space<vmem>>, %arg17: memref<128x16xf32, #tpu.memory_space<vmem>>, %arg18: memref<!tpu.dma_semaphore, #tpu.memory_space<semaphore_mem>>, %arg19: memref<!tpu.dma_semaphore, #tpu.memory_space<semaphore_mem>>) attributes {dimension_semantics = [#tpu.dimension_semantics<core_parallel>, #tpu.dimension_semantics<subcore_parallel>], iteration_bounds = array<i64: 2, 16>, scalar_prefetch = 0 : i64, scratch_operands = 12 : i64, tpu.core_type = #tpu.core_type<sc_vector_subcore>, window_params = [{transform_indices = #map}, {transform_indices = #map}, {transform_indices = #map}, {transform_indices = #map1}, {transform_indices = #map1}, {transform_indices = #map}]} {
    %mul3A = arith.constant 2 : i32
    %mul3A_0 = arith.muli %arg1, %mul3A : i32
    %add3A = arith.addi %mul3A_0, %arg0 : i32
    %mul3A_1 = arith.constant 3200 : i32
    %mul3A_2 = arith.muli %add3A, %mul3A_1 : i32
    "tpu.region"() ({
      %run_scoped3A = tpu.sem_alloc : memref<!tpu.dma_semaphore, #tpu.memory_space<semaphore_mem>>
      %dma_start3A_211 = tpu.memref_slice %arg4[%mul3A_2] : memref<102400xi32, #tpu.memory_space<hbm>> -> memref<3200xi32, #tpu.memory_space<hbm>>
      %dma_start3A_212 = tpu.memref_slice %arg4[%mul3A_2] : memref<102400xi32, #tpu.memory_space<hbm>> -> memref<3200xi32, #tpu.memory_space<hbm>>
      tpu.enqueue_dma source(%dma_start3A_212 : memref<3200xi32, #tpu.memory_space<hbm>>) target(%arg8 : memref<3200xi32, #tpu.memory_space<vmem>>) target_semaphore(%run_scoped3A : memref<!tpu.dma_semaphore, #tpu.memory_space<semaphore_mem>>)
      %dma_wait3A = tpu.memref_slice %arg4[%mul3A_2] : memref<102400xi32, #tpu.memory_space<hbm>> -> memref<3200xi32, #tpu.memory_space<hbm>>
      %dma_wait3A_213 = tpu.memref_slice %arg4[%mul3A_2] : memref<102400xi32, #tpu.memory_space<hbm>> -> memref<3200xi32, #tpu.memory_space<hbm>>
      tpu.wait_dma2 semaphore(%run_scoped3A : memref<!tpu.dma_semaphore, #tpu.memory_space<semaphore_mem>>) src(%dma_wait3A_213 : memref<3200xi32, #tpu.memory_space<hbm>>) dst(%arg8 : memref<3200xi32, #tpu.memory_space<vmem>>)
      tpu.yield
    }) : () -> ()
    "tpu.region"() ({
      %run_scoped3A = tpu.sem_alloc : memref<!tpu.dma_semaphore, #tpu.memory_space<semaphore_mem>>
      tpu.enqueue_dma source(%arg5 : memref<128x16xf32, #tpu.memory_space<hbm>>) target(%arg16 : memref<128x16xf32, #tpu.memory_space<vmem>>) target_semaphore(%run_scoped3A : memref<!tpu.dma_semaphore, #tpu.memory_space<semaphore_mem>>)
      tpu.wait_dma2 semaphore(%run_scoped3A : memref<!tpu.dma_semaphore, #tpu.memory_space<semaphore_mem>>) src(%arg5 : memref<128x16xf32, #tpu.memory_space<hbm>>) dst(%arg16 : memref<128x16xf32, #tpu.memory_space<vmem>>)
      tpu.yield
    }) : () -> ()
    "tpu.region"() ({
      %run_scoped3A = tpu.sem_alloc : memref<!tpu.dma_semaphore, #tpu.memory_space<semaphore_mem>>
      tpu.enqueue_dma source(%arg6 : memref<128x16xf32, #tpu.memory_space<hbm>>) target(%arg17 : memref<128x16xf32, #tpu.memory_space<vmem>>) target_semaphore(%run_scoped3A : memref<!tpu.dma_semaphore, #tpu.memory_space<semaphore_mem>>)
      tpu.wait_dma2 semaphore(%run_scoped3A : memref<!tpu.dma_semaphore, #tpu.memory_space<semaphore_mem>>) src(%arg6 : memref<128x16xf32, #tpu.memory_space<hbm>>) dst(%arg17 : memref<128x16xf32, #tpu.memory_space<vmem>>)
      tpu.yield
    }) : () -> ()
    %scan3A = arith.constant 0 : i32
    %scan3A_3 = arith.constant 0 : i32
    %scan3A_4 = arith.constant 200 : i32
    %scan3A_5 = arith.addi %scan3A_3, %scan3A_4 : i32
    %scan3A_6 = arith.constant 1 : i32
    scf.for %scan3A_211 = %scan3A_3 to %scan3A_5 step %scan3A_6  : i32 {
      %broadcast_in_dim3A = arith.constant 0.000000e+00 : f32
      %broadcast_in_dim3A_212 = vector.broadcast %broadcast_in_dim3A : f32 to vector<16xf32>
      %mul3A_213 = arith.constant 16 : i32
      %mul3A_214 = arith.muli %mul3A_213, %scan3A_211 : i32
      %swap3A = arith.index_cast %mul3A_214 : i32 to index
      %swap3A_215 = tpu.vector_load %arg15[%swap3A] {strides = array<i32>} : memref<3200xf32, #tpu.memory_space<vmem>>, vector<16xf32>,
      %swap3A_216 = vector.shape_cast %swap3A_215 : vector<16xf32> to vector<16xf32>
      %swap3A_217 = vector.shape_cast %broadcast_in_dim3A_212 : vector<16xf32> to vector<16xf32>
      tpu.vector_store %arg15[%swap3A], %swap3A_217 {strides = array<i32>} : memref<3200xf32, #tpu.memory_space<vmem>>, vector<16xf32>,
    }
    %scan3A_7 = arith.constant 200 : i32
    %scan3A_8 = arith.constant 0 : i32
    %scan3A_9 = arith.constant 0 : i32
    %scan3A_10 = arith.constant 200 : i32
    %scan3A_11 = arith.addi %scan3A_9, %scan3A_10 : i32
    %scan3A_12 = arith.constant 1 : i32
    scf.for %scan3A_211 = %scan3A_9 to %scan3A_11 step %scan3A_12  : i32 {
      %mul3A_212 = arith.constant 16 : i32
      %mul3A_213 = arith.muli %mul3A_212, %scan3A_211 : i32
      %get3A = arith.index_cast %mul3A_213 : i32 to index
      %get3A_214 = tpu.vector_load %arg8[%get3A] {strides = array<i32>} : memref<3200xi32, #tpu.memory_space<vmem>>, vector<16xi32>,
      %get3A_215 = vector.shape_cast %get3A_214 : vector<16xi32> to vector<16xi32>
      %add3A_216 = arith.constant -35114 : i32
      %add3A_217 = vector.broadcast %add3A_216 : i32 to vector<16xi32>
      %add3A_218 = arith.addi %get3A_215, %add3A_217 : vector<16xi32>
      %swap3A = arith.index_cast %mul3A_213 : i32 to index
      %swap3A_219 = tpu.vector_load %arg9[%swap3A] {strides = array<i32>} : memref<3200xi32, #tpu.memory_space<vmem>>, vector<16xi32>,
      %swap3A_220 = vector.shape_cast %swap3A_219 : vector<16xi32> to vector<16xi32>
      %swap3A_221 = vector.shape_cast %add3A_218 : vector<16xi32> to vector<16xi32>
      tpu.vector_store %arg9[%swap3A], %swap3A_221 {strides = array<i32>} : memref<3200xi32, #tpu.memory_space<vmem>>, vector<16xi32>,
    }
    %scan3A_13 = arith.constant 200 : i32
    %dma_start3A = arith.constant 0 : i32
    %dma_start3A_14 = tpu.memref_slice %arg11[%dma_start3A] : memref<3200xf32, #tpu.memory_space<vmem>> -> memref<200xf32, #tpu.memory_space<vmem>>
    %dma_start3A_15 = arith.constant 0 : i32
    %dma_start3A_16 = tpu.memref_slice %arg9[%dma_start3A_15] : memref<3200xi32, #tpu.memory_space<vmem>> -> memref<200xi32, #tpu.memory_space<vmem>>
    %dma_start3A_17 = arith.constant 0 : i32
    %dma_start3A_18 = tpu.memref_slice %arg2[%dma_start3A_17] : memref<4608000xf32, #tpu.memory_space<hbm>> -> memref<4608000xf32, #tpu.memory_space<hbm>>
    tpu.enqueue_indirect_dma source(%dma_start3A_18 : memref<4608000xf32, #tpu.memory_space<hbm>>) target(%dma_start3A_14 : memref<200xf32, #tpu.memory_space<vmem>>) offsets(%dma_start3A_16 : memref<200xi32, #tpu.memory_space<vmem>>) semaphore(%arg18 : memref<!tpu.dma_semaphore, #tpu.memory_space<semaphore_mem>>)
    %dma_start3A_19 = arith.constant 0 : i32
    %dma_start3A_20 = tpu.memref_slice %arg12[%dma_start3A_19] : memref<3200xf32, #tpu.memory_space<vmem>> -> memref<200xf32, #tpu.memory_space<vmem>>
    %dma_start3A_21 = arith.constant 0 : i32
    %dma_start3A_22 = tpu.memref_slice %arg9[%dma_start3A_21] : memref<3200xi32, #tpu.memory_space<vmem>> -> memref<200xi32, #tpu.memory_space<vmem>>
    %dma_start3A_23 = arith.constant 0 : i32
    %dma_start3A_24 = tpu.memref_slice %arg3[%dma_start3A_23] : memref<4608000xf32, #tpu.memory_space<hbm>> -> memref<4608000xf32, #tpu.memory_space<hbm>>
    tpu.enqueue_indirect_dma source(%dma_start3A_24 : memref<4608000xf32, #tpu.memory_space<hbm>>) target(%dma_start3A_20 : memref<200xf32, #tpu.memory_space<vmem>>) offsets(%dma_start3A_22 : memref<200xi32, #tpu.memory_space<vmem>>) semaphore(%arg18 : memref<!tpu.dma_semaphore, #tpu.memory_space<semaphore_mem>>)
    %dma_start3A_25 = arith.constant 200 : i32
    %dma_start3A_26 = tpu.memref_slice %arg11[%dma_start3A_25] : memref<3200xf32, #tpu.memory_space<vmem>> -> memref<200xf32, #tpu.memory_space<vmem>>
    %dma_start3A_27 = arith.constant 200 : i32
    %dma_start3A_28 = tpu.memref_slice %arg9[%dma_start3A_27] : memref<3200xi32, #tpu.memory_space<vmem>> -> memref<200xi32, #tpu.memory_space<vmem>>
    %dma_start3A_29 = arith.constant 0 : i32
    %dma_start3A_30 = tpu.memref_slice %arg2[%dma_start3A_29] : memref<4608000xf32, #tpu.memory_space<hbm>> -> memref<4608000xf32, #tpu.memory_space<hbm>>
    tpu.enqueue_indirect_dma source(%dma_start3A_30 : memref<4608000xf32, #tpu.memory_space<hbm>>) target(%dma_start3A_26 : memref<200xf32, #tpu.memory_space<vmem>>) offsets(%dma_start3A_28 : memref<200xi32, #tpu.memory_space<vmem>>) semaphore(%arg18 : memref<!tpu.dma_semaphore, #tpu.memory_space<semaphore_mem>>)
    %dma_start3A_31 = arith.constant 200 : i32
    %dma_start3A_32 = tpu.memref_slice %arg12[%dma_start3A_31] : memref<3200xf32, #tpu.memory_space<vmem>> -> memref<200xf32, #tpu.memory_space<vmem>>
    %dma_start3A_33 = arith.constant 200 : i32
    %dma_start3A_34 = tpu.memref_slice %arg9[%dma_start3A_33] : memref<3200xi32, #tpu.memory_space<vmem>> -> memref<200xi32, #tpu.memory_space<vmem>>
    %dma_start3A_35 = arith.constant 0 : i32
    %dma_start3A_36 = tpu.memref_slice %arg3[%dma_start3A_35] : memref<4608000xf32, #tpu.memory_space<hbm>> -> memref<4608000xf32, #tpu.memory_space<hbm>>
    tpu.enqueue_indirect_dma source(%dma_start3A_36 : memref<4608000xf32, #tpu.memory_space<hbm>>) target(%dma_start3A_32 : memref<200xf32, #tpu.memory_space<vmem>>) offsets(%dma_start3A_34 : memref<200xi32, #tpu.memory_space<vmem>>) semaphore(%arg18 : memref<!tpu.dma_semaphore, #tpu.memory_space<semaphore_mem>>)
    %dma_start3A_37 = arith.constant 400 : i32
    %dma_start3A_38 = tpu.memref_slice %arg11[%dma_start3A_37] : memref<3200xf32, #tpu.memory_space<vmem>> -> memref<200xf32, #tpu.memory_space<vmem>>
    %dma_start3A_39 = arith.constant 400 : i32
    %dma_start3A_40 = tpu.memref_slice %arg9[%dma_start3A_39] : memref<3200xi32, #tpu.memory_space<vmem>> -> memref<200xi32, #tpu.memory_space<vmem>>
    %dma_start3A_41 = arith.constant 0 : i32
    %dma_start3A_42 = tpu.memref_slice %arg2[%dma_start3A_41] : memref<4608000xf32, #tpu.memory_space<hbm>> -> memref<4608000xf32, #tpu.memory_space<hbm>>
    tpu.enqueue_indirect_dma source(%dma_start3A_42 : memref<4608000xf32, #tpu.memory_space<hbm>>) target(%dma_start3A_38 : memref<200xf32, #tpu.memory_space<vmem>>) offsets(%dma_start3A_40 : memref<200xi32, #tpu.memory_space<vmem>>) semaphore(%arg18 : memref<!tpu.dma_semaphore, #tpu.memory_space<semaphore_mem>>)
    %dma_start3A_43 = arith.constant 400 : i32
    %dma_start3A_44 = tpu.memref_slice %arg12[%dma_start3A_43] : memref<3200xf32, #tpu.memory_space<vmem>> -> memref<200xf32, #tpu.memory_space<vmem>>
    %dma_start3A_45 = arith.constant 400 : i32
    %dma_start3A_46 = tpu.memref_slice %arg9[%dma_start3A_45] : memref<3200xi32, #tpu.memory_space<vmem>> -> memref<200xi32, #tpu.memory_space<vmem>>
    %dma_start3A_47 = arith.constant 0 : i32
    %dma_start3A_48 = tpu.memref_slice %arg3[%dma_start3A_47] : memref<4608000xf32, #tpu.memory_space<hbm>> -> memref<4608000xf32, #tpu.memory_space<hbm>>
    tpu.enqueue_indirect_dma source(%dma_start3A_48 : memref<4608000xf32, #tpu.memory_space<hbm>>) target(%dma_start3A_44 : memref<200xf32, #tpu.memory_space<vmem>>) offsets(%dma_start3A_46 : memref<200xi32, #tpu.memory_space<vmem>>) semaphore(%arg18 : memref<!tpu.dma_semaphore, #tpu.memory_space<semaphore_mem>>)
    %dma_start3A_49 = arith.constant 600 : i32
    %dma_start3A_50 = tpu.memref_slice %arg11[%dma_start3A_49] : memref<3200xf32, #tpu.memory_space<vmem>> -> memref<200xf32, #tpu.memory_space<vmem>>
    %dma_start3A_51 = arith.constant 600 : i32
    %dma_start3A_52 = tpu.memref_slice %arg9[%dma_start3A_51] : memref<3200xi32, #tpu.memory_space<vmem>> -> memref<200xi32, #tpu.memory_space<vmem>>
    %dma_start3A_53 = arith.constant 0 : i32
    %dma_start3A_54 = tpu.memref_slice %arg2[%dma_start3A_53] : memref<4608000xf32, #tpu.memory_space<hbm>> -> memref<4608000xf32, #tpu.memory_space<hbm>>
    tpu.enqueue_indirect_dma source(%dma_start3A_54 : memref<4608000xf32, #tpu.memory_space<hbm>>) target(%dma_start3A_50 : memref<200xf32, #tpu.memory_space<vmem>>) offsets(%dma_start3A_52 : memref<200xi32, #tpu.memory_space<vmem>>) semaphore(%arg18 : memref<!tpu.dma_semaphore, #tpu.memory_space<semaphore_mem>>)
    %dma_start3A_55 = arith.constant 600 : i32
    %dma_start3A_56 = tpu.memref_slice %arg12[%dma_start3A_55] : memref<3200xf32, #tpu.memory_space<vmem>> -> memref<200xf32, #tpu.memory_space<vmem>>
    %dma_start3A_57 = arith.constant 600 : i32
    %dma_start3A_58 = tpu.memref_slice %arg9[%dma_start3A_57] : memref<3200xi32, #tpu.memory_space<vmem>> -> memref<200xi32, #tpu.memory_space<vmem>>
    %dma_start3A_59 = arith.constant 0 : i32
    %dma_start3A_60 = tpu.memref_slice %arg3[%dma_start3A_59] : memref<4608000xf32, #tpu.memory_space<hbm>> -> memref<4608000xf32, #tpu.memory_space<hbm>>
    tpu.enqueue_indirect_dma source(%dma_start3A_60 : memref<4608000xf32, #tpu.memory_space<hbm>>) target(%dma_start3A_56 : memref<200xf32, #tpu.memory_space<vmem>>) offsets(%dma_start3A_58 : memref<200xi32, #tpu.memory_space<vmem>>) semaphore(%arg18 : memref<!tpu.dma_semaphore, #tpu.memory_space<semaphore_mem>>)
    %dma_start3A_61 = arith.constant 800 : i32
    %dma_start3A_62 = tpu.memref_slice %arg11[%dma_start3A_61] : memref<3200xf32, #tpu.memory_space<vmem>> -> memref<200xf32, #tpu.memory_space<vmem>>
    %dma_start3A_63 = arith.constant 800 : i32
    %dma_start3A_64 = tpu.memref_slice %arg9[%dma_start3A_63] : memref<3200xi32, #tpu.memory_space<vmem>> -> memref<200xi32, #tpu.memory_space<vmem>>
    %dma_start3A_65 = arith.constant 0 : i32
    %dma_start3A_66 = tpu.memref_slice %arg2[%dma_start3A_65] : memref<4608000xf32, #tpu.memory_space<hbm>> -> memref<4608000xf32, #tpu.memory_space<hbm>>
    tpu.enqueue_indirect_dma source(%dma_start3A_66 : memref<4608000xf32, #tpu.memory_space<hbm>>) target(%dma_start3A_62 : memref<200xf32, #tpu.memory_space<vmem>>) offsets(%dma_start3A_64 : memref<200xi32, #tpu.memory_space<vmem>>) semaphore(%arg18 : memref<!tpu.dma_semaphore, #tpu.memory_space<semaphore_mem>>)
    %dma_start3A_67 = arith.constant 800 : i32
    %dma_start3A_68 = tpu.memref_slice %arg12[%dma_start3A_67] : memref<3200xf32, #tpu.memory_space<vmem>> -> memref<200xf32, #tpu.memory_space<vmem>>
    %dma_start3A_69 = arith.constant 800 : i32
    %dma_start3A_70 = tpu.memref_slice %arg9[%dma_start3A_69] : memref<3200xi32, #tpu.memory_space<vmem>> -> memref<200xi32, #tpu.memory_space<vmem>>
    %dma_start3A_71 = arith.constant 0 : i32
    %dma_start3A_72 = tpu.memref_slice %arg3[%dma_start3A_71] : memref<4608000xf32, #tpu.memory_space<hbm>> -> memref<4608000xf32, #tpu.memory_space<hbm>>
    tpu.enqueue_indirect_dma source(%dma_start3A_72 : memref<4608000xf32, #tpu.memory_space<hbm>>) target(%dma_start3A_68 : memref<200xf32, #tpu.memory_space<vmem>>) offsets(%dma_start3A_70 : memref<200xi32, #tpu.memory_space<vmem>>) semaphore(%arg18 : memref<!tpu.dma_semaphore, #tpu.memory_space<semaphore_mem>>)
    %dma_start3A_73 = arith.constant 1000 : i32
    %dma_start3A_74 = tpu.memref_slice %arg11[%dma_start3A_73] : memref<3200xf32, #tpu.memory_space<vmem>> -> memref<200xf32, #tpu.memory_space<vmem>>
    %dma_start3A_75 = arith.constant 1000 : i32
    %dma_start3A_76 = tpu.memref_slice %arg9[%dma_start3A_75] : memref<3200xi32, #tpu.memory_space<vmem>> -> memref<200xi32, #tpu.memory_space<vmem>>
    %dma_start3A_77 = arith.constant 0 : i32
    %dma_start3A_78 = tpu.memref_slice %arg2[%dma_start3A_77] : memref<4608000xf32, #tpu.memory_space<hbm>> -> memref<4608000xf32, #tpu.memory_space<hbm>>
    tpu.enqueue_indirect_dma source(%dma_start3A_78 : memref<4608000xf32, #tpu.memory_space<hbm>>) target(%dma_start3A_74 : memref<200xf32, #tpu.memory_space<vmem>>) offsets(%dma_start3A_76 : memref<200xi32, #tpu.memory_space<vmem>>) semaphore(%arg18 : memref<!tpu.dma_semaphore, #tpu.memory_space<semaphore_mem>>)
    %dma_start3A_79 = arith.constant 1000 : i32
    %dma_start3A_80 = tpu.memref_slice %arg12[%dma_start3A_79] : memref<3200xf32, #tpu.memory_space<vmem>> -> memref<200xf32, #tpu.memory_space<vmem>>
    %dma_start3A_81 = arith.constant 1000 : i32
    %dma_start3A_82 = tpu.memref_slice %arg9[%dma_start3A_81] : memref<3200xi32, #tpu.memory_space<vmem>> -> memref<200xi32, #tpu.memory_space<vmem>>
    %dma_start3A_83 = arith.constant 0 : i32
    %dma_start3A_84 = tpu.memref_slice %arg3[%dma_start3A_83] : memref<4608000xf32, #tpu.memory_space<hbm>> -> memref<4608000xf32, #tpu.memory_space<hbm>>
    tpu.enqueue_indirect_dma source(%dma_start3A_84 : memref<4608000xf32, #tpu.memory_space<hbm>>) target(%dma_start3A_80 : memref<200xf32, #tpu.memory_space<vmem>>) offsets(%dma_start3A_82 : memref<200xi32, #tpu.memory_space<vmem>>) semaphore(%arg18 : memref<!tpu.dma_semaphore, #tpu.memory_space<semaphore_mem>>)
    %dma_start3A_85 = arith.constant 1200 : i32
    %dma_start3A_86 = tpu.memref_slice %arg11[%dma_start3A_85] : memref<3200xf32, #tpu.memory_space<vmem>> -> memref<200xf32, #tpu.memory_space<vmem>>
    %dma_start3A_87 = arith.constant 1200 : i32
    %dma_start3A_88 = tpu.memref_slice %arg9[%dma_start3A_87] : memref<3200xi32, #tpu.memory_space<vmem>> -> memref<200xi32, #tpu.memory_space<vmem>>
    %dma_start3A_89 = arith.constant 0 : i32
    %dma_start3A_90 = tpu.memref_slice %arg2[%dma_start3A_89] : memref<4608000xf32, #tpu.memory_space<hbm>> -> memref<4608000xf32, #tpu.memory_space<hbm>>
    tpu.enqueue_indirect_dma source(%dma_start3A_90 : memref<4608000xf32, #tpu.memory_space<hbm>>) target(%dma_start3A_86 : memref<200xf32, #tpu.memory_space<vmem>>) offsets(%dma_start3A_88 : memref<200xi32, #tpu.memory_space<vmem>>) semaphore(%arg18 : memref<!tpu.dma_semaphore, #tpu.memory_space<semaphore_mem>>)
    %dma_start3A_91 = arith.constant 1200 : i32
    %dma_start3A_92 = tpu.memref_slice %arg12[%dma_start3A_91] : memref<3200xf32, #tpu.memory_space<vmem>> -> memref<200xf32, #tpu.memory_space<vmem>>
    %dma_start3A_93 = arith.constant 1200 : i32
    %dma_start3A_94 = tpu.memref_slice %arg9[%dma_start3A_93] : memref<3200xi32, #tpu.memory_space<vmem>> -> memref<200xi32, #tpu.memory_space<vmem>>
    %dma_start3A_95 = arith.constant 0 : i32
    %dma_start3A_96 = tpu.memref_slice %arg3[%dma_start3A_95] : memref<4608000xf32, #tpu.memory_space<hbm>> -> memref<4608000xf32, #tpu.memory_space<hbm>>
    tpu.enqueue_indirect_dma source(%dma_start3A_96 : memref<4608000xf32, #tpu.memory_space<hbm>>) target(%dma_start3A_92 : memref<200xf32, #tpu.memory_space<vmem>>) offsets(%dma_start3A_94 : memref<200xi32, #tpu.memory_space<vmem>>) semaphore(%arg18 : memref<!tpu.dma_semaphore, #tpu.memory_space<semaphore_mem>>)
    %dma_start3A_97 = arith.constant 1400 : i32
    %dma_start3A_98 = tpu.memref_slice %arg11[%dma_start3A_97] : memref<3200xf32, #tpu.memory_space<vmem>> -> memref<200xf32, #tpu.memory_space<vmem>>
    %dma_start3A_99 = arith.constant 1400 : i32
    %dma_start3A_100 = tpu.memref_slice %arg9[%dma_start3A_99] : memref<3200xi32, #tpu.memory_space<vmem>> -> memref<200xi32, #tpu.memory_space<vmem>>
    %dma_start3A_101 = arith.constant 0 : i32
    %dma_start3A_102 = tpu.memref_slice %arg2[%dma_start3A_101] : memref<4608000xf32, #tpu.memory_space<hbm>> -> memref<4608000xf32, #tpu.memory_space<hbm>>
    tpu.enqueue_indirect_dma source(%dma_start3A_102 : memref<4608000xf32, #tpu.memory_space<hbm>>) target(%dma_start3A_98 : memref<200xf32, #tpu.memory_space<vmem>>) offsets(%dma_start3A_100 : memref<200xi32, #tpu.memory_space<vmem>>) semaphore(%arg18 : memref<!tpu.dma_semaphore, #tpu.memory_space<semaphore_mem>>)
    %dma_start3A_103 = arith.constant 1400 : i32
    %dma_start3A_104 = tpu.memref_slice %arg12[%dma_start3A_103] : memref<3200xf32, #tpu.memory_space<vmem>> -> memref<200xf32, #tpu.memory_space<vmem>>
    %dma_start3A_105 = arith.constant 1400 : i32
    %dma_start3A_106 = tpu.memref_slice %arg9[%dma_start3A_105] : memref<3200xi32, #tpu.memory_space<vmem>> -> memref<200xi32, #tpu.memory_space<vmem>>
    %dma_start3A_107 = arith.constant 0 : i32
    %dma_start3A_108 = tpu.memref_slice %arg3[%dma_start3A_107] : memref<4608000xf32, #tpu.memory_space<hbm>> -> memref<4608000xf32, #tpu.memory_space<hbm>>
    tpu.enqueue_indirect_dma source(%dma_start3A_108 : memref<4608000xf32, #tpu.memory_space<hbm>>) target(%dma_start3A_104 : memref<200xf32, #tpu.memory_space<vmem>>) offsets(%dma_start3A_106 : memref<200xi32, #tpu.memory_space<vmem>>) semaphore(%arg18 : memref<!tpu.dma_semaphore, #tpu.memory_space<semaphore_mem>>)
    %dma_start3A_109 = arith.constant 1600 : i32
    %dma_start3A_110 = tpu.memref_slice %arg11[%dma_start3A_109] : memref<3200xf32, #tpu.memory_space<vmem>> -> memref<200xf32, #tpu.memory_space<vmem>>
    %dma_start3A_111 = arith.constant 1600 : i32
    %dma_start3A_112 = tpu.memref_slice %arg9[%dma_start3A_111] : memref<3200xi32, #tpu.memory_space<vmem>> -> memref<200xi32, #tpu.memory_space<vmem>>
    %dma_start3A_113 = arith.constant 0 : i32
    %dma_start3A_114 = tpu.memref_slice %arg2[%dma_start3A_113] : memref<4608000xf32, #tpu.memory_space<hbm>> -> memref<4608000xf32, #tpu.memory_space<hbm>>
    tpu.enqueue_indirect_dma source(%dma_start3A_114 : memref<4608000xf32, #tpu.memory_space<hbm>>) target(%dma_start3A_110 : memref<200xf32, #tpu.memory_space<vmem>>) offsets(%dma_start3A_112 : memref<200xi32, #tpu.memory_space<vmem>>) semaphore(%arg18 : memref<!tpu.dma_semaphore, #tpu.memory_space<semaphore_mem>>)
    %dma_start3A_115 = arith.constant 1600 : i32
    %dma_start3A_116 = tpu.memref_slice %arg12[%dma_start3A_115] : memref<3200xf32, #tpu.memory_space<vmem>> -> memref<200xf32, #tpu.memory_space<vmem>>
    %dma_start3A_117 = arith.constant 1600 : i32
    %dma_start3A_118 = tpu.memref_slice %arg9[%dma_start3A_117] : memref<3200xi32, #tpu.memory_space<vmem>> -> memref<200xi32, #tpu.memory_space<vmem>>
    %dma_start3A_119 = arith.constant 0 : i32
    %dma_start3A_120 = tpu.memref_slice %arg3[%dma_start3A_119] : memref<4608000xf32, #tpu.memory_space<hbm>> -> memref<4608000xf32, #tpu.memory_space<hbm>>
    tpu.enqueue_indirect_dma source(%dma_start3A_120 : memref<4608000xf32, #tpu.memory_space<hbm>>) target(%dma_start3A_116 : memref<200xf32, #tpu.memory_space<vmem>>) offsets(%dma_start3A_118 : memref<200xi32, #tpu.memory_space<vmem>>) semaphore(%arg18 : memref<!tpu.dma_semaphore, #tpu.memory_space<semaphore_mem>>)
    %dma_start3A_121 = arith.constant 1800 : i32
    %dma_start3A_122 = tpu.memref_slice %arg11[%dma_start3A_121] : memref<3200xf32, #tpu.memory_space<vmem>> -> memref<200xf32, #tpu.memory_space<vmem>>
    %dma_start3A_123 = arith.constant 1800 : i32
    %dma_start3A_124 = tpu.memref_slice %arg9[%dma_start3A_123] : memref<3200xi32, #tpu.memory_space<vmem>> -> memref<200xi32, #tpu.memory_space<vmem>>
    %dma_start3A_125 = arith.constant 0 : i32
    %dma_start3A_126 = tpu.memref_slice %arg2[%dma_start3A_125] : memref<4608000xf32, #tpu.memory_space<hbm>> -> memref<4608000xf32, #tpu.memory_space<hbm>>
    tpu.enqueue_indirect_dma source(%dma_start3A_126 : memref<4608000xf32, #tpu.memory_space<hbm>>) target(%dma_start3A_122 : memref<200xf32, #tpu.memory_space<vmem>>) offsets(%dma_start3A_124 : memref<200xi32, #tpu.memory_space<vmem>>) semaphore(%arg18 : memref<!tpu.dma_semaphore, #tpu.memory_space<semaphore_mem>>)
    %dma_start3A_127 = arith.constant 1800 : i32
    %dma_start3A_128 = tpu.memref_slice %arg12[%dma_start3A_127] : memref<3200xf32, #tpu.memory_space<vmem>> -> memref<200xf32, #tpu.memory_space<vmem>>
    %dma_start3A_129 = arith.constant 1800 : i32
    %dma_start3A_130 = tpu.memref_slice %arg9[%dma_start3A_129] : memref<3200xi32, #tpu.memory_space<vmem>> -> memref<200xi32, #tpu.memory_space<vmem>>
    %dma_start3A_131 = arith.constant 0 : i32
    %dma_start3A_132 = tpu.memref_slice %arg3[%dma_start3A_131] : memref<4608000xf32, #tpu.memory_space<hbm>> -> memref<4608000xf32, #tpu.memory_space<hbm>>
    tpu.enqueue_indirect_dma source(%dma_start3A_132 : memref<4608000xf32, #tpu.memory_space<hbm>>) target(%dma_start3A_128 : memref<200xf32, #tpu.memory_space<vmem>>) offsets(%dma_start3A_130 : memref<200xi32, #tpu.memory_space<vmem>>) semaphore(%arg18 : memref<!tpu.dma_semaphore, #tpu.memory_space<semaphore_mem>>)
    %dma_start3A_133 = arith.constant 2000 : i32
    %dma_start3A_134 = tpu.memref_slice %arg11[%dma_start3A_133] : memref<3200xf32, #tpu.memory_space<vmem>> -> memref<200xf32, #tpu.memory_space<vmem>>
    %dma_start3A_135 = arith.constant 2000 : i32
    %dma_start3A_136 = tpu.memref_slice %arg9[%dma_start3A_135] : memref<3200xi32, #tpu.memory_space<vmem>> -> memref<200xi32, #tpu.memory_space<vmem>>
    %dma_start3A_137 = arith.constant 0 : i32
    %dma_start3A_138 = tpu.memref_slice %arg2[%dma_start3A_137] : memref<4608000xf32, #tpu.memory_space<hbm>> -> memref<4608000xf32, #tpu.memory_space<hbm>>
    tpu.enqueue_indirect_dma source(%dma_start3A_138 : memref<4608000xf32, #tpu.memory_space<hbm>>) target(%dma_start3A_134 : memref<200xf32, #tpu.memory_space<vmem>>) offsets(%dma_start3A_136 : memref<200xi32, #tpu.memory_space<vmem>>) semaphore(%arg18 : memref<!tpu.dma_semaphore, #tpu.memory_space<semaphore_mem>>)
    %dma_start3A_139 = arith.constant 2000 : i32
    %dma_start3A_140 = tpu.memref_slice %arg12[%dma_start3A_139] : memref<3200xf32, #tpu.memory_space<vmem>> -> memref<200xf32, #tpu.memory_space<vmem>>
    %dma_start3A_141 = arith.constant 2000 : i32
    %dma_start3A_142 = tpu.memref_slice %arg9[%dma_start3A_141] : memref<3200xi32, #tpu.memory_space<vmem>> -> memref<200xi32, #tpu.memory_space<vmem>>
    %dma_start3A_143 = arith.constant 0 : i32
    %dma_start3A_144 = tpu.memref_slice %arg3[%dma_start3A_143] : memref<4608000xf32, #tpu.memory_space<hbm>> -> memref<4608000xf32, #tpu.memory_space<hbm>>
    tpu.enqueue_indirect_dma source(%dma_start3A_144 : memref<4608000xf32, #tpu.memory_space<hbm>>) target(%dma_start3A_140 : memref<200xf32, #tpu.memory_space<vmem>>) offsets(%dma_start3A_142 : memref<200xi32, #tpu.memory_space<vmem>>) semaphore(%arg18 : memref<!tpu.dma_semaphore, #tpu.memory_space<semaphore_mem>>)
    %dma_start3A_145 = arith.constant 2200 : i32
    %dma_start3A_146 = tpu.memref_slice %arg11[%dma_start3A_145] : memref<3200xf32, #tpu.memory_space<vmem>> -> memref<200xf32, #tpu.memory_space<vmem>>
    %dma_start3A_147 = arith.constant 2200 : i32
    %dma_start3A_148 = tpu.memref_slice %arg9[%dma_start3A_147] : memref<3200xi32, #tpu.memory_space<vmem>> -> memref<200xi32, #tpu.memory_space<vmem>>
    %dma_start3A_149 = arith.constant 0 : i32
    %dma_start3A_150 = tpu.memref_slice %arg2[%dma_start3A_149] : memref<4608000xf32, #tpu.memory_space<hbm>> -> memref<4608000xf32, #tpu.memory_space<hbm>>
    tpu.enqueue_indirect_dma source(%dma_start3A_150 : memref<4608000xf32, #tpu.memory_space<hbm>>) target(%dma_start3A_146 : memref<200xf32, #tpu.memory_space<vmem>>) offsets(%dma_start3A_148 : memref<200xi32, #tpu.memory_space<vmem>>) semaphore(%arg18 : memref<!tpu.dma_semaphore, #tpu.memory_space<semaphore_mem>>)
    %dma_start3A_151 = arith.constant 2200 : i32
    %dma_start3A_152 = tpu.memref_slice %arg12[%dma_start3A_151] : memref<3200xf32, #tpu.memory_space<vmem>> -> memref<200xf32, #tpu.memory_space<vmem>>
    %dma_start3A_153 = arith.constant 2200 : i32
    %dma_start3A_154 = tpu.memref_slice %arg9[%dma_start3A_153] : memref<3200xi32, #tpu.memory_space<vmem>> -> memref<200xi32, #tpu.memory_space<vmem>>
    %dma_start3A_155 = arith.constant 0 : i32
    %dma_start3A_156 = tpu.memref_slice %arg3[%dma_start3A_155] : memref<4608000xf32, #tpu.memory_space<hbm>> -> memref<4608000xf32, #tpu.memory_space<hbm>>
    tpu.enqueue_indirect_dma source(%dma_start3A_156 : memref<4608000xf32, #tpu.memory_space<hbm>>) target(%dma_start3A_152 : memref<200xf32, #tpu.memory_space<vmem>>) offsets(%dma_start3A_154 : memref<200xi32, #tpu.memory_space<vmem>>) semaphore(%arg18 : memref<!tpu.dma_semaphore, #tpu.memory_space<semaphore_mem>>)
    %dma_start3A_157 = arith.constant 2400 : i32
    %dma_start3A_158 = tpu.memref_slice %arg11[%dma_start3A_157] : memref<3200xf32, #tpu.memory_space<vmem>> -> memref<200xf32, #tpu.memory_space<vmem>>
    %dma_start3A_159 = arith.constant 2400 : i32
    %dma_start3A_160 = tpu.memref_slice %arg9[%dma_start3A_159] : memref<3200xi32, #tpu.memory_space<vmem>> -> memref<200xi32, #tpu.memory_space<vmem>>
    %dma_start3A_161 = arith.constant 0 : i32
    %dma_start3A_162 = tpu.memref_slice %arg2[%dma_start3A_161] : memref<4608000xf32, #tpu.memory_space<hbm>> -> memref<4608000xf32, #tpu.memory_space<hbm>>
    tpu.enqueue_indirect_dma source(%dma_start3A_162 : memref<4608000xf32, #tpu.memory_space<hbm>>) target(%dma_start3A_158 : memref<200xf32, #tpu.memory_space<vmem>>) offsets(%dma_start3A_160 : memref<200xi32, #tpu.memory_space<vmem>>) semaphore(%arg18 : memref<!tpu.dma_semaphore, #tpu.memory_space<semaphore_mem>>)
    %dma_start3A_163 = arith.constant 2400 : i32
    %dma_start3A_164 = tpu.memref_slice %arg12[%dma_start3A_163] : memref<3200xf32, #tpu.memory_space<vmem>> -> memref<200xf32, #tpu.memory_space<vmem>>
    %dma_start3A_165 = arith.constant 2400 : i32
    %dma_start3A_166 = tpu.memref_slice %arg9[%dma_start3A_165] : memref<3200xi32, #tpu.memory_space<vmem>> -> memref<200xi32, #tpu.memory_space<vmem>>
    %dma_start3A_167 = arith.constant 0 : i32
    %dma_start3A_168 = tpu.memref_slice %arg3[%dma_start3A_167] : memref<4608000xf32, #tpu.memory_space<hbm>> -> memref<4608000xf32, #tpu.memory_space<hbm>>
    tpu.enqueue_indirect_dma source(%dma_start3A_168 : memref<4608000xf32, #tpu.memory_space<hbm>>) target(%dma_start3A_164 : memref<200xf32, #tpu.memory_space<vmem>>) offsets(%dma_start3A_166 : memref<200xi32, #tpu.memory_space<vmem>>) semaphore(%arg18 : memref<!tpu.dma_semaphore, #tpu.memory_space<semaphore_mem>>)
    %dma_start3A_169 = arith.constant 2600 : i32
    %dma_start3A_170 = tpu.memref_slice %arg11[%dma_start3A_169] : memref<3200xf32, #tpu.memory_space<vmem>> -> memref<200xf32, #tpu.memory_space<vmem>>
    %dma_start3A_171 = arith.constant 2600 : i32
    %dma_start3A_172 = tpu.memref_slice %arg9[%dma_start3A_171] : memref<3200xi32, #tpu.memory_space<vmem>> -> memref<200xi32, #tpu.memory_space<vmem>>
    %dma_start3A_173 = arith.constant 0 : i32
    %dma_start3A_174 = tpu.memref_slice %arg2[%dma_start3A_173] : memref<4608000xf32, #tpu.memory_space<hbm>> -> memref<4608000xf32, #tpu.memory_space<hbm>>
    tpu.enqueue_indirect_dma source(%dma_start3A_174 : memref<4608000xf32, #tpu.memory_space<hbm>>) target(%dma_start3A_170 : memref<200xf32, #tpu.memory_space<vmem>>) offsets(%dma_start3A_172 : memref<200xi32, #tpu.memory_space<vmem>>) semaphore(%arg18 : memref<!tpu.dma_semaphore, #tpu.memory_space<semaphore_mem>>)
    %dma_start3A_175 = arith.constant 2600 : i32
    %dma_start3A_176 = tpu.memref_slice %arg12[%dma_start3A_175] : memref<3200xf32, #tpu.memory_space<vmem>> -> memref<200xf32, #tpu.memory_space<vmem>>
    %dma_start3A_177 = arith.constant 2600 : i32
    %dma_start3A_178 = tpu.memref_slice %arg9[%dma_start3A_177] : memref<3200xi32, #tpu.memory_space<vmem>> -> memref<200xi32, #tpu.memory_space<vmem>>
    %dma_start3A_179 = arith.constant 0 : i32
    %dma_start3A_180 = tpu.memref_slice %arg3[%dma_start3A_179] : memref<4608000xf32, #tpu.memory_space<hbm>> -> memref<4608000xf32, #tpu.memory_space<hbm>>
    tpu.enqueue_indirect_dma source(%dma_start3A_180 : memref<4608000xf32, #tpu.memory_space<hbm>>) target(%dma_start3A_176 : memref<200xf32, #tpu.memory_space<vmem>>) offsets(%dma_start3A_178 : memref<200xi32, #tpu.memory_space<vmem>>) semaphore(%arg18 : memref<!tpu.dma_semaphore, #tpu.memory_space<semaphore_mem>>)
    %dma_start3A_181 = arith.constant 2800 : i32
    %dma_start3A_182 = tpu.memref_slice %arg11[%dma_start3A_181] : memref<3200xf32, #tpu.memory_space<vmem>> -> memref<200xf32, #tpu.memory_space<vmem>>
    %dma_start3A_183 = arith.constant 2800 : i32
    %dma_start3A_184 = tpu.memref_slice %arg9[%dma_start3A_183] : memref<3200xi32, #tpu.memory_space<vmem>> -> memref<200xi32, #tpu.memory_space<vmem>>
    %dma_start3A_185 = arith.constant 0 : i32
    %dma_start3A_186 = tpu.memref_slice %arg2[%dma_start3A_185] : memref<4608000xf32, #tpu.memory_space<hbm>> -> memref<4608000xf32, #tpu.memory_space<hbm>>
    tpu.enqueue_indirect_dma source(%dma_start3A_186 : memref<4608000xf32, #tpu.memory_space<hbm>>) target(%dma_start3A_182 : memref<200xf32, #tpu.memory_space<vmem>>) offsets(%dma_start3A_184 : memref<200xi32, #tpu.memory_space<vmem>>) semaphore(%arg18 : memref<!tpu.dma_semaphore, #tpu.memory_space<semaphore_mem>>)
    %dma_start3A_187 = arith.constant 2800 : i32
    %dma_start3A_188 = tpu.memref_slice %arg12[%dma_start3A_187] : memref<3200xf32, #tpu.memory_space<vmem>> -> memref<200xf32, #tpu.memory_space<vmem>>
    %dma_start3A_189 = arith.constant 2800 : i32
    %dma_start3A_190 = tpu.memref_slice %arg9[%dma_start3A_189] : memref<3200xi32, #tpu.memory_space<vmem>> -> memref<200xi32, #tpu.memory_space<vmem>>
    %dma_start3A_191 = arith.constant 0 : i32
    %dma_start3A_192 = tpu.memref_slice %arg3[%dma_start3A_191] : memref<4608000xf32, #tpu.memory_space<hbm>> -> memref<4608000xf32, #tpu.memory_space<hbm>>
    tpu.enqueue_indirect_dma source(%dma_start3A_192 : memref<4608000xf32, #tpu.memory_space<hbm>>) target(%dma_start3A_188 : memref<200xf32, #tpu.memory_space<vmem>>) offsets(%dma_start3A_190 : memref<200xi32, #tpu.memory_space<vmem>>) semaphore(%arg18 : memref<!tpu.dma_semaphore, #tpu.memory_space<semaphore_mem>>)
    %dma_start3A_193 = arith.constant 3000 : i32
    %dma_start3A_194 = tpu.memref_slice %arg11[%dma_start3A_193] : memref<3200xf32, #tpu.memory_space<vmem>> -> memref<200xf32, #tpu.memory_space<vmem>>
    %dma_start3A_195 = arith.constant 3000 : i32
    %dma_start3A_196 = tpu.memref_slice %arg9[%dma_start3A_195] : memref<3200xi32, #tpu.memory_space<vmem>> -> memref<200xi32, #tpu.memory_space<vmem>>
    %dma_start3A_197 = arith.constant 0 : i32
    %dma_start3A_198 = tpu.memref_slice %arg2[%dma_start3A_197] : memref<4608000xf32, #tpu.memory_space<hbm>> -> memref<4608000xf32, #tpu.memory_space<hbm>>
    tpu.enqueue_indirect_dma source(%dma_start3A_198 : memref<4608000xf32, #tpu.memory_space<hbm>>) target(%dma_start3A_194 : memref<200xf32, #tpu.memory_space<vmem>>) offsets(%dma_start3A_196 : memref<200xi32, #tpu.memory_space<vmem>>) semaphore(%arg18 : memref<!tpu.dma_semaphore, #tpu.memory_space<semaphore_mem>>)
    %dma_start3A_199 = arith.constant 3000 : i32
    %dma_start3A_200 = tpu.memref_slice %arg12[%dma_start3A_199] : memref<3200xf32, #tpu.memory_space<vmem>> -> memref<200xf32, #tpu.memory_space<vmem>>
    %dma_start3A_201 = arith.constant 3000 : i32
    %dma_start3A_202 = tpu.memref_slice %arg9[%dma_start3A_201] : memref<3200xi32, #tpu.memory_space<vmem>> -> memref<200xi32, #tpu.memory_space<vmem>>
    %dma_start3A_203 = arith.constant 0 : i32
    %dma_start3A_204 = tpu.memref_slice %arg3[%dma_start3A_203] : memref<4608000xf32, #tpu.memory_space<hbm>> -> memref<4608000xf32, #tpu.memory_space<hbm>>
    tpu.enqueue_indirect_dma source(%dma_start3A_204 : memref<4608000xf32, #tpu.memory_space<hbm>>) target(%dma_start3A_200 : memref<200xf32, #tpu.memory_space<vmem>>) offsets(%dma_start3A_202 : memref<200xi32, #tpu.memory_space<vmem>>) semaphore(%arg18 : memref<!tpu.dma_semaphore, #tpu.memory_space<semaphore_mem>>)
    %scan3A_205 = arith.constant 0 : i32
    %scan3A_206 = arith.constant 0 : i32
    %scan3A_207 = arith.constant 63 : i32
    %scan3A_208 = arith.addi %scan3A_206, %scan3A_207 : i32
    %scan3A_209 = arith.constant 1 : i32
    scf.for %scan3A_211 = %scan3A_206 to %scan3A_208 step %scan3A_209  : i32 {
      %mul3A_212 = arith.constant 2 : i32
      %mul3A_213 = arith.muli %mul3A_212, %scan3A_211 : i32
      %add3A_214 = arith.constant 1 : i32
      %add3A_215 = arith.addi %mul3A_213, %add3A_214 : i32
      %lt3A = arith.constant 125 : i32
      %lt3A_216 = arith.cmpi slt, %add3A_215, %lt3A : i32
      %convert_element_type3A = arith.extui %lt3A_216 : i1 to i32
      %cond3A = arith.constant 0 : i32
      %cond3A_217 = arith.cmpi ne, %convert_element_type3A, %cond3A : i32
      scf.if %cond3A_217 {
        %jit3A = arith.constant 25 : i32
        %div3A = arith.divsi %add3A_215, %jit3A : i32
        %sign3A = arith.constant 0 : i32
        %sign3A_434 = arith.cmpi sgt, %add3A_215, %sign3A : i32
        %sign3A_435 = arith.extui %sign3A_434 : i1 to i32
        %sign3A_436 = arith.constant 0 : i32
        %sign3A_437 = arith.cmpi slt, %add3A_215, %sign3A_436 : i32
        %sign3A_438 = arith.extui %sign3A_437 : i1 to i32
        %sign3A_439 = arith.subi %sign3A_435, %sign3A_438 : i32
        %sign3A_440 = arith.constant 0 : i32
        %sign3A_441 = arith.cmpi sgt, %jit3A, %sign3A_440 : i32
        %sign3A_442 = arith.extui %sign3A_441 : i1 to i32
        %sign3A_443 = arith.constant 0 : i32
        %sign3A_444 = arith.cmpi slt, %jit3A, %sign3A_443 : i32
        %sign3A_445 = arith.extui %sign3A_444 : i1 to i32
        %sign3A_446 = arith.subi %sign3A_442, %sign3A_445 : i32
        %ne3A = arith.cmpi ne, %sign3A_439, %sign3A_446 : i32
        %rem3A = arith.remsi %add3A_215, %jit3A : i32
        %ne3A_447 = arith.constant 0 : i32
        %ne3A_448 = arith.cmpi ne, %rem3A, %ne3A_447 : i32
        %and3A = arith.andi %ne3A, %ne3A_448 : i1
        %sub3A = arith.constant 1 : i32
        %sub3A_449 = arith.subi %div3A, %sub3A : i32
        %select_n3A = arith.select %and3A, %sub3A_449, %div3A : i32
        %sub3A_450 = arith.constant 2 : i32
        %sub3A_451 = arith.subi %select_n3A, %sub3A_450 : i32
        %jit3A_452 = arith.constant 5 : i32
        %div3A_453 = arith.divsi %add3A_215, %jit3A_452 : i32
        %sign3A_454 = arith.constant 0 : i32
        %sign3A_455 = arith.cmpi sgt, %add3A_215, %sign3A_454 : i32
        %sign3A_456 = arith.extui %sign3A_455 : i1 to i32
        %sign3A_457 = arith.constant 0 : i32
        %sign3A_458 = arith.cmpi slt, %add3A_215, %sign3A_457 : i32
        %sign3A_459 = arith.extui %sign3A_458 : i1 to i32
        %sign3A_460 = arith.subi %sign3A_456, %sign3A_459 : i32
        %sign3A_461 = arith.constant 0 : i32
        %sign3A_462 = arith.cmpi sgt, %jit3A_452, %sign3A_461 : i32
        %sign3A_463 = arith.extui %sign3A_462 : i1 to i32
        %sign3A_464 = arith.constant 0 : i32
        %sign3A_465 = arith.cmpi slt, %jit3A_452, %sign3A_464 : i32
        %sign3A_466 = arith.extui %sign3A_465 : i1 to i32
        %sign3A_467 = arith.subi %sign3A_463, %sign3A_466 : i32
        %ne3A_468 = arith.cmpi ne, %sign3A_460, %sign3A_467 : i32
        %rem3A_469 = arith.remsi %add3A_215, %jit3A_452 : i32
        %ne3A_470 = arith.constant 0 : i32
        %ne3A_471 = arith.cmpi ne, %rem3A_469, %ne3A_470 : i32
        %and3A_472 = arith.andi %ne3A_468, %ne3A_471 : i1
        %sub3A_473 = arith.constant 1 : i32
        %sub3A_474 = arith.subi %div3A_453, %sub3A_473 : i32
        %select_n3A_475 = arith.select %and3A_472, %sub3A_474, %div3A_453 : i32
        %jit3A_476 = arith.constant 5 : i32
        %eq3A = arith.constant 0 : i32
        %eq3A_477 = arith.cmpi eq, %jit3A_476, %eq3A : i32
        %jit3A_478 = arith.constant 1 : i32
        %select_n3A_479 = arith.select %eq3A_477, %jit3A_478, %jit3A_476 : i32
        %rem3A_480 = arith.remsi %select_n3A_475, %select_n3A_479 : i32
        %ne3A_481 = arith.constant 0 : i32
        %ne3A_482 = arith.cmpi ne, %rem3A_480, %ne3A_481 : i32
        %lt3A_483 = arith.constant 0 : i32
        %lt3A_484 = arith.cmpi slt, %rem3A_480, %lt3A_483 : i32
        %lt3A_485 = arith.constant 0 : i32
        %lt3A_486 = arith.cmpi slt, %select_n3A_479, %lt3A_485 : i32
        %ne3A_487 = arith.xori %lt3A_484, %lt3A_486 : i1
        %and3A_488 = arith.andi %ne3A_487, %ne3A_482 : i1
        %add3A_489 = arith.addi %rem3A_480, %select_n3A_479 : i32
        %select_n3A_490 = arith.select %and3A_488, %add3A_489, %rem3A_480 : i32
        %sub3A_491 = arith.constant 2 : i32
        %sub3A_492 = arith.subi %select_n3A_490, %sub3A_491 : i32
        %jit3A_493 = arith.constant 5 : i32
        %eq3A_494 = arith.constant 0 : i32
        %eq3A_495 = arith.cmpi eq, %jit3A_493, %eq3A_494 : i32
        %jit3A_496 = arith.constant 1 : i32
        %select_n3A_497 = arith.select %eq3A_495, %jit3A_496, %jit3A_493 : i32
        %rem3A_498 = arith.remsi %add3A_215, %select_n3A_497 : i32
        %ne3A_499 = arith.constant 0 : i32
        %ne3A_500 = arith.cmpi ne, %rem3A_498, %ne3A_499 : i32
        %lt3A_501 = arith.constant 0 : i32
        %lt3A_502 = arith.cmpi slt, %rem3A_498, %lt3A_501 : i32
        %lt3A_503 = arith.constant 0 : i32
        %lt3A_504 = arith.cmpi slt, %select_n3A_497, %lt3A_503 : i32
        %ne3A_505 = arith.xori %lt3A_502, %lt3A_504 : i1
        %and3A_506 = arith.andi %ne3A_505, %ne3A_500 : i1
        %add3A_507 = arith.addi %rem3A_498, %select_n3A_497 : i32
        %select_n3A_508 = arith.select %and3A_506, %add3A_507, %rem3A_498 : i32
        %sub3A_509 = arith.constant 2 : i32
        %sub3A_510 = arith.subi %select_n3A_508, %sub3A_509 : i32
        %mul3A_511 = arith.constant 132 : i32
        %mul3A_512 = arith.muli %sub3A_451, %mul3A_511 : i32
        %add3A_513 = arith.addi %mul3A_512, %sub3A_492 : i32
        %mul3A_514 = arith.constant 132 : i32
        %mul3A_515 = arith.muli %add3A_513, %mul3A_514 : i32
        %add3A_516 = arith.addi %mul3A_515, %sub3A_510 : i32
        %scan3A_517 = arith.constant 0 : i32
        %scan3A_518 = arith.constant 0 : i32
        %scan3A_519 = arith.constant 200 : i32
        %scan3A_520 = arith.addi %scan3A_518, %scan3A_519 : i32
        %scan3A_521 = arith.constant 1 : i32
        scf.for %scan3A_715 = %scan3A_518 to %scan3A_520 step %scan3A_521  : i32 {
          %mul3A_716 = arith.constant 16 : i32
          %mul3A_717 = arith.muli %mul3A_716, %scan3A_715 : i32
          %get3A_718 = arith.index_cast %mul3A_717 : i32 to index
          %get3A_719 = tpu.vector_load %arg8[%get3A_718] {strides = array<i32>} : memref<3200xi32, #tpu.memory_space<vmem>>, vector<16xi32>,
          %get3A_720 = vector.shape_cast %get3A_719 : vector<16xi32> to vector<16xi32>
          %add3A_721 = vector.broadcast %add3A_516 : i32 to vector<16xi32>
          %add3A_722 = arith.addi %get3A_720, %add3A_721 : vector<16xi32>
          %swap3A = arith.index_cast %mul3A_717 : i32 to index
          %swap3A_723 = tpu.vector_load %arg10[%swap3A] {strides = array<i32>} : memref<3200xi32, #tpu.memory_space<vmem>>, vector<16xi32>,
          %swap3A_724 = vector.shape_cast %swap3A_723 : vector<16xi32> to vector<16xi32>
          %swap3A_725 = vector.shape_cast %add3A_722 : vector<16xi32> to vector<16xi32>
          tpu.vector_store %arg10[%swap3A], %swap3A_725 {strides = array<i32>} : memref<3200xi32, #tpu.memory_space<vmem>>, vector<16xi32>,
        }
        %scan3A_522 = arith.constant 200 : i32
        %dma_start3A_523 = arith.constant 0 : i32
        %dma_start3A_524 = tpu.memref_slice %arg13[%dma_start3A_523] : memref<3200xf32, #tpu.memory_space<vmem>> -> memref<200xf32, #tpu.memory_space<vmem>>
        %dma_start3A_525 = arith.constant 0 : i32
        %dma_start3A_526 = tpu.memref_slice %arg10[%dma_start3A_525] : memref<3200xi32, #tpu.memory_space<vmem>> -> memref<200xi32, #tpu.memory_space<vmem>>
        %dma_start3A_527 = arith.constant 0 : i32
        %dma_start3A_528 = tpu.memref_slice %arg2[%dma_start3A_527] : memref<4608000xf32, #tpu.memory_space<hbm>> -> memref<4608000xf32, #tpu.memory_space<hbm>>
        tpu.enqueue_indirect_dma source(%dma_start3A_528 : memref<4608000xf32, #tpu.memory_space<hbm>>) target(%dma_start3A_524 : memref<200xf32, #tpu.memory_space<vmem>>) offsets(%dma_start3A_526 : memref<200xi32, #tpu.memory_space<vmem>>) semaphore(%arg19 : memref<!tpu.dma_semaphore, #tpu.memory_space<semaphore_mem>>)
        %dma_start3A_529 = arith.constant 0 : i32
        %dma_start3A_530 = tpu.memref_slice %arg14[%dma_start3A_529] : memref<3200xf32, #tpu.memory_space<vmem>> -> memref<200xf32, #tpu.memory_space<vmem>>
        %dma_start3A_531 = arith.constant 0 : i32
        %dma_start3A_532 = tpu.memref_slice %arg10[%dma_start3A_531] : memref<3200xi32, #tpu.memory_space<vmem>> -> memref<200xi32, #tpu.memory_space<vmem>>
        %dma_start3A_533 = arith.constant 0 : i32
        %dma_start3A_534 = tpu.memref_slice %arg3[%dma_start3A_533] : memref<4608000xf32, #tpu.memory_space<hbm>> -> memref<4608000xf32, #tpu.memory_space<hbm>>
        tpu.enqueue_indirect_dma source(%dma_start3A_534 : memref<4608000xf32, #tpu.memory_space<hbm>>) target(%dma_start3A_530 : memref<200xf32, #tpu.memory_space<vmem>>) offsets(%dma_start3A_532 : memref<200xi32, #tpu.memory_space<vmem>>) semaphore(%arg19 : memref<!tpu.dma_semaphore, #tpu.memory_space<semaphore_mem>>)
        %dma_start3A_535 = arith.constant 200 : i32
        %dma_start3A_536 = tpu.memref_slice %arg13[%dma_start3A_535] : memref<3200xf32, #tpu.memory_space<vmem>> -> memref<200xf32, #tpu.memory_space<vmem>>
        %dma_start3A_537 = arith.constant 200 : i32
        %dma_start3A_538 = tpu.memref_slice %arg10[%dma_start3A_537] : memref<3200xi32, #tpu.memory_space<vmem>> -> memref<200xi32, #tpu.memory_space<vmem>>
        %dma_start3A_539 = arith.constant 0 : i32
        %dma_start3A_540 = tpu.memref_slice %arg2[%dma_start3A_539] : memref<4608000xf32, #tpu.memory_space<hbm>> -> memref<4608000xf32, #tpu.memory_space<hbm>>
        tpu.enqueue_indirect_dma source(%dma_start3A_540 : memref<4608000xf32, #tpu.memory_space<hbm>>) target(%dma_start3A_536 : memref<200xf32, #tpu.memory_space<vmem>>) offsets(%dma_start3A_538 : memref<200xi32, #tpu.memory_space<vmem>>) semaphore(%arg19 : memref<!tpu.dma_semaphore, #tpu.memory_space<semaphore_mem>>)
        %dma_start3A_541 = arith.constant 200 : i32
        %dma_start3A_542 = tpu.memref_slice %arg14[%dma_start3A_541] : memref<3200xf32, #tpu.memory_space<vmem>> -> memref<200xf32, #tpu.memory_space<vmem>>
        %dma_start3A_543 = arith.constant 200 : i32
        %dma_start3A_544 = tpu.memref_slice %arg10[%dma_start3A_543] : memref<3200xi32, #tpu.memory_space<vmem>> -> memref<200xi32, #tpu.memory_space<vmem>>
        %dma_start3A_545 = arith.constant 0 : i32
        %dma_start3A_546 = tpu.memref_slice %arg3[%dma_start3A_545] : memref<4608000xf32, #tpu.memory_space<hbm>> -> memref<4608000xf32, #tpu.memory_space<hbm>>
        tpu.enqueue_indirect_dma source(%dma_start3A_546 : memref<4608000xf32, #tpu.memory_space<hbm>>) target(%dma_start3A_542 : memref<200xf32, #tpu.memory_space<vmem>>) offsets(%dma_start3A_544 : memref<200xi32, #tpu.memory_space<vmem>>) semaphore(%arg19 : memref<!tpu.dma_semaphore, #tpu.memory_space<semaphore_mem>>)
        %dma_start3A_547 = arith.constant 400 : i32
        %dma_start3A_548 = tpu.memref_slice %arg13[%dma_start3A_547] : memref<3200xf32, #tpu.memory_space<vmem>> -> memref<200xf32, #tpu.memory_space<vmem>>
        %dma_start3A_549 = arith.constant 400 : i32
        %dma_start3A_550 = tpu.memref_slice %arg10[%dma_start3A_549] : memref<3200xi32, #tpu.memory_space<vmem>> -> memref<200xi32, #tpu.memory_space<vmem>>
        %dma_start3A_551 = arith.constant 0 : i32
        %dma_start3A_552 = tpu.memref_slice %arg2[%dma_start3A_551] : memref<4608000xf32, #tpu.memory_space<hbm>> -> memref<4608000xf32, #tpu.memory_space<hbm>>
        tpu.enqueue_indirect_dma source(%dma_start3A_552 : memref<4608000xf32, #tpu.memory_space<hbm>>) target(%dma_start3A_548 : memref<200xf32, #tpu.memory_space<vmem>>) offsets(%dma_start3A_550 : memref<200xi32, #tpu.memory_space<vmem>>) semaphore(%arg19 : memref<!tpu.dma_semaphore, #tpu.memory_space<semaphore_mem>>)
        %dma_start3A_553 = arith.constant 400 : i32
        %dma_start3A_554 = tpu.memref_slice %arg14[%dma_start3A_553] : memref<3200xf32, #tpu.memory_space<vmem>> -> memref<200xf32, #tpu.memory_space<vmem>>
        %dma_start3A_555 = arith.constant 400 : i32
        %dma_start3A_556 = tpu.memref_slice %arg10[%dma_start3A_555] : memref<3200xi32, #tpu.memory_space<vmem>> -> memref<200xi32, #tpu.memory_space<vmem>>
        %dma_start3A_557 = arith.constant 0 : i32
        %dma_start3A_558 = tpu.memref_slice %arg3[%dma_start3A_557] : memref<4608000xf32, #tpu.memory_space<hbm>> -> memref<4608000xf32, #tpu.memory_space<hbm>>
        tpu.enqueue_indirect_dma source(%dma_start3A_558 : memref<4608000xf32, #tpu.memory_space<hbm>>) target(%dma_start3A_554 : memref<200xf32, #tpu.memory_space<vmem>>) offsets(%dma_start3A_556 : memref<200xi32, #tpu.memory_space<vmem>>) semaphore(%arg19 : memref<!tpu.dma_semaphore, #tpu.memory_space<semaphore_mem>>)
        %dma_start3A_559 = arith.constant 600 : i32
        %dma_start3A_560 = tpu.memref_slice %arg13[%dma_start3A_559] : memref<3200xf32, #tpu.memory_space<vmem>> -> memref<200xf32, #tpu.memory_space<vmem>>
        %dma_start3A_561 = arith.constant 600 : i32
        %dma_start3A_562 = tpu.memref_slice %arg10[%dma_start3A_561] : memref<3200xi32, #tpu.memory_space<vmem>> -> memref<200xi32, #tpu.memory_space<vmem>>
        %dma_start3A_563 = arith.constant 0 : i32
        %dma_start3A_564 = tpu.memref_slice %arg2[%dma_start3A_563] : memref<4608000xf32, #tpu.memory_space<hbm>> -> memref<4608000xf32, #tpu.memory_space<hbm>>
        tpu.enqueue_indirect_dma source(%dma_start3A_564 : memref<4608000xf32, #tpu.memory_space<hbm>>) target(%dma_start3A_560 : memref<200xf32, #tpu.memory_space<vmem>>) offsets(%dma_start3A_562 : memref<200xi32, #tpu.memory_space<vmem>>) semaphore(%arg19 : memref<!tpu.dma_semaphore, #tpu.memory_space<semaphore_mem>>)
        %dma_start3A_565 = arith.constant 600 : i32
        %dma_start3A_566 = tpu.memref_slice %arg14[%dma_start3A_565] : memref<3200xf32, #tpu.memory_space<vmem>> -> memref<200xf32, #tpu.memory_space<vmem>>
        %dma_start3A_567 = arith.constant 600 : i32
        %dma_start3A_568 = tpu.memref_slice %arg10[%dma_start3A_567] : memref<3200xi32, #tpu.memory_space<vmem>> -> memref<200xi32, #tpu.memory_space<vmem>>
        %dma_start3A_569 = arith.constant 0 : i32
        %dma_start3A_570 = tpu.memref_slice %arg3[%dma_start3A_569] : memref<4608000xf32, #tpu.memory_space<hbm>> -> memref<4608000xf32, #tpu.memory_space<hbm>>
        tpu.enqueue_indirect_dma source(%dma_start3A_570 : memref<4608000xf32, #tpu.memory_space<hbm>>) target(%dma_start3A_566 : memref<200xf32, #tpu.memory_space<vmem>>) offsets(%dma_start3A_568 : memref<200xi32, #tpu.memory_space<vmem>>) semaphore(%arg19 : memref<!tpu.dma_semaphore, #tpu.memory_space<semaphore_mem>>)
        %dma_start3A_571 = arith.constant 800 : i32
        %dma_start3A_572 = tpu.memref_slice %arg13[%dma_start3A_571] : memref<3200xf32, #tpu.memory_space<vmem>> -> memref<200xf32, #tpu.memory_space<vmem>>
        %dma_start3A_573 = arith.constant 800 : i32
        %dma_start3A_574 = tpu.memref_slice %arg10[%dma_start3A_573] : memref<3200xi32, #tpu.memory_space<vmem>> -> memref<200xi32, #tpu.memory_space<vmem>>
        %dma_start3A_575 = arith.constant 0 : i32
        %dma_start3A_576 = tpu.memref_slice %arg2[%dma_start3A_575] : memref<4608000xf32, #tpu.memory_space<hbm>> -> memref<4608000xf32, #tpu.memory_space<hbm>>
        tpu.enqueue_indirect_dma source(%dma_start3A_576 : memref<4608000xf32, #tpu.memory_space<hbm>>) target(%dma_start3A_572 : memref<200xf32, #tpu.memory_space<vmem>>) offsets(%dma_start3A_574 : memref<200xi32, #tpu.memory_space<vmem>>) semaphore(%arg19 : memref<!tpu.dma_semaphore, #tpu.memory_space<semaphore_mem>>)
        %dma_start3A_577 = arith.constant 800 : i32
        %dma_start3A_578 = tpu.memref_slice %arg14[%dma_start3A_577] : memref<3200xf32, #tpu.memory_space<vmem>> -> memref<200xf32, #tpu.memory_space<vmem>>
        %dma_start3A_579 = arith.constant 800 : i32
        %dma_start3A_580 = tpu.memref_slice %arg10[%dma_start3A_579] : memref<3200xi32, #tpu.memory_space<vmem>> -> memref<200xi32, #tpu.memory_space<vmem>>
        %dma_start3A_581 = arith.constant 0 : i32
        %dma_start3A_582 = tpu.memref_slice %arg3[%dma_start3A_581] : memref<4608000xf32, #tpu.memory_space<hbm>> -> memref<4608000xf32, #tpu.memory_space<hbm>>
        tpu.enqueue_indirect_dma source(%dma_start3A_582 : memref<4608000xf32, #tpu.memory_space<hbm>>) target(%dma_start3A_578 : memref<200xf32, #tpu.memory_space<vmem>>) offsets(%dma_start3A_580 : memref<200xi32, #tpu.memory_space<vmem>>) semaphore(%arg19 : memref<!tpu.dma_semaphore, #tpu.memory_space<semaphore_mem>>)
        %dma_start3A_583 = arith.constant 1000 : i32
        %dma_start3A_584 = tpu.memref_slice %arg13[%dma_start3A_583] : memref<3200xf32, #tpu.memory_space<vmem>> -> memref<200xf32, #tpu.memory_space<vmem>>
        %dma_start3A_585 = arith.constant 1000 : i32
        %dma_start3A_586 = tpu.memref_slice %arg10[%dma_start3A_585] : memref<3200xi32, #tpu.memory_space<vmem>> -> memref<200xi32, #tpu.memory_space<vmem>>
        %dma_start3A_587 = arith.constant 0 : i32
        %dma_start3A_588 = tpu.memref_slice %arg2[%dma_start3A_587] : memref<4608000xf32, #tpu.memory_space<hbm>> -> memref<4608000xf32, #tpu.memory_space<hbm>>
        tpu.enqueue_indirect_dma source(%dma_start3A_588 : memref<4608000xf32, #tpu.memory_space<hbm>>) target(%dma_start3A_584 : memref<200xf32, #tpu.memory_space<vmem>>) offsets(%dma_start3A_586 : memref<200xi32, #tpu.memory_space<vmem>>) semaphore(%arg19 : memref<!tpu.dma_semaphore, #tpu.memory_space<semaphore_mem>>)
        %dma_start3A_589 = arith.constant 1000 : i32
        %dma_start3A_590 = tpu.memref_slice %arg14[%dma_start3A_589] : memref<3200xf32, #tpu.memory_space<vmem>> -> memref<200xf32, #tpu.memory_space<vmem>>
        %dma_start3A_591 = arith.constant 1000 : i32
        %dma_start3A_592 = tpu.memref_slice %arg10[%dma_start3A_591] : memref<3200xi32, #tpu.memory_space<vmem>> -> memref<200xi32, #tpu.memory_space<vmem>>
        %dma_start3A_593 = arith.constant 0 : i32
        %dma_start3A_594 = tpu.memref_slice %arg3[%dma_start3A_593] : memref<4608000xf32, #tpu.memory_space<hbm>> -> memref<4608000xf32, #tpu.memory_space<hbm>>
        tpu.enqueue_indirect_dma source(%dma_start3A_594 : memref<4608000xf32, #tpu.memory_space<hbm>>) target(%dma_start3A_590 : memref<200xf32, #tpu.memory_space<vmem>>) offsets(%dma_start3A_592 : memref<200xi32, #tpu.memory_space<vmem>>) semaphore(%arg19 : memref<!tpu.dma_semaphore, #tpu.memory_space<semaphore_mem>>)
        %dma_start3A_595 = arith.constant 1200 : i32
        %dma_start3A_596 = tpu.memref_slice %arg13[%dma_start3A_595] : memref<3200xf32, #tpu.memory_space<vmem>> -> memref<200xf32, #tpu.memory_space<vmem>>
        %dma_start3A_597 = arith.constant 1200 : i32
        %dma_start3A_598 = tpu.memref_slice %arg10[%dma_start3A_597] : memref<3200xi32, #tpu.memory_space<vmem>> -> memref<200xi32, #tpu.memory_space<vmem>>
        %dma_start3A_599 = arith.constant 0 : i32
        %dma_start3A_600 = tpu.memref_slice %arg2[%dma_start3A_599] : memref<4608000xf32, #tpu.memory_space<hbm>> -> memref<4608000xf32, #tpu.memory_space<hbm>>
        tpu.enqueue_indirect_dma source(%dma_start3A_600 : memref<4608000xf32, #tpu.memory_space<hbm>>) target(%dma_start3A_596 : memref<200xf32, #tpu.memory_space<vmem>>) offsets(%dma_start3A_598 : memref<200xi32, #tpu.memory_space<vmem>>) semaphore(%arg19 : memref<!tpu.dma_semaphore, #tpu.memory_space<semaphore_mem>>)
        %dma_start3A_601 = arith.constant 1200 : i32
        %dma_start3A_602 = tpu.memref_slice %arg14[%dma_start3A_601] : memref<3200xf32, #tpu.memory_space<vmem>> -> memref<200xf32, #tpu.memory_space<vmem>>
        %dma_start3A_603 = arith.constant 1200 : i32
        %dma_start3A_604 = tpu.memref_slice %arg10[%dma_start3A_603] : memref<3200xi32, #tpu.memory_space<vmem>> -> memref<200xi32, #tpu.memory_space<vmem>>
        %dma_start3A_605 = arith.constant 0 : i32
        %dma_start3A_606 = tpu.memref_slice %arg3[%dma_start3A_605] : memref<4608000xf32, #tpu.memory_space<hbm>> -> memref<4608000xf32, #tpu.memory_space<hbm>>
        tpu.enqueue_indirect_dma source(%dma_start3A_606 : memref<4608000xf32, #tpu.memory_space<hbm>>) target(%dma_start3A_602 : memref<200xf32, #tpu.memory_space<vmem>>) offsets(%dma_start3A_604 : memref<200xi32, #tpu.memory_space<vmem>>) semaphore(%arg19 : memref<!tpu.dma_semaphore, #tpu.memory_space<semaphore_mem>>)
        %dma_start3A_607 = arith.constant 1400 : i32
        %dma_start3A_608 = tpu.memref_slice %arg13[%dma_start3A_607] : memref<3200xf32, #tpu.memory_space<vmem>> -> memref<200xf32, #tpu.memory_space<vmem>>
        %dma_start3A_609 = arith.constant 1400 : i32
        %dma_start3A_610 = tpu.memref_slice %arg10[%dma_start3A_609] : memref<3200xi32, #tpu.memory_space<vmem>> -> memref<200xi32, #tpu.memory_space<vmem>>
        %dma_start3A_611 = arith.constant 0 : i32
        %dma_start3A_612 = tpu.memref_slice %arg2[%dma_start3A_611] : memref<4608000xf32, #tpu.memory_space<hbm>> -> memref<4608000xf32, #tpu.memory_space<hbm>>
        tpu.enqueue_indirect_dma source(%dma_start3A_612 : memref<4608000xf32, #tpu.memory_space<hbm>>) target(%dma_start3A_608 : memref<200xf32, #tpu.memory_space<vmem>>) offsets(%dma_start3A_610 : memref<200xi32, #tpu.memory_space<vmem>>) semaphore(%arg19 : memref<!tpu.dma_semaphore, #tpu.memory_space<semaphore_mem>>)
        %dma_start3A_613 = arith.constant 1400 : i32
        %dma_start3A_614 = tpu.memref_slice %arg14[%dma_start3A_613] : memref<3200xf32, #tpu.memory_space<vmem>> -> memref<200xf32, #tpu.memory_space<vmem>>
        %dma_start3A_615 = arith.constant 1400 : i32
        %dma_start3A_616 = tpu.memref_slice %arg10[%dma_start3A_615] : memref<3200xi32, #tpu.memory_space<vmem>> -> memref<200xi32, #tpu.memory_space<vmem>>
        %dma_start3A_617 = arith.constant 0 : i32
        %dma_start3A_618 = tpu.memref_slice %arg3[%dma_start3A_617] : memref<4608000xf32, #tpu.memory_space<hbm>> -> memref<4608000xf32, #tpu.memory_space<hbm>>
        tpu.enqueue_indirect_dma source(%dma_start3A_618 : memref<4608000xf32, #tpu.memory_space<hbm>>) target(%dma_start3A_614 : memref<200xf32, #tpu.memory_space<vmem>>) offsets(%dma_start3A_616 : memref<200xi32, #tpu.memory_space<vmem>>) semaphore(%arg19 : memref<!tpu.dma_semaphore, #tpu.memory_space<semaphore_mem>>)
        %dma_start3A_619 = arith.constant 1600 : i32
        %dma_start3A_620 = tpu.memref_slice %arg13[%dma_start3A_619] : memref<3200xf32, #tpu.memory_space<vmem>> -> memref<200xf32, #tpu.memory_space<vmem>>
        %dma_start3A_621 = arith.constant 1600 : i32
        %dma_start3A_622 = tpu.memref_slice %arg10[%dma_start3A_621] : memref<3200xi32, #tpu.memory_space<vmem>> -> memref<200xi32, #tpu.memory_space<vmem>>
        %dma_start3A_623 = arith.constant 0 : i32
        %dma_start3A_624 = tpu.memref_slice %arg2[%dma_start3A_623] : memref<4608000xf32, #tpu.memory_space<hbm>> -> memref<4608000xf32, #tpu.memory_space<hbm>>
        tpu.enqueue_indirect_dma source(%dma_start3A_624 : memref<4608000xf32, #tpu.memory_space<hbm>>) target(%dma_start3A_620 : memref<200xf32, #tpu.memory_space<vmem>>) offsets(%dma_start3A_622 : memref<200xi32, #tpu.memory_space<vmem>>) semaphore(%arg19 : memref<!tpu.dma_semaphore, #tpu.memory_space<semaphore_mem>>)
        %dma_start3A_625 = arith.constant 1600 : i32
        %dma_start3A_626 = tpu.memref_slice %arg14[%dma_start3A_625] : memref<3200xf32, #tpu.memory_space<vmem>> -> memref<200xf32, #tpu.memory_space<vmem>>
        %dma_start3A_627 = arith.constant 1600 : i32
        %dma_start3A_628 = tpu.memref_slice %arg10[%dma_start3A_627] : memref<3200xi32, #tpu.memory_space<vmem>> -> memref<200xi32, #tpu.memory_space<vmem>>
        %dma_start3A_629 = arith.constant 0 : i32
        %dma_start3A_630 = tpu.memref_slice %arg3[%dma_start3A_629] : memref<4608000xf32, #tpu.memory_space<hbm>> -> memref<4608000xf32, #tpu.memory_space<hbm>>
        tpu.enqueue_indirect_dma source(%dma_start3A_630 : memref<4608000xf32, #tpu.memory_space<hbm>>) target(%dma_start3A_626 : memref<200xf32, #tpu.memory_space<vmem>>) offsets(%dma_start3A_628 : memref<200xi32, #tpu.memory_space<vmem>>) semaphore(%arg19 : memref<!tpu.dma_semaphore, #tpu.memory_space<semaphore_mem>>)
        %dma_start3A_631 = arith.constant 1800 : i32
        %dma_start3A_632 = tpu.memref_slice %arg13[%dma_start3A_631] : memref<3200xf32, #tpu.memory_space<vmem>> -> memref<200xf32, #tpu.memory_space<vmem>>
        %dma_start3A_633 = arith.constant 1800 : i32
        %dma_start3A_634 = tpu.memref_slice %arg10[%dma_start3A_633] : memref<3200xi32, #tpu.memory_space<vmem>> -> memref<200xi32, #tpu.memory_space<vmem>>
        %dma_start3A_635 = arith.constant 0 : i32
        %dma_start3A_636 = tpu.memref_slice %arg2[%dma_start3A_635] : memref<4608000xf32, #tpu.memory_space<hbm>> -> memref<4608000xf32, #tpu.memory_space<hbm>>
        tpu.enqueue_indirect_dma source(%dma_start3A_636 : memref<4608000xf32, #tpu.memory_space<hbm>>) target(%dma_start3A_632 : memref<200xf32, #tpu.memory_space<vmem>>) offsets(%dma_start3A_634 : memref<200xi32, #tpu.memory_space<vmem>>) semaphore(%arg19 : memref<!tpu.dma_semaphore, #tpu.memory_space<semaphore_mem>>)
        %dma_start3A_637 = arith.constant 1800 : i32
        %dma_start3A_638 = tpu.memref_slice %arg14[%dma_start3A_637] : memref<3200xf32, #tpu.memory_space<vmem>> -> memref<200xf32, #tpu.memory_space<vmem>>
        %dma_start3A_639 = arith.constant 1800 : i32
        %dma_start3A_640 = tpu.memref_slice %arg10[%dma_start3A_639] : memref<3200xi32, #tpu.memory_space<vmem>> -> memref<200xi32, #tpu.memory_space<vmem>>
        %dma_start3A_641 = arith.constant 0 : i32
        %dma_start3A_642 = tpu.memref_slice %arg3[%dma_start3A_641] : memref<4608000xf32, #tpu.memory_space<hbm>> -> memref<4608000xf32, #tpu.memory_space<hbm>>
        tpu.enqueue_indirect_dma source(%dma_start3A_642 : memref<4608000xf32, #tpu.memory_space<hbm>>) target(%dma_start3A_638 : memref<200xf32, #tpu.memory_space<vmem>>) offsets(%dma_start3A_640 : memref<200xi32, #tpu.memory_space<vmem>>) semaphore(%arg19 : memref<!tpu.dma_semaphore, #tpu.memory_space<semaphore_mem>>)
        %dma_start3A_643 = arith.constant 2000 : i32
        %dma_start3A_644 = tpu.memref_slice %arg13[%dma_start3A_643] : memref<3200xf32, #tpu.memory_space<vmem>> -> memref<200xf32, #tpu.memory_space<vmem>>
        %dma_start3A_645 = arith.constant 2000 : i32
        %dma_start3A_646 = tpu.memref_slice %arg10[%dma_start3A_645] : memref<3200xi32, #tpu.memory_space<vmem>> -> memref<200xi32, #tpu.memory_space<vmem>>
        %dma_start3A_647 = arith.constant 0 : i32
        %dma_start3A_648 = tpu.memref_slice %arg2[%dma_start3A_647] : memref<4608000xf32, #tpu.memory_space<hbm>> -> memref<4608000xf32, #tpu.memory_space<hbm>>
        tpu.enqueue_indirect_dma source(%dma_start3A_648 : memref<4608000xf32, #tpu.memory_space<hbm>>) target(%dma_start3A_644 : memref<200xf32, #tpu.memory_space<vmem>>) offsets(%dma_start3A_646 : memref<200xi32, #tpu.memory_space<vmem>>) semaphore(%arg19 : memref<!tpu.dma_semaphore, #tpu.memory_space<semaphore_mem>>)
        %dma_start3A_649 = arith.constant 2000 : i32
        %dma_start3A_650 = tpu.memref_slice %arg14[%dma_start3A_649] : memref<3200xf32, #tpu.memory_space<vmem>> -> memref<200xf32, #tpu.memory_space<vmem>>
        %dma_start3A_651 = arith.constant 2000 : i32
        %dma_start3A_652 = tpu.memref_slice %arg10[%dma_start3A_651] : memref<3200xi32, #tpu.memory_space<vmem>> -> memref<200xi32, #tpu.memory_space<vmem>>
        %dma_start3A_653 = arith.constant 0 : i32
        %dma_start3A_654 = tpu.memref_slice %arg3[%dma_start3A_653] : memref<4608000xf32, #tpu.memory_space<hbm>> -> memref<4608000xf32, #tpu.memory_space<hbm>>
        tpu.enqueue_indirect_dma source(%dma_start3A_654 : memref<4608000xf32, #tpu.memory_space<hbm>>) target(%dma_start3A_650 : memref<200xf32, #tpu.memory_space<vmem>>) offsets(%dma_start3A_652 : memref<200xi32, #tpu.memory_space<vmem>>) semaphore(%arg19 : memref<!tpu.dma_semaphore, #tpu.memory_space<semaphore_mem>>)
        %dma_start3A_655 = arith.constant 2200 : i32
        %dma_start3A_656 = tpu.memref_slice %arg13[%dma_start3A_655] : memref<3200xf32, #tpu.memory_space<vmem>> -> memref<200xf32, #tpu.memory_space<vmem>>
        %dma_start3A_657 = arith.constant 2200 : i32
        %dma_start3A_658 = tpu.memref_slice %arg10[%dma_start3A_657] : memref<3200xi32, #tpu.memory_space<vmem>> -> memref<200xi32, #tpu.memory_space<vmem>>
        %dma_start3A_659 = arith.constant 0 : i32
        %dma_start3A_660 = tpu.memref_slice %arg2[%dma_start3A_659] : memref<4608000xf32, #tpu.memory_space<hbm>> -> memref<4608000xf32, #tpu.memory_space<hbm>>
        tpu.enqueue_indirect_dma source(%dma_start3A_660 : memref<4608000xf32, #tpu.memory_space<hbm>>) target(%dma_start3A_656 : memref<200xf32, #tpu.memory_space<vmem>>) offsets(%dma_start3A_658 : memref<200xi32, #tpu.memory_space<vmem>>) semaphore(%arg19 : memref<!tpu.dma_semaphore, #tpu.memory_space<semaphore_mem>>)
        %dma_start3A_661 = arith.constant 2200 : i32
        %dma_start3A_662 = tpu.memref_slice %arg14[%dma_start3A_661] : memref<3200xf32, #tpu.memory_space<vmem>> -> memref<200xf32, #tpu.memory_space<vmem>>
        %dma_start3A_663 = arith.constant 2200 : i32
        %dma_start3A_664 = tpu.memref_slice %arg10[%dma_start3A_663] : memref<3200xi32, #tpu.memory_space<vmem>> -> memref<200xi32, #tpu.memory_space<vmem>>
        %dma_start3A_665 = arith.constant 0 : i32
        %dma_start3A_666 = tpu.memref_slice %arg3[%dma_start3A_665] : memref<4608000xf32, #tpu.memory_space<hbm>> -> memref<4608000xf32, #tpu.memory_space<hbm>>
        tpu.enqueue_indirect_dma source(%dma_start3A_666 : memref<4608000xf32, #tpu.memory_space<hbm>>) target(%dma_start3A_662 : memref<200xf32, #tpu.memory_space<vmem>>) offsets(%dma_start3A_664 : memref<200xi32, #tpu.memory_space<vmem>>) semaphore(%arg19 : memref<!tpu.dma_semaphore, #tpu.memory_space<semaphore_mem>>)
        %dma_start3A_667 = arith.constant 2400 : i32
        %dma_start3A_668 = tpu.memref_slice %arg13[%dma_start3A_667] : memref<3200xf32, #tpu.memory_space<vmem>> -> memref<200xf32, #tpu.memory_space<vmem>>
        %dma_start3A_669 = arith.constant 2400 : i32
        %dma_start3A_670 = tpu.memref_slice %arg10[%dma_start3A_669] : memref<3200xi32, #tpu.memory_space<vmem>> -> memref<200xi32, #tpu.memory_space<vmem>>
        %dma_start3A_671 = arith.constant 0 : i32
        %dma_start3A_672 = tpu.memref_slice %arg2[%dma_start3A_671] : memref<4608000xf32, #tpu.memory_space<hbm>> -> memref<4608000xf32, #tpu.memory_space<hbm>>
        tpu.enqueue_indirect_dma source(%dma_start3A_672 : memref<4608000xf32, #tpu.memory_space<hbm>>) target(%dma_start3A_668 : memref<200xf32, #tpu.memory_space<vmem>>) offsets(%dma_start3A_670 : memref<200xi32, #tpu.memory_space<vmem>>) semaphore(%arg19 : memref<!tpu.dma_semaphore, #tpu.memory_space<semaphore_mem>>)
        %dma_start3A_673 = arith.constant 2400 : i32
        %dma_start3A_674 = tpu.memref_slice %arg14[%dma_start3A_673] : memref<3200xf32, #tpu.memory_space<vmem>> -> memref<200xf32, #tpu.memory_space<vmem>>
        %dma_start3A_675 = arith.constant 2400 : i32
        %dma_start3A_676 = tpu.memref_slice %arg10[%dma_start3A_675] : memref<3200xi32, #tpu.memory_space<vmem>> -> memref<200xi32, #tpu.memory_space<vmem>>
        %dma_start3A_677 = arith.constant 0 : i32
        %dma_start3A_678 = tpu.memref_slice %arg3[%dma_start3A_677] : memref<4608000xf32, #tpu.memory_space<hbm>> -> memref<4608000xf32, #tpu.memory_space<hbm>>
        tpu.enqueue_indirect_dma source(%dma_start3A_678 : memref<4608000xf32, #tpu.memory_space<hbm>>) target(%dma_start3A_674 : memref<200xf32, #tpu.memory_space<vmem>>) offsets(%dma_start3A_676 : memref<200xi32, #tpu.memory_space<vmem>>) semaphore(%arg19 : memref<!tpu.dma_semaphore, #tpu.memory_space<semaphore_mem>>)
        %dma_start3A_679 = arith.constant 2600 : i32
        %dma_start3A_680 = tpu.memref_slice %arg13[%dma_start3A_679] : memref<3200xf32, #tpu.memory_space<vmem>> -> memref<200xf32, #tpu.memory_space<vmem>>
        %dma_start3A_681 = arith.constant 2600 : i32
        %dma_start3A_682 = tpu.memref_slice %arg10[%dma_start3A_681] : memref<3200xi32, #tpu.memory_space<vmem>> -> memref<200xi32, #tpu.memory_space<vmem>>
        %dma_start3A_683 = arith.constant 0 : i32
        %dma_start3A_684 = tpu.memref_slice %arg2[%dma_start3A_683] : memref<4608000xf32, #tpu.memory_space<hbm>> -> memref<4608000xf32, #tpu.memory_space<hbm>>
        tpu.enqueue_indirect_dma source(%dma_start3A_684 : memref<4608000xf32, #tpu.memory_space<hbm>>) target(%dma_start3A_680 : memref<200xf32, #tpu.memory_space<vmem>>) offsets(%dma_start3A_682 : memref<200xi32, #tpu.memory_space<vmem>>) semaphore(%arg19 : memref<!tpu.dma_semaphore, #tpu.memory_space<semaphore_mem>>)
        %dma_start3A_685 = arith.constant 2600 : i32
        %dma_start3A_686 = tpu.memref_slice %arg14[%dma_start3A_685] : memref<3200xf32, #tpu.memory_space<vmem>> -> memref<200xf32, #tpu.memory_space<vmem>>
        %dma_start3A_687 = arith.constant 2600 : i32
        %dma_start3A_688 = tpu.memref_slice %arg10[%dma_start3A_687] : memref<3200xi32, #tpu.memory_space<vmem>> -> memref<200xi32, #tpu.memory_space<vmem>>
        %dma_start3A_689 = arith.constant 0 : i32
        %dma_start3A_690 = tpu.memref_slice %arg3[%dma_start3A_689] : memref<4608000xf32, #tpu.memory_space<hbm>> -> memref<4608000xf32, #tpu.memory_space<hbm>>
        tpu.enqueue_indirect_dma source(%dma_start3A_690 : memref<4608000xf32, #tpu.memory_space<hbm>>) target(%dma_start3A_686 : memref<200xf32, #tpu.memory_space<vmem>>) offsets(%dma_start3A_688 : memref<200xi32, #tpu.memory_space<vmem>>) semaphore(%arg19 : memref<!tpu.dma_semaphore, #tpu.memory_space<semaphore_mem>>)
        %dma_start3A_691 = arith.constant 2800 : i32
        %dma_start3A_692 = tpu.memref_slice %arg13[%dma_start3A_691] : memref<3200xf32, #tpu.memory_space<vmem>> -> memref<200xf32, #tpu.memory_space<vmem>>
        %dma_start3A_693 = arith.constant 2800 : i32
        %dma_start3A_694 = tpu.memref_slice %arg10[%dma_start3A_693] : memref<3200xi32, #tpu.memory_space<vmem>> -> memref<200xi32, #tpu.memory_space<vmem>>
        %dma_start3A_695 = arith.constant 0 : i32
        %dma_start3A_696 = tpu.memref_slice %arg2[%dma_start3A_695] : memref<4608000xf32, #tpu.memory_space<hbm>> -> memref<4608000xf32, #tpu.memory_space<hbm>>
        tpu.enqueue_indirect_dma source(%dma_start3A_696 : memref<4608000xf32, #tpu.memory_space<hbm>>) target(%dma_start3A_692 : memref<200xf32, #tpu.memory_space<vmem>>) offsets(%dma_start3A_694 : memref<200xi32, #tpu.memory_space<vmem>>) semaphore(%arg19 : memref<!tpu.dma_semaphore, #tpu.memory_space<semaphore_mem>>)
        %dma_start3A_697 = arith.constant 2800 : i32
        %dma_start3A_698 = tpu.memref_slice %arg14[%dma_start3A_697] : memref<3200xf32, #tpu.memory_space<vmem>> -> memref<200xf32, #tpu.memory_space<vmem>>
        %dma_start3A_699 = arith.constant 2800 : i32
        %dma_start3A_700 = tpu.memref_slice %arg10[%dma_start3A_699] : memref<3200xi32, #tpu.memory_space<vmem>> -> memref<200xi32, #tpu.memory_space<vmem>>
        %dma_start3A_701 = arith.constant 0 : i32
        %dma_start3A_702 = tpu.memref_slice %arg3[%dma_start3A_701] : memref<4608000xf32, #tpu.memory_space<hbm>> -> memref<4608000xf32, #tpu.memory_space<hbm>>
        tpu.enqueue_indirect_dma source(%dma_start3A_702 : memref<4608000xf32, #tpu.memory_space<hbm>>) target(%dma_start3A_698 : memref<200xf32, #tpu.memory_space<vmem>>) offsets(%dma_start3A_700 : memref<200xi32, #tpu.memory_space<vmem>>) semaphore(%arg19 : memref<!tpu.dma_semaphore, #tpu.memory_space<semaphore_mem>>)
        %dma_start3A_703 = arith.constant 3000 : i32
        %dma_start3A_704 = tpu.memref_slice %arg13[%dma_start3A_703] : memref<3200xf32, #tpu.memory_space<vmem>> -> memref<200xf32, #tpu.memory_space<vmem>>
        %dma_start3A_705 = arith.constant 3000 : i32
        %dma_start3A_706 = tpu.memref_slice %arg10[%dma_start3A_705] : memref<3200xi32, #tpu.memory_space<vmem>> -> memref<200xi32, #tpu.memory_space<vmem>>
        %dma_start3A_707 = arith.constant 0 : i32
        %dma_start3A_708 = tpu.memref_slice %arg2[%dma_start3A_707] : memref<4608000xf32, #tpu.memory_space<hbm>> -> memref<4608000xf32, #tpu.memory_space<hbm>>
        tpu.enqueue_indirect_dma source(%dma_start3A_708 : memref<4608000xf32, #tpu.memory_space<hbm>>) target(%dma_start3A_704 : memref<200xf32, #tpu.memory_space<vmem>>) offsets(%dma_start3A_706 : memref<200xi32, #tpu.memory_space<vmem>>) semaphore(%arg19 : memref<!tpu.dma_semaphore, #tpu.memory_space<semaphore_mem>>)
        %dma_start3A_709 = arith.constant 3000 : i32
        %dma_start3A_710 = tpu.memref_slice %arg14[%dma_start3A_709] : memref<3200xf32, #tpu.memory_space<vmem>> -> memref<200xf32, #tpu.memory_space<vmem>>
        %dma_start3A_711 = arith.constant 3000 : i32
        %dma_start3A_712 = tpu.memref_slice %arg10[%dma_start3A_711] : memref<3200xi32, #tpu.memory_space<vmem>> -> memref<200xi32, #tpu.memory_space<vmem>>
        %dma_start3A_713 = arith.constant 0 : i32
        %dma_start3A_714 = tpu.memref_slice %arg3[%dma_start3A_713] : memref<4608000xf32, #tpu.memory_space<hbm>> -> memref<4608000xf32, #tpu.memory_space<hbm>>
        tpu.enqueue_indirect_dma source(%dma_start3A_714 : memref<4608000xf32, #tpu.memory_space<hbm>>) target(%dma_start3A_710 : memref<200xf32, #tpu.memory_space<vmem>>) offsets(%dma_start3A_712 : memref<200xi32, #tpu.memory_space<vmem>>) semaphore(%arg19 : memref<!tpu.dma_semaphore, #tpu.memory_space<semaphore_mem>>)
      } else {
      }
      %dma_wait3A = arith.constant 0 : i32
      %dma_wait3A_218 = tpu.memref_slice %arg11[%dma_wait3A] : memref<3200xf32, #tpu.memory_space<vmem>> -> memref<200xf32, #tpu.memory_space<vmem>>
      %dma_wait3A_219 = arith.constant 0 : i32
      %dma_wait3A_220 = tpu.memref_slice %arg9[%dma_wait3A_219] : memref<3200xi32, #tpu.memory_space<vmem>> -> memref<200xi32, #tpu.memory_space<vmem>>
      %dma_wait3A_221 = arith.constant 0 : i32
      %dma_wait3A_222 = tpu.memref_slice %arg2[%dma_wait3A_221] : memref<4608000xf32, #tpu.memory_space<hbm>> -> memref<4608000xf32, #tpu.memory_space<hbm>>
      tpu.wait_indirect_dma semaphore(%arg18 : memref<!tpu.dma_semaphore, #tpu.memory_space<semaphore_mem>>) src(%dma_wait3A_222 : memref<4608000xf32, #tpu.memory_space<hbm>>) dst(%dma_wait3A_218 : memref<200xf32, #tpu.memory_space<vmem>>)
      %dma_wait3A_223 = arith.constant 0 : i32
      %dma_wait3A_224 = tpu.memref_slice %arg12[%dma_wait3A_223] : memref<3200xf32, #tpu.memory_space<vmem>> -> memref<200xf32, #tpu.memory_space<vmem>>
      %dma_wait3A_225 = arith.constant 0 : i32
      %dma_wait3A_226 = tpu.memref_slice %arg9[%dma_wait3A_225] : memref<3200xi32, #tpu.memory_space<vmem>> -> memref<200xi32, #tpu.memory_space<vmem>>
      %dma_wait3A_227 = arith.constant 0 : i32
      %dma_wait3A_228 = tpu.memref_slice %arg3[%dma_wait3A_227] : memref<4608000xf32, #tpu.memory_space<hbm>> -> memref<4608000xf32, #tpu.memory_space<hbm>>
      tpu.wait_indirect_dma semaphore(%arg18 : memref<!tpu.dma_semaphore, #tpu.memory_space<semaphore_mem>>) src(%dma_wait3A_228 : memref<4608000xf32, #tpu.memory_space<hbm>>) dst(%dma_wait3A_224 : memref<200xf32, #tpu.memory_space<vmem>>)
      %dma_wait3A_229 = arith.constant 200 : i32
      %dma_wait3A_230 = tpu.memref_slice %arg11[%dma_wait3A_229] : memref<3200xf32, #tpu.memory_space<vmem>> -> memref<200xf32, #tpu.memory_space<vmem>>
      %dma_wait3A_231 = arith.constant 200 : i32
      %dma_wait3A_232 = tpu.memref_slice %arg9[%dma_wait3A_231] : memref<3200xi32, #tpu.memory_space<vmem>> -> memref<200xi32, #tpu.memory_space<vmem>>
      %dma_wait3A_233 = arith.constant 0 : i32
      %dma_wait3A_234 = tpu.memref_slice %arg2[%dma_wait3A_233] : memref<4608000xf32, #tpu.memory_space<hbm>> -> memref<4608000xf32, #tpu.memory_space<hbm>>
      tpu.wait_indirect_dma semaphore(%arg18 : memref<!tpu.dma_semaphore, #tpu.memory_space<semaphore_mem>>) src(%dma_wait3A_234 : memref<4608000xf32, #tpu.memory_space<hbm>>) dst(%dma_wait3A_230 : memref<200xf32, #tpu.memory_space<vmem>>)
      %dma_wait3A_235 = arith.constant 200 : i32
      %dma_wait3A_236 = tpu.memref_slice %arg12[%dma_wait3A_235] : memref<3200xf32, #tpu.memory_space<vmem>> -> memref<200xf32, #tpu.memory_space<vmem>>
      %dma_wait3A_237 = arith.constant 200 : i32
      %dma_wait3A_238 = tpu.memref_slice %arg9[%dma_wait3A_237] : memref<3200xi32, #tpu.memory_space<vmem>> -> memref<200xi32, #tpu.memory_space<vmem>>
      %dma_wait3A_239 = arith.constant 0 : i32
      %dma_wait3A_240 = tpu.memref_slice %arg3[%dma_wait3A_239] : memref<4608000xf32, #tpu.memory_space<hbm>> -> memref<4608000xf32, #tpu.memory_space<hbm>>
      tpu.wait_indirect_dma semaphore(%arg18 : memref<!tpu.dma_semaphore, #tpu.memory_space<semaphore_mem>>) src(%dma_wait3A_240 : memref<4608000xf32, #tpu.memory_space<hbm>>) dst(%dma_wait3A_236 : memref<200xf32, #tpu.memory_space<vmem>>)
      %dma_wait3A_241 = arith.constant 400 : i32
      %dma_wait3A_242 = tpu.memref_slice %arg11[%dma_wait3A_241] : memref<3200xf32, #tpu.memory_space<vmem>> -> memref<200xf32, #tpu.memory_space<vmem>>
      %dma_wait3A_243 = arith.constant 400 : i32
      %dma_wait3A_244 = tpu.memref_slice %arg9[%dma_wait3A_243] : memref<3200xi32, #tpu.memory_space<vmem>> -> memref<200xi32, #tpu.memory_space<vmem>>
      %dma_wait3A_245 = arith.constant 0 : i32
      %dma_wait3A_246 = tpu.memref_slice %arg2[%dma_wait3A_245] : memref<4608000xf32, #tpu.memory_space<hbm>> -> memref<4608000xf32, #tpu.memory_space<hbm>>
      tpu.wait_indirect_dma semaphore(%arg18 : memref<!tpu.dma_semaphore, #tpu.memory_space<semaphore_mem>>) src(%dma_wait3A_246 : memref<4608000xf32, #tpu.memory_space<hbm>>) dst(%dma_wait3A_242 : memref<200xf32, #tpu.memory_space<vmem>>)
      %dma_wait3A_247 = arith.constant 400 : i32
      %dma_wait3A_248 = tpu.memref_slice %arg12[%dma_wait3A_247] : memref<3200xf32, #tpu.memory_space<vmem>> -> memref<200xf32, #tpu.memory_space<vmem>>
      %dma_wait3A_249 = arith.constant 400 : i32
      %dma_wait3A_250 = tpu.memref_slice %arg9[%dma_wait3A_249] : memref<3200xi32, #tpu.memory_space<vmem>> -> memref<200xi32, #tpu.memory_space<vmem>>
      %dma_wait3A_251 = arith.constant 0 : i32
      %dma_wait3A_252 = tpu.memref_slice %arg3[%dma_wait3A_251] : memref<4608000xf32, #tpu.memory_space<hbm>> -> memref<4608000xf32, #tpu.memory_space<hbm>>
      tpu.wait_indirect_dma semaphore(%arg18 : memref<!tpu.dma_semaphore, #tpu.memory_space<semaphore_mem>>) src(%dma_wait3A_252 : memref<4608000xf32, #tpu.memory_space<hbm>>) dst(%dma_wait3A_248 : memref<200xf32, #tpu.memory_space<vmem>>)
      %dma_wait3A_253 = arith.constant 600 : i32
      %dma_wait3A_254 = tpu.memref_slice %arg11[%dma_wait3A_253] : memref<3200xf32, #tpu.memory_space<vmem>> -> memref<200xf32, #tpu.memory_space<vmem>>
      %dma_wait3A_255 = arith.constant 600 : i32
      %dma_wait3A_256 = tpu.memref_slice %arg9[%dma_wait3A_255] : memref<3200xi32, #tpu.memory_space<vmem>> -> memref<200xi32, #tpu.memory_space<vmem>>
      %dma_wait3A_257 = arith.constant 0 : i32
      %dma_wait3A_258 = tpu.memref_slice %arg2[%dma_wait3A_257] : memref<4608000xf32, #tpu.memory_space<hbm>> -> memref<4608000xf32, #tpu.memory_space<hbm>>
      tpu.wait_indirect_dma semaphore(%arg18 : memref<!tpu.dma_semaphore, #tpu.memory_space<semaphore_mem>>) src(%dma_wait3A_258 : memref<4608000xf32, #tpu.memory_space<hbm>>) dst(%dma_wait3A_254 : memref<200xf32, #tpu.memory_space<vmem>>)
      %dma_wait3A_259 = arith.constant 600 : i32
      %dma_wait3A_260 = tpu.memref_slice %arg12[%dma_wait3A_259] : memref<3200xf32, #tpu.memory_space<vmem>> -> memref<200xf32, #tpu.memory_space<vmem>>
      %dma_wait3A_261 = arith.constant 600 : i32
      %dma_wait3A_262 = tpu.memref_slice %arg9[%dma_wait3A_261] : memref<3200xi32, #tpu.memory_space<vmem>> -> memref<200xi32, #tpu.memory_space<vmem>>
      %dma_wait3A_263 = arith.constant 0 : i32
      %dma_wait3A_264 = tpu.memref_slice %arg3[%dma_wait3A_263] : memref<4608000xf32, #tpu.memory_space<hbm>> -> memref<4608000xf32, #tpu.memory_space<hbm>>
      tpu.wait_indirect_dma semaphore(%arg18 : memref<!tpu.dma_semaphore, #tpu.memory_space<semaphore_mem>>) src(%dma_wait3A_264 : memref<4608000xf32, #tpu.memory_space<hbm>>) dst(%dma_wait3A_260 : memref<200xf32, #tpu.memory_space<vmem>>)
      %dma_wait3A_265 = arith.constant 800 : i32
      %dma_wait3A_266 = tpu.memref_slice %arg11[%dma_wait3A_265] : memref<3200xf32, #tpu.memory_space<vmem>> -> memref<200xf32, #tpu.memory_space<vmem>>
      %dma_wait3A_267 = arith.constant 800 : i32
      %dma_wait3A_268 = tpu.memref_slice %arg9[%dma_wait3A_267] : memref<3200xi32, #tpu.memory_space<vmem>> -> memref<200xi32, #tpu.memory_space<vmem>>
      %dma_wait3A_269 = arith.constant 0 : i32
      %dma_wait3A_270 = tpu.memref_slice %arg2[%dma_wait3A_269] : memref<4608000xf32, #tpu.memory_space<hbm>> -> memref<4608000xf32, #tpu.memory_space<hbm>>
      tpu.wait_indirect_dma semaphore(%arg18 : memref<!tpu.dma_semaphore, #tpu.memory_space<semaphore_mem>>) src(%dma_wait3A_270 : memref<4608000xf32, #tpu.memory_space<hbm>>) dst(%dma_wait3A_266 : memref<200xf32, #tpu.memory_space<vmem>>)
      %dma_wait3A_271 = arith.constant 800 : i32
      %dma_wait3A_272 = tpu.memref_slice %arg12[%dma_wait3A_271] : memref<3200xf32, #tpu.memory_space<vmem>> -> memref<200xf32, #tpu.memory_space<vmem>>
      %dma_wait3A_273 = arith.constant 800 : i32
      %dma_wait3A_274 = tpu.memref_slice %arg9[%dma_wait3A_273] : memref<3200xi32, #tpu.memory_space<vmem>> -> memref<200xi32, #tpu.memory_space<vmem>>
      %dma_wait3A_275 = arith.constant 0 : i32
      %dma_wait3A_276 = tpu.memref_slice %arg3[%dma_wait3A_275] : memref<4608000xf32, #tpu.memory_space<hbm>> -> memref<4608000xf32, #tpu.memory_space<hbm>>
      tpu.wait_indirect_dma semaphore(%arg18 : memref<!tpu.dma_semaphore, #tpu.memory_space<semaphore_mem>>) src(%dma_wait3A_276 : memref<4608000xf32, #tpu.memory_space<hbm>>) dst(%dma_wait3A_272 : memref<200xf32, #tpu.memory_space<vmem>>)
      %dma_wait3A_277 = arith.constant 1000 : i32
      %dma_wait3A_278 = tpu.memref_slice %arg11[%dma_wait3A_277] : memref<3200xf32, #tpu.memory_space<vmem>> -> memref<200xf32, #tpu.memory_space<vmem>>
      %dma_wait3A_279 = arith.constant 1000 : i32
      %dma_wait3A_280 = tpu.memref_slice %arg9[%dma_wait3A_279] : memref<3200xi32, #tpu.memory_space<vmem>> -> memref<200xi32, #tpu.memory_space<vmem>>
      %dma_wait3A_281 = arith.constant 0 : i32
      %dma_wait3A_282 = tpu.memref_slice %arg2[%dma_wait3A_281] : memref<4608000xf32, #tpu.memory_space<hbm>> -> memref<4608000xf32, #tpu.memory_space<hbm>>
      tpu.wait_indirect_dma semaphore(%arg18 : memref<!tpu.dma_semaphore, #tpu.memory_space<semaphore_mem>>) src(%dma_wait3A_282 : memref<4608000xf32, #tpu.memory_space<hbm>>) dst(%dma_wait3A_278 : memref<200xf32, #tpu.memory_space<vmem>>)
      %dma_wait3A_283 = arith.constant 1000 : i32
      %dma_wait3A_284 = tpu.memref_slice %arg12[%dma_wait3A_283] : memref<3200xf32, #tpu.memory_space<vmem>> -> memref<200xf32, #tpu.memory_space<vmem>>
      %dma_wait3A_285 = arith.constant 1000 : i32
      %dma_wait3A_286 = tpu.memref_slice %arg9[%dma_wait3A_285] : memref<3200xi32, #tpu.memory_space<vmem>> -> memref<200xi32, #tpu.memory_space<vmem>>
      %dma_wait3A_287 = arith.constant 0 : i32
      %dma_wait3A_288 = tpu.memref_slice %arg3[%dma_wait3A_287] : memref<4608000xf32, #tpu.memory_space<hbm>> -> memref<4608000xf32, #tpu.memory_space<hbm>>
      tpu.wait_indirect_dma semaphore(%arg18 : memref<!tpu.dma_semaphore, #tpu.memory_space<semaphore_mem>>) src(%dma_wait3A_288 : memref<4608000xf32, #tpu.memory_space<hbm>>) dst(%dma_wait3A_284 : memref<200xf32, #tpu.memory_space<vmem>>)
      %dma_wait3A_289 = arith.constant 1200 : i32
      %dma_wait3A_290 = tpu.memref_slice %arg11[%dma_wait3A_289] : memref<3200xf32, #tpu.memory_space<vmem>> -> memref<200xf32, #tpu.memory_space<vmem>>
      %dma_wait3A_291 = arith.constant 1200 : i32
      %dma_wait3A_292 = tpu.memref_slice %arg9[%dma_wait3A_291] : memref<3200xi32, #tpu.memory_space<vmem>> -> memref<200xi32, #tpu.memory_space<vmem>>
      %dma_wait3A_293 = arith.constant 0 : i32
      %dma_wait3A_294 = tpu.memref_slice %arg2[%dma_wait3A_293] : memref<4608000xf32, #tpu.memory_space<hbm>> -> memref<4608000xf32, #tpu.memory_space<hbm>>
      tpu.wait_indirect_dma semaphore(%arg18 : memref<!tpu.dma_semaphore, #tpu.memory_space<semaphore_mem>>) src(%dma_wait3A_294 : memref<4608000xf32, #tpu.memory_space<hbm>>) dst(%dma_wait3A_290 : memref<200xf32, #tpu.memory_space<vmem>>)
      %dma_wait3A_295 = arith.constant 1200 : i32
      %dma_wait3A_296 = tpu.memref_slice %arg12[%dma_wait3A_295] : memref<3200xf32, #tpu.memory_space<vmem>> -> memref<200xf32, #tpu.memory_space<vmem>>
      %dma_wait3A_297 = arith.constant 1200 : i32
      %dma_wait3A_298 = tpu.memref_slice %arg9[%dma_wait3A_297] : memref<3200xi32, #tpu.memory_space<vmem>> -> memref<200xi32, #tpu.memory_space<vmem>>
      %dma_wait3A_299 = arith.constant 0 : i32
      %dma_wait3A_300 = tpu.memref_slice %arg3[%dma_wait3A_299] : memref<4608000xf32, #tpu.memory_space<hbm>> -> memref<4608000xf32, #tpu.memory_space<hbm>>
      tpu.wait_indirect_dma semaphore(%arg18 : memref<!tpu.dma_semaphore, #tpu.memory_space<semaphore_mem>>) src(%dma_wait3A_300 : memref<4608000xf32, #tpu.memory_space<hbm>>) dst(%dma_wait3A_296 : memref<200xf32, #tpu.memory_space<vmem>>)
      %dma_wait3A_301 = arith.constant 1400 : i32
      %dma_wait3A_302 = tpu.memref_slice %arg11[%dma_wait3A_301] : memref<3200xf32, #tpu.memory_space<vmem>> -> memref<200xf32, #tpu.memory_space<vmem>>
      %dma_wait3A_303 = arith.constant 1400 : i32
      %dma_wait3A_304 = tpu.memref_slice %arg9[%dma_wait3A_303] : memref<3200xi32, #tpu.memory_space<vmem>> -> memref<200xi32, #tpu.memory_space<vmem>>
      %dma_wait3A_305 = arith.constant 0 : i32
      %dma_wait3A_306 = tpu.memref_slice %arg2[%dma_wait3A_305] : memref<4608000xf32, #tpu.memory_space<hbm>> -> memref<4608000xf32, #tpu.memory_space<hbm>>
      tpu.wait_indirect_dma semaphore(%arg18 : memref<!tpu.dma_semaphore, #tpu.memory_space<semaphore_mem>>) src(%dma_wait3A_306 : memref<4608000xf32, #tpu.memory_space<hbm>>) dst(%dma_wait3A_302 : memref<200xf32, #tpu.memory_space<vmem>>)
      %dma_wait3A_307 = arith.constant 1400 : i32
      %dma_wait3A_308 = tpu.memref_slice %arg12[%dma_wait3A_307] : memref<3200xf32, #tpu.memory_space<vmem>> -> memref<200xf32, #tpu.memory_space<vmem>>
      %dma_wait3A_309 = arith.constant 1400 : i32
      %dma_wait3A_310 = tpu.memref_slice %arg9[%dma_wait3A_309] : memref<3200xi32, #tpu.memory_space<vmem>> -> memref<200xi32, #tpu.memory_space<vmem>>
      %dma_wait3A_311 = arith.constant 0 : i32
      %dma_wait3A_312 = tpu.memref_slice %arg3[%dma_wait3A_311] : memref<4608000xf32, #tpu.memory_space<hbm>> -> memref<4608000xf32, #tpu.memory_space<hbm>>
      tpu.wait_indirect_dma semaphore(%arg18 : memref<!tpu.dma_semaphore, #tpu.memory_space<semaphore_mem>>) src(%dma_wait3A_312 : memref<4608000xf32, #tpu.memory_space<hbm>>) dst(%dma_wait3A_308 : memref<200xf32, #tpu.memory_space<vmem>>)
      %dma_wait3A_313 = arith.constant 1600 : i32
      %dma_wait3A_314 = tpu.memref_slice %arg11[%dma_wait3A_313] : memref<3200xf32, #tpu.memory_space<vmem>> -> memref<200xf32, #tpu.memory_space<vmem>>
      %dma_wait3A_315 = arith.constant 1600 : i32
      %dma_wait3A_316 = tpu.memref_slice %arg9[%dma_wait3A_315] : memref<3200xi32, #tpu.memory_space<vmem>> -> memref<200xi32, #tpu.memory_space<vmem>>
      %dma_wait3A_317 = arith.constant 0 : i32
      %dma_wait3A_318 = tpu.memref_slice %arg2[%dma_wait3A_317] : memref<4608000xf32, #tpu.memory_space<hbm>> -> memref<4608000xf32, #tpu.memory_space<hbm>>
      tpu.wait_indirect_dma semaphore(%arg18 : memref<!tpu.dma_semaphore, #tpu.memory_space<semaphore_mem>>) src(%dma_wait3A_318 : memref<4608000xf32, #tpu.memory_space<hbm>>) dst(%dma_wait3A_314 : memref<200xf32, #tpu.memory_space<vmem>>)
      %dma_wait3A_319 = arith.constant 1600 : i32
      %dma_wait3A_320 = tpu.memref_slice %arg12[%dma_wait3A_319] : memref<3200xf32, #tpu.memory_space<vmem>> -> memref<200xf32, #tpu.memory_space<vmem>>
      %dma_wait3A_321 = arith.constant 1600 : i32
      %dma_wait3A_322 = tpu.memref_slice %arg9[%dma_wait3A_321] : memref<3200xi32, #tpu.memory_space<vmem>> -> memref<200xi32, #tpu.memory_space<vmem>>
      %dma_wait3A_323 = arith.constant 0 : i32
      %dma_wait3A_324 = tpu.memref_slice %arg3[%dma_wait3A_323] : memref<4608000xf32, #tpu.memory_space<hbm>> -> memref<4608000xf32, #tpu.memory_space<hbm>>
      tpu.wait_indirect_dma semaphore(%arg18 : memref<!tpu.dma_semaphore, #tpu.memory_space<semaphore_mem>>) src(%dma_wait3A_324 : memref<4608000xf32, #tpu.memory_space<hbm>>) dst(%dma_wait3A_320 : memref<200xf32, #tpu.memory_space<vmem>>)
      %dma_wait3A_325 = arith.constant 1800 : i32
      %dma_wait3A_326 = tpu.memref_slice %arg11[%dma_wait3A_325] : memref<3200xf32, #tpu.memory_space<vmem>> -> memref<200xf32, #tpu.memory_space<vmem>>
      %dma_wait3A_327 = arith.constant 1800 : i32
      %dma_wait3A_328 = tpu.memref_slice %arg9[%dma_wait3A_327] : memref<3200xi32, #tpu.memory_space<vmem>> -> memref<200xi32, #tpu.memory_space<vmem>>
      %dma_wait3A_329 = arith.constant 0 : i32
      %dma_wait3A_330 = tpu.memref_slice %arg2[%dma_wait3A_329] : memref<4608000xf32, #tpu.memory_space<hbm>> -> memref<4608000xf32, #tpu.memory_space<hbm>>
      tpu.wait_indirect_dma semaphore(%arg18 : memref<!tpu.dma_semaphore, #tpu.memory_space<semaphore_mem>>) src(%dma_wait3A_330 : memref<4608000xf32, #tpu.memory_space<hbm>>) dst(%dma_wait3A_326 : memref<200xf32, #tpu.memory_space<vmem>>)
      %dma_wait3A_331 = arith.constant 1800 : i32
      %dma_wait3A_332 = tpu.memref_slice %arg12[%dma_wait3A_331] : memref<3200xf32, #tpu.memory_space<vmem>> -> memref<200xf32, #tpu.memory_space<vmem>>
      %dma_wait3A_333 = arith.constant 1800 : i32
      %dma_wait3A_334 = tpu.memref_slice %arg9[%dma_wait3A_333] : memref<3200xi32, #tpu.memory_space<vmem>> -> memref<200xi32, #tpu.memory_space<vmem>>
      %dma_wait3A_335 = arith.constant 0 : i32
      %dma_wait3A_336 = tpu.memref_slice %arg3[%dma_wait3A_335] : memref<4608000xf32, #tpu.memory_space<hbm>> -> memref<4608000xf32, #tpu.memory_space<hbm>>
      tpu.wait_indirect_dma semaphore(%arg18 : memref<!tpu.dma_semaphore, #tpu.memory_space<semaphore_mem>>) src(%dma_wait3A_336 : memref<4608000xf32, #tpu.memory_space<hbm>>) dst(%dma_wait3A_332 : memref<200xf32, #tpu.memory_space<vmem>>)
      %dma_wait3A_337 = arith.constant 2000 : i32
      %dma_wait3A_338 = tpu.memref_slice %arg11[%dma_wait3A_337] : memref<3200xf32, #tpu.memory_space<vmem>> -> memref<200xf32, #tpu.memory_space<vmem>>
      %dma_wait3A_339 = arith.constant 2000 : i32
      %dma_wait3A_340 = tpu.memref_slice %arg9[%dma_wait3A_339] : memref<3200xi32, #tpu.memory_space<vmem>> -> memref<200xi32, #tpu.memory_space<vmem>>
      %dma_wait3A_341 = arith.constant 0 : i32
      %dma_wait3A_342 = tpu.memref_slice %arg2[%dma_wait3A_341] : memref<4608000xf32, #tpu.memory_space<hbm>> -> memref<4608000xf32, #tpu.memory_space<hbm>>
      tpu.wait_indirect_dma semaphore(%arg18 : memref<!tpu.dma_semaphore, #tpu.memory_space<semaphore_mem>>) src(%dma_wait3A_342 : memref<4608000xf32, #tpu.memory_space<hbm>>) dst(%dma_wait3A_338 : memref<200xf32, #tpu.memory_space<vmem>>)
      %dma_wait3A_343 = arith.constant 2000 : i32
      %dma_wait3A_344 = tpu.memref_slice %arg12[%dma_wait3A_343] : memref<3200xf32, #tpu.memory_space<vmem>> -> memref<200xf32, #tpu.memory_space<vmem>>
      %dma_wait3A_345 = arith.constant 2000 : i32
      %dma_wait3A_346 = tpu.memref_slice %arg9[%dma_wait3A_345] : memref<3200xi32, #tpu.memory_space<vmem>> -> memref<200xi32, #tpu.memory_space<vmem>>
      %dma_wait3A_347 = arith.constant 0 : i32
      %dma_wait3A_348 = tpu.memref_slice %arg3[%dma_wait3A_347] : memref<4608000xf32, #tpu.memory_space<hbm>> -> memref<4608000xf32, #tpu.memory_space<hbm>>
      tpu.wait_indirect_dma semaphore(%arg18 : memref<!tpu.dma_semaphore, #tpu.memory_space<semaphore_mem>>) src(%dma_wait3A_348 : memref<4608000xf32, #tpu.memory_space<hbm>>) dst(%dma_wait3A_344 : memref<200xf32, #tpu.memory_space<vmem>>)
      %dma_wait3A_349 = arith.constant 2200 : i32
      %dma_wait3A_350 = tpu.memref_slice %arg11[%dma_wait3A_349] : memref<3200xf32, #tpu.memory_space<vmem>> -> memref<200xf32, #tpu.memory_space<vmem>>
      %dma_wait3A_351 = arith.constant 2200 : i32
      %dma_wait3A_352 = tpu.memref_slice %arg9[%dma_wait3A_351] : memref<3200xi32, #tpu.memory_space<vmem>> -> memref<200xi32, #tpu.memory_space<vmem>>
      %dma_wait3A_353 = arith.constant 0 : i32
      %dma_wait3A_354 = tpu.memref_slice %arg2[%dma_wait3A_353] : memref<4608000xf32, #tpu.memory_space<hbm>> -> memref<4608000xf32, #tpu.memory_space<hbm>>
      tpu.wait_indirect_dma semaphore(%arg18 : memref<!tpu.dma_semaphore, #tpu.memory_space<semaphore_mem>>) src(%dma_wait3A_354 : memref<4608000xf32, #tpu.memory_space<hbm>>) dst(%dma_wait3A_350 : memref<200xf32, #tpu.memory_space<vmem>>)
      %dma_wait3A_355 = arith.constant 2200 : i32
      %dma_wait3A_356 = tpu.memref_slice %arg12[%dma_wait3A_355] : memref<3200xf32, #tpu.memory_space<vmem>> -> memref<200xf32, #tpu.memory_space<vmem>>
      %dma_wait3A_357 = arith.constant 2200 : i32
      %dma_wait3A_358 = tpu.memref_slice %arg9[%dma_wait3A_357] : memref<3200xi32, #tpu.memory_space<vmem>> -> memref<200xi32, #tpu.memory_space<vmem>>
      %dma_wait3A_359 = arith.constant 0 : i32
      %dma_wait3A_360 = tpu.memref_slice %arg3[%dma_wait3A_359] : memref<4608000xf32, #tpu.memory_space<hbm>> -> memref<4608000xf32, #tpu.memory_space<hbm>>
      tpu.wait_indirect_dma semaphore(%arg18 : memref<!tpu.dma_semaphore, #tpu.memory_space<semaphore_mem>>) src(%dma_wait3A_360 : memref<4608000xf32, #tpu.memory_space<hbm>>) dst(%dma_wait3A_356 : memref<200xf32, #tpu.memory_space<vmem>>)
      %dma_wait3A_361 = arith.constant 2400 : i32
      %dma_wait3A_362 = tpu.memref_slice %arg11[%dma_wait3A_361] : memref<3200xf32, #tpu.memory_space<vmem>> -> memref<200xf32, #tpu.memory_space<vmem>>
      %dma_wait3A_363 = arith.constant 2400 : i32
      %dma_wait3A_364 = tpu.memref_slice %arg9[%dma_wait3A_363] : memref<3200xi32, #tpu.memory_space<vmem>> -> memref<200xi32, #tpu.memory_space<vmem>>
      %dma_wait3A_365 = arith.constant 0 : i32
      %dma_wait3A_366 = tpu.memref_slice %arg2[%dma_wait3A_365] : memref<4608000xf32, #tpu.memory_space<hbm>> -> memref<4608000xf32, #tpu.memory_space<hbm>>
      tpu.wait_indirect_dma semaphore(%arg18 : memref<!tpu.dma_semaphore, #tpu.memory_space<semaphore_mem>>) src(%dma_wait3A_366 : memref<4608000xf32, #tpu.memory_space<hbm>>) dst(%dma_wait3A_362 : memref<200xf32, #tpu.memory_space<vmem>>)
      %dma_wait3A_367 = arith.constant 2400 : i32
      %dma_wait3A_368 = tpu.memref_slice %arg12[%dma_wait3A_367] : memref<3200xf32, #tpu.memory_space<vmem>> -> memref<200xf32, #tpu.memory_space<vmem>>
      %dma_wait3A_369 = arith.constant 2400 : i32
      %dma_wait3A_370 = tpu.memref_slice %arg9[%dma_wait3A_369] : memref<3200xi32, #tpu.memory_space<vmem>> -> memref<200xi32, #tpu.memory_space<vmem>>
      %dma_wait3A_371 = arith.constant 0 : i32
      %dma_wait3A_372 = tpu.memref_slice %arg3[%dma_wait3A_371] : memref<4608000xf32, #tpu.memory_space<hbm>> -> memref<4608000xf32, #tpu.memory_space<hbm>>
      tpu.wait_indirect_dma semaphore(%arg18 : memref<!tpu.dma_semaphore, #tpu.memory_space<semaphore_mem>>) src(%dma_wait3A_372 : memref<4608000xf32, #tpu.memory_space<hbm>>) dst(%dma_wait3A_368 : memref<200xf32, #tpu.memory_space<vmem>>)
      %dma_wait3A_373 = arith.constant 2600 : i32
      %dma_wait3A_374 = tpu.memref_slice %arg11[%dma_wait3A_373] : memref<3200xf32, #tpu.memory_space<vmem>> -> memref<200xf32, #tpu.memory_space<vmem>>
      %dma_wait3A_375 = arith.constant 2600 : i32
      %dma_wait3A_376 = tpu.memref_slice %arg9[%dma_wait3A_375] : memref<3200xi32, #tpu.memory_space<vmem>> -> memref<200xi32, #tpu.memory_space<vmem>>
      %dma_wait3A_377 = arith.constant 0 : i32
      %dma_wait3A_378 = tpu.memref_slice %arg2[%dma_wait3A_377] : memref<4608000xf32, #tpu.memory_space<hbm>> -> memref<4608000xf32, #tpu.memory_space<hbm>>
      tpu.wait_indirect_dma semaphore(%arg18 : memref<!tpu.dma_semaphore, #tpu.memory_space<semaphore_mem>>) src(%dma_wait3A_378 : memref<4608000xf32, #tpu.memory_space<hbm>>) dst(%dma_wait3A_374 : memref<200xf32, #tpu.memory_space<vmem>>)
      %dma_wait3A_379 = arith.constant 2600 : i32
      %dma_wait3A_380 = tpu.memref_slice %arg12[%dma_wait3A_379] : memref<3200xf32, #tpu.memory_space<vmem>> -> memref<200xf32, #tpu.memory_space<vmem>>
      %dma_wait3A_381 = arith.constant 2600 : i32
      %dma_wait3A_382 = tpu.memref_slice %arg9[%dma_wait3A_381] : memref<3200xi32, #tpu.memory_space<vmem>> -> memref<200xi32, #tpu.memory_space<vmem>>
      %dma_wait3A_383 = arith.constant 0 : i32
      %dma_wait3A_384 = tpu.memref_slice %arg3[%dma_wait3A_383] : memref<4608000xf32, #tpu.memory_space<hbm>> -> memref<4608000xf32, #tpu.memory_space<hbm>>
      tpu.wait_indirect_dma semaphore(%arg18 : memref<!tpu.dma_semaphore, #tpu.memory_space<semaphore_mem>>) src(%dma_wait3A_384 : memref<4608000xf32, #tpu.memory_space<hbm>>) dst(%dma_wait3A_380 : memref<200xf32, #tpu.memory_space<vmem>>)
      %dma_wait3A_385 = arith.constant 2800 : i32
      %dma_wait3A_386 = tpu.memref_slice %arg11[%dma_wait3A_385] : memref<3200xf32, #tpu.memory_space<vmem>> -> memref<200xf32, #tpu.memory_space<vmem>>
      %dma_wait3A_387 = arith.constant 2800 : i32
      %dma_wait3A_388 = tpu.memref_slice %arg9[%dma_wait3A_387] : memref<3200xi32, #tpu.memory_space<vmem>> -> memref<200xi32, #tpu.memory_space<vmem>>
      %dma_wait3A_389 = arith.constant 0 : i32
      %dma_wait3A_390 = tpu.memref_slice %arg2[%dma_wait3A_389] : memref<4608000xf32, #tpu.memory_space<hbm>> -> memref<4608000xf32, #tpu.memory_space<hbm>>
      tpu.wait_indirect_dma semaphore(%arg18 : memref<!tpu.dma_semaphore, #tpu.memory_space<semaphore_mem>>) src(%dma_wait3A_390 : memref<4608000xf32, #tpu.memory_space<hbm>>) dst(%dma_wait3A_386 : memref<200xf32, #tpu.memory_space<vmem>>)
      %dma_wait3A_391 = arith.constant 2800 : i32
      %dma_wait3A_392 = tpu.memref_slice %arg12[%dma_wait3A_391] : memref<3200xf32, #tpu.memory_space<vmem>> -> memref<200xf32, #tpu.memory_space<vmem>>
      %dma_wait3A_393 = arith.constant 2800 : i32
      %dma_wait3A_394 = tpu.memref_slice %arg9[%dma_wait3A_393] : memref<3200xi32, #tpu.memory_space<vmem>> -> memref<200xi32, #tpu.memory_space<vmem>>
      %dma_wait3A_395 = arith.constant 0 : i32
      %dma_wait3A_396 = tpu.memref_slice %arg3[%dma_wait3A_395] : memref<4608000xf32, #tpu.memory_space<hbm>> -> memref<4608000xf32, #tpu.memory_space<hbm>>
      tpu.wait_indirect_dma semaphore(%arg18 : memref<!tpu.dma_semaphore, #tpu.memory_space<semaphore_mem>>) src(%dma_wait3A_396 : memref<4608000xf32, #tpu.memory_space<hbm>>) dst(%dma_wait3A_392 : memref<200xf32, #tpu.memory_space<vmem>>)
      %dma_wait3A_397 = arith.constant 3000 : i32
      %dma_wait3A_398 = tpu.memref_slice %arg11[%dma_wait3A_397] : memref<3200xf32, #tpu.memory_space<vmem>> -> memref<200xf32, #tpu.memory_space<vmem>>
      %dma_wait3A_399 = arith.constant 3000 : i32
      %dma_wait3A_400 = tpu.memref_slice %arg9[%dma_wait3A_399] : memref<3200xi32, #tpu.memory_space<vmem>> -> memref<200xi32, #tpu.memory_space<vmem>>
      %dma_wait3A_401 = arith.constant 0 : i32
      %dma_wait3A_402 = tpu.memref_slice %arg2[%dma_wait3A_401] : memref<4608000xf32, #tpu.memory_space<hbm>> -> memref<4608000xf32, #tpu.memory_space<hbm>>
      tpu.wait_indirect_dma semaphore(%arg18 : memref<!tpu.dma_semaphore, #tpu.memory_space<semaphore_mem>>) src(%dma_wait3A_402 : memref<4608000xf32, #tpu.memory_space<hbm>>) dst(%dma_wait3A_398 : memref<200xf32, #tpu.memory_space<vmem>>)
      %dma_wait3A_403 = arith.constant 3000 : i32
      %dma_wait3A_404 = tpu.memref_slice %arg12[%dma_wait3A_403] : memref<3200xf32, #tpu.memory_space<vmem>> -> memref<200xf32, #tpu.memory_space<vmem>>
      %dma_wait3A_405 = arith.constant 3000 : i32
      %dma_wait3A_406 = tpu.memref_slice %arg9[%dma_wait3A_405] : memref<3200xi32, #tpu.memory_space<vmem>> -> memref<200xi32, #tpu.memory_space<vmem>>
      %dma_wait3A_407 = arith.constant 0 : i32
      %dma_wait3A_408 = tpu.memref_slice %arg3[%dma_wait3A_407] : memref<4608000xf32, #tpu.memory_space<hbm>> -> memref<4608000xf32, #tpu.memory_space<hbm>>
      tpu.wait_indirect_dma semaphore(%arg18 : memref<!tpu.dma_semaphore, #tpu.memory_space<semaphore_mem>>) src(%dma_wait3A_408 : memref<4608000xf32, #tpu.memory_space<hbm>>) dst(%dma_wait3A_404 : memref<200xf32, #tpu.memory_space<vmem>>)
      %get3A = arith.index_cast %mul3A_213 : i32 to index
      %get3A_409 = arith.constant 0 : index
      %get3A_410 = tpu.vector_load %arg16[%get3A, %get3A_409] {strides = array<i32>} : memref<128x16xf32, #tpu.memory_space<vmem>>, vector<1x16xf32>,
      %get3A_411 = vector.shape_cast %get3A_410 : vector<1x16xf32> to vector<16xf32>
      %get3A_412 = arith.index_cast %mul3A_213 : i32 to index
      %get3A_413 = arith.constant 0 : index
      %get3A_414 = tpu.vector_load %arg17[%get3A_412, %get3A_413] {strides = array<i32>} : memref<128x16xf32, #tpu.memory_space<vmem>>, vector<1x16xf32>,
      %get3A_415 = vector.shape_cast %get3A_414 : vector<1x16xf32> to vector<16xf32>
      %scan3A_416 = arith.constant 0 : i32
      %scan3A_417 = arith.constant 0 : i32
      %scan3A_418 = arith.constant 200 : i32
      %scan3A_419 = arith.addi %scan3A_417, %scan3A_418 : i32
      %scan3A_420 = arith.constant 1 : i32
      scf.for %scan3A_434 = %scan3A_417 to %scan3A_419 step %scan3A_420  : i32 {
        %mul3A_435 = arith.constant 16 : i32
        %mul3A_436 = arith.muli %mul3A_435, %scan3A_434 : i32
        %get3A_437 = arith.index_cast %mul3A_436 : i32 to index
        %get3A_438 = tpu.vector_load %arg15[%get3A_437] {strides = array<i32>} : memref<3200xf32, #tpu.memory_space<vmem>>, vector<16xf32>,
        %get3A_439 = vector.shape_cast %get3A_438 : vector<16xf32> to vector<16xf32>
        %get3A_440 = arith.index_cast %mul3A_436 : i32 to index
        %get3A_441 = tpu.vector_load %arg11[%get3A_440] {strides = array<i32>} : memref<3200xf32, #tpu.memory_space<vmem>>, vector<16xf32>,
        %get3A_442 = vector.shape_cast %get3A_441 : vector<16xf32> to vector<16xf32>
        %mul3A_443 = arith.mulf %get3A_411, %get3A_442 : vector<16xf32>
        %add3A_444 = arith.addf %get3A_439, %mul3A_443 : vector<16xf32>
        %get3A_445 = arith.index_cast %mul3A_436 : i32 to index
        %get3A_446 = tpu.vector_load %arg12[%get3A_445] {strides = array<i32>} : memref<3200xf32, #tpu.memory_space<vmem>>, vector<16xf32>,
        %get3A_447 = vector.shape_cast %get3A_446 : vector<16xf32> to vector<16xf32>
        %mul3A_448 = arith.mulf %get3A_415, %get3A_447 : vector<16xf32>
        %add3A_449 = arith.addf %add3A_444, %mul3A_448 : vector<16xf32>
        %swap3A = arith.index_cast %mul3A_436 : i32 to index
        %swap3A_450 = tpu.vector_load %arg15[%swap3A] {strides = array<i32>} : memref<3200xf32, #tpu.memory_space<vmem>>, vector<16xf32>,
        %swap3A_451 = vector.shape_cast %swap3A_450 : vector<16xf32> to vector<16xf32>
        %swap3A_452 = vector.shape_cast %add3A_449 : vector<16xf32> to vector<16xf32>
        tpu.vector_store %arg15[%swap3A], %swap3A_452 {strides = array<i32>} : memref<3200xf32, #tpu.memory_space<vmem>>, vector<16xf32>,
      }
      %scan3A_421 = arith.constant 200 : i32
      %add3A_422 = arith.constant 2 : i32
      %add3A_423 = arith.addi %mul3A_213, %add3A_422 : i32
      %lt3A_424 = arith.constant 125 : i32
      %lt3A_425 = arith.cmpi slt, %add3A_423, %lt3A_424 : i32
      %convert_element_type3A_426 = arith.extui %lt3A_425 : i1 to i32
      %cond3A_427 = arith.constant 0 : i32
      %cond3A_428 = arith.cmpi ne, %convert_element_type3A_426, %cond3A_427 : i32
      scf.if %cond3A_428 {
        %jit3A = arith.constant 25 : i32
        %div3A = arith.divsi %add3A_423, %jit3A : i32
        %sign3A = arith.constant 0 : i32
        %sign3A_434 = arith.cmpi sgt, %add3A_423, %sign3A : i32
        %sign3A_435 = arith.extui %sign3A_434 : i1 to i32
        %sign3A_436 = arith.constant 0 : i32
        %sign3A_437 = arith.cmpi slt, %add3A_423, %sign3A_436 : i32
        %sign3A_438 = arith.extui %sign3A_437 : i1 to i32
        %sign3A_439 = arith.subi %sign3A_435, %sign3A_438 : i32
        %sign3A_440 = arith.constant 0 : i32
        %sign3A_441 = arith.cmpi sgt, %jit3A, %sign3A_440 : i32
        %sign3A_442 = arith.extui %sign3A_441 : i1 to i32
        %sign3A_443 = arith.constant 0 : i32
        %sign3A_444 = arith.cmpi slt, %jit3A, %sign3A_443 : i32
        %sign3A_445 = arith.extui %sign3A_444 : i1 to i32
        %sign3A_446 = arith.subi %sign3A_442, %sign3A_445 : i32
        %ne3A = arith.cmpi ne, %sign3A_439, %sign3A_446 : i32
        %rem3A = arith.remsi %add3A_423, %jit3A : i32
        %ne3A_447 = arith.constant 0 : i32
        %ne3A_448 = arith.cmpi ne, %rem3A, %ne3A_447 : i32
        %and3A = arith.andi %ne3A, %ne3A_448 : i1
        %sub3A = arith.constant 1 : i32
        %sub3A_449 = arith.subi %div3A, %sub3A : i32
        %select_n3A = arith.select %and3A, %sub3A_449, %div3A : i32
        %sub3A_450 = arith.constant 2 : i32
        %sub3A_451 = arith.subi %select_n3A, %sub3A_450 : i32
        %jit3A_452 = arith.constant 5 : i32
        %div3A_453 = arith.divsi %add3A_423, %jit3A_452 : i32
        %sign3A_454 = arith.constant 0 : i32
        %sign3A_455 = arith.cmpi sgt, %add3A_423, %sign3A_454 : i32
        %sign3A_456 = arith.extui %sign3A_455 : i1 to i32
        %sign3A_457 = arith.constant 0 : i32
        %sign3A_458 = arith.cmpi slt, %add3A_423, %sign3A_457 : i32
        %sign3A_459 = arith.extui %sign3A_458 : i1 to i32
        %sign3A_460 = arith.subi %sign3A_456, %sign3A_459 : i32
        %sign3A_461 = arith.constant 0 : i32
        %sign3A_462 = arith.cmpi sgt, %jit3A_452, %sign3A_461 : i32
        %sign3A_463 = arith.extui %sign3A_462 : i1 to i32
        %sign3A_464 = arith.constant 0 : i32
        %sign3A_465 = arith.cmpi slt, %jit3A_452, %sign3A_464 : i32
        %sign3A_466 = arith.extui %sign3A_465 : i1 to i32
        %sign3A_467 = arith.subi %sign3A_463, %sign3A_466 : i32
        %ne3A_468 = arith.cmpi ne, %sign3A_460, %sign3A_467 : i32
        %rem3A_469 = arith.remsi %add3A_423, %jit3A_452 : i32
        %ne3A_470 = arith.constant 0 : i32
        %ne3A_471 = arith.cmpi ne, %rem3A_469, %ne3A_470 : i32
        %and3A_472 = arith.andi %ne3A_468, %ne3A_471 : i1
        %sub3A_473 = arith.constant 1 : i32
        %sub3A_474 = arith.subi %div3A_453, %sub3A_473 : i32
        %select_n3A_475 = arith.select %and3A_472, %sub3A_474, %div3A_453 : i32
        %jit3A_476 = arith.constant 5 : i32
        %eq3A = arith.constant 0 : i32
        %eq3A_477 = arith.cmpi eq, %jit3A_476, %eq3A : i32
        %jit3A_478 = arith.constant 1 : i32
        %select_n3A_479 = arith.select %eq3A_477, %jit3A_478, %jit3A_476 : i32
        %rem3A_480 = arith.remsi %select_n3A_475, %select_n3A_479 : i32
        %ne3A_481 = arith.constant 0 : i32
        %ne3A_482 = arith.cmpi ne, %rem3A_480, %ne3A_481 : i32
        %lt3A_483 = arith.constant 0 : i32
        %lt3A_484 = arith.cmpi slt, %rem3A_480, %lt3A_483 : i32
        %lt3A_485 = arith.constant 0 : i32
        %lt3A_486 = arith.cmpi slt, %select_n3A_479, %lt3A_485 : i32
        %ne3A_487 = arith.xori %lt3A_484, %lt3A_486 : i1
        %and3A_488 = arith.andi %ne3A_487, %ne3A_482 : i1
        %add3A_489 = arith.addi %rem3A_480, %select_n3A_479 : i32
        %select_n3A_490 = arith.select %and3A_488, %add3A_489, %rem3A_480 : i32
        %sub3A_491 = arith.constant 2 : i32
        %sub3A_492 = arith.subi %select_n3A_490, %sub3A_491 : i32
        %jit3A_493 = arith.constant 5 : i32
        %eq3A_494 = arith.constant 0 : i32
        %eq3A_495 = arith.cmpi eq, %jit3A_493, %eq3A_494 : i32
        %jit3A_496 = arith.constant 1 : i32
        %select_n3A_497 = arith.select %eq3A_495, %jit3A_496, %jit3A_493 : i32
        %rem3A_498 = arith.remsi %add3A_423, %select_n3A_497 : i32
        %ne3A_499 = arith.constant 0 : i32
        %ne3A_500 = arith.cmpi ne, %rem3A_498, %ne3A_499 : i32
        %lt3A_501 = arith.constant 0 : i32
        %lt3A_502 = arith.cmpi slt, %rem3A_498, %lt3A_501 : i32
        %lt3A_503 = arith.constant 0 : i32
        %lt3A_504 = arith.cmpi slt, %select_n3A_497, %lt3A_503 : i32
        %ne3A_505 = arith.xori %lt3A_502, %lt3A_504 : i1
        %and3A_506 = arith.andi %ne3A_505, %ne3A_500 : i1
        %add3A_507 = arith.addi %rem3A_498, %select_n3A_497 : i32
        %select_n3A_508 = arith.select %and3A_506, %add3A_507, %rem3A_498 : i32
        %sub3A_509 = arith.constant 2 : i32
        %sub3A_510 = arith.subi %select_n3A_508, %sub3A_509 : i32
        %mul3A_511 = arith.constant 132 : i32
        %mul3A_512 = arith.muli %sub3A_451, %mul3A_511 : i32
        %add3A_513 = arith.addi %mul3A_512, %sub3A_492 : i32
        %mul3A_514 = arith.constant 132 : i32
        %mul3A_515 = arith.muli %add3A_513, %mul3A_514 : i32
        %add3A_516 = arith.addi %mul3A_515, %sub3A_510 : i32
        %scan3A_517 = arith.constant 0 : i32
        %scan3A_518 = arith.constant 0 : i32
        %scan3A_519 = arith.constant 200 : i32
        %scan3A_520 = arith.addi %scan3A_518, %scan3A_519 : i32
        %scan3A_521 = arith.constant 1 : i32
        scf.for %scan3A_715 = %scan3A_518 to %scan3A_520 step %scan3A_521  : i32 {
          %mul3A_716 = arith.constant 16 : i32
          %mul3A_717 = arith.muli %mul3A_716, %scan3A_715 : i32
          %get3A_718 = arith.index_cast %mul3A_717 : i32 to index
          %get3A_719 = tpu.vector_load %arg8[%get3A_718] {strides = array<i32>} : memref<3200xi32, #tpu.memory_space<vmem>>, vector<16xi32>,
          %get3A_720 = vector.shape_cast %get3A_719 : vector<16xi32> to vector<16xi32>
          %add3A_721 = vector.broadcast %add3A_516 : i32 to vector<16xi32>
          %add3A_722 = arith.addi %get3A_720, %add3A_721 : vector<16xi32>
          %swap3A = arith.index_cast %mul3A_717 : i32 to index
          %swap3A_723 = tpu.vector_load %arg9[%swap3A] {strides = array<i32>} : memref<3200xi32, #tpu.memory_space<vmem>>, vector<16xi32>,
          %swap3A_724 = vector.shape_cast %swap3A_723 : vector<16xi32> to vector<16xi32>
          %swap3A_725 = vector.shape_cast %add3A_722 : vector<16xi32> to vector<16xi32>
          tpu.vector_store %arg9[%swap3A], %swap3A_725 {strides = array<i32>} : memref<3200xi32, #tpu.memory_space<vmem>>, vector<16xi32>,
        }
        %scan3A_522 = arith.constant 200 : i32
        %dma_start3A_523 = arith.constant 0 : i32
        %dma_start3A_524 = tpu.memref_slice %arg11[%dma_start3A_523] : memref<3200xf32, #tpu.memory_space<vmem>> -> memref<200xf32, #tpu.memory_space<vmem>>
        %dma_start3A_525 = arith.constant 0 : i32
        %dma_start3A_526 = tpu.memref_slice %arg9[%dma_start3A_525] : memref<3200xi32, #tpu.memory_space<vmem>> -> memref<200xi32, #tpu.memory_space<vmem>>
        %dma_start3A_527 = arith.constant 0 : i32
        %dma_start3A_528 = tpu.memref_slice %arg2[%dma_start3A_527] : memref<4608000xf32, #tpu.memory_space<hbm>> -> memref<4608000xf32, #tpu.memory_space<hbm>>
        tpu.enqueue_indirect_dma source(%dma_start3A_528 : memref<4608000xf32, #tpu.memory_space<hbm>>) target(%dma_start3A_524 : memref<200xf32, #tpu.memory_space<vmem>>) offsets(%dma_start3A_526 : memref<200xi32, #tpu.memory_space<vmem>>) semaphore(%arg18 : memref<!tpu.dma_semaphore, #tpu.memory_space<semaphore_mem>>)
        %dma_start3A_529 = arith.constant 0 : i32
        %dma_start3A_530 = tpu.memref_slice %arg12[%dma_start3A_529] : memref<3200xf32, #tpu.memory_space<vmem>> -> memref<200xf32, #tpu.memory_space<vmem>>
        %dma_start3A_531 = arith.constant 0 : i32
        %dma_start3A_532 = tpu.memref_slice %arg9[%dma_start3A_531] : memref<3200xi32, #tpu.memory_space<vmem>> -> memref<200xi32, #tpu.memory_space<vmem>>
        %dma_start3A_533 = arith.constant 0 : i32
        %dma_start3A_534 = tpu.memref_slice %arg3[%dma_start3A_533] : memref<4608000xf32, #tpu.memory_space<hbm>> -> memref<4608000xf32, #tpu.memory_space<hbm>>
        tpu.enqueue_indirect_dma source(%dma_start3A_534 : memref<4608000xf32, #tpu.memory_space<hbm>>) target(%dma_start3A_530 : memref<200xf32, #tpu.memory_space<vmem>>) offsets(%dma_start3A_532 : memref<200xi32, #tpu.memory_space<vmem>>) semaphore(%arg18 : memref<!tpu.dma_semaphore, #tpu.memory_space<semaphore_mem>>)
        %dma_start3A_535 = arith.constant 200 : i32
        %dma_start3A_536 = tpu.memref_slice %arg11[%dma_start3A_535] : memref<3200xf32, #tpu.memory_space<vmem>> -> memref<200xf32, #tpu.memory_space<vmem>>
        %dma_start3A_537 = arith.constant 200 : i32
        %dma_start3A_538 = tpu.memref_slice %arg9[%dma_start3A_537] : memref<3200xi32, #tpu.memory_space<vmem>> -> memref<200xi32, #tpu.memory_space<vmem>>
        %dma_start3A_539 = arith.constant 0 : i32
        %dma_start3A_540 = tpu.memref_slice %arg2[%dma_start3A_539] : memref<4608000xf32, #tpu.memory_space<hbm>> -> memref<4608000xf32, #tpu.memory_space<hbm>>
        tpu.enqueue_indirect_dma source(%dma_start3A_540 : memref<4608000xf32, #tpu.memory_space<hbm>>) target(%dma_start3A_536 : memref<200xf32, #tpu.memory_space<vmem>>) offsets(%dma_start3A_538 : memref<200xi32, #tpu.memory_space<vmem>>) semaphore(%arg18 : memref<!tpu.dma_semaphore, #tpu.memory_space<semaphore_mem>>)
        %dma_start3A_541 = arith.constant 200 : i32
        %dma_start3A_542 = tpu.memref_slice %arg12[%dma_start3A_541] : memref<3200xf32, #tpu.memory_space<vmem>> -> memref<200xf32, #tpu.memory_space<vmem>>
        %dma_start3A_543 = arith.constant 200 : i32
        %dma_start3A_544 = tpu.memref_slice %arg9[%dma_start3A_543] : memref<3200xi32, #tpu.memory_space<vmem>> -> memref<200xi32, #tpu.memory_space<vmem>>
        %dma_start3A_545 = arith.constant 0 : i32
        %dma_start3A_546 = tpu.memref_slice %arg3[%dma_start3A_545] : memref<4608000xf32, #tpu.memory_space<hbm>> -> memref<4608000xf32, #tpu.memory_space<hbm>>
        tpu.enqueue_indirect_dma source(%dma_start3A_546 : memref<4608000xf32, #tpu.memory_space<hbm>>) target(%dma_start3A_542 : memref<200xf32, #tpu.memory_space<vmem>>) offsets(%dma_start3A_544 : memref<200xi32, #tpu.memory_space<vmem>>) semaphore(%arg18 : memref<!tpu.dma_semaphore, #tpu.memory_space<semaphore_mem>>)
        %dma_start3A_547 = arith.constant 400 : i32
        %dma_start3A_548 = tpu.memref_slice %arg11[%dma_start3A_547] : memref<3200xf32, #tpu.memory_space<vmem>> -> memref<200xf32, #tpu.memory_space<vmem>>
        %dma_start3A_549 = arith.constant 400 : i32
        %dma_start3A_550 = tpu.memref_slice %arg9[%dma_start3A_549] : memref<3200xi32, #tpu.memory_space<vmem>> -> memref<200xi32, #tpu.memory_space<vmem>>
        %dma_start3A_551 = arith.constant 0 : i32
        %dma_start3A_552 = tpu.memref_slice %arg2[%dma_start3A_551] : memref<4608000xf32, #tpu.memory_space<hbm>> -> memref<4608000xf32, #tpu.memory_space<hbm>>
        tpu.enqueue_indirect_dma source(%dma_start3A_552 : memref<4608000xf32, #tpu.memory_space<hbm>>) target(%dma_start3A_548 : memref<200xf32, #tpu.memory_space<vmem>>) offsets(%dma_start3A_550 : memref<200xi32, #tpu.memory_space<vmem>>) semaphore(%arg18 : memref<!tpu.dma_semaphore, #tpu.memory_space<semaphore_mem>>)
        %dma_start3A_553 = arith.constant 400 : i32
        %dma_start3A_554 = tpu.memref_slice %arg12[%dma_start3A_553] : memref<3200xf32, #tpu.memory_space<vmem>> -> memref<200xf32, #tpu.memory_space<vmem>>
        %dma_start3A_555 = arith.constant 400 : i32
        %dma_start3A_556 = tpu.memref_slice %arg9[%dma_start3A_555] : memref<3200xi32, #tpu.memory_space<vmem>> -> memref<200xi32, #tpu.memory_space<vmem>>
        %dma_start3A_557 = arith.constant 0 : i32
        %dma_start3A_558 = tpu.memref_slice %arg3[%dma_start3A_557] : memref<4608000xf32, #tpu.memory_space<hbm>> -> memref<4608000xf32, #tpu.memory_space<hbm>>
        tpu.enqueue_indirect_dma source(%dma_start3A_558 : memref<4608000xf32, #tpu.memory_space<hbm>>) target(%dma_start3A_554 : memref<200xf32, #tpu.memory_space<vmem>>) offsets(%dma_start3A_556 : memref<200xi32, #tpu.memory_space<vmem>>) semaphore(%arg18 : memref<!tpu.dma_semaphore, #tpu.memory_space<semaphore_mem>>)
        %dma_start3A_559 = arith.constant 600 : i32
        %dma_start3A_560 = tpu.memref_slice %arg11[%dma_start3A_559] : memref<3200xf32, #tpu.memory_space<vmem>> -> memref<200xf32, #tpu.memory_space<vmem>>
        %dma_start3A_561 = arith.constant 600 : i32
        %dma_start3A_562 = tpu.memref_slice %arg9[%dma_start3A_561] : memref<3200xi32, #tpu.memory_space<vmem>> -> memref<200xi32, #tpu.memory_space<vmem>>
        %dma_start3A_563 = arith.constant 0 : i32
        %dma_start3A_564 = tpu.memref_slice %arg2[%dma_start3A_563] : memref<4608000xf32, #tpu.memory_space<hbm>> -> memref<4608000xf32, #tpu.memory_space<hbm>>
        tpu.enqueue_indirect_dma source(%dma_start3A_564 : memref<4608000xf32, #tpu.memory_space<hbm>>) target(%dma_start3A_560 : memref<200xf32, #tpu.memory_space<vmem>>) offsets(%dma_start3A_562 : memref<200xi32, #tpu.memory_space<vmem>>) semaphore(%arg18 : memref<!tpu.dma_semaphore, #tpu.memory_space<semaphore_mem>>)
        %dma_start3A_565 = arith.constant 600 : i32
        %dma_start3A_566 = tpu.memref_slice %arg12[%dma_start3A_565] : memref<3200xf32, #tpu.memory_space<vmem>> -> memref<200xf32, #tpu.memory_space<vmem>>
        %dma_start3A_567 = arith.constant 600 : i32
        %dma_start3A_568 = tpu.memref_slice %arg9[%dma_start3A_567] : memref<3200xi32, #tpu.memory_space<vmem>> -> memref<200xi32, #tpu.memory_space<vmem>>
        %dma_start3A_569 = arith.constant 0 : i32
        %dma_start3A_570 = tpu.memref_slice %arg3[%dma_start3A_569] : memref<4608000xf32, #tpu.memory_space<hbm>> -> memref<4608000xf32, #tpu.memory_space<hbm>>
        tpu.enqueue_indirect_dma source(%dma_start3A_570 : memref<4608000xf32, #tpu.memory_space<hbm>>) target(%dma_start3A_566 : memref<200xf32, #tpu.memory_space<vmem>>) offsets(%dma_start3A_568 : memref<200xi32, #tpu.memory_space<vmem>>) semaphore(%arg18 : memref<!tpu.dma_semaphore, #tpu.memory_space<semaphore_mem>>)
        %dma_start3A_571 = arith.constant 800 : i32
        %dma_start3A_572 = tpu.memref_slice %arg11[%dma_start3A_571] : memref<3200xf32, #tpu.memory_space<vmem>> -> memref<200xf32, #tpu.memory_space<vmem>>
        %dma_start3A_573 = arith.constant 800 : i32
        %dma_start3A_574 = tpu.memref_slice %arg9[%dma_start3A_573] : memref<3200xi32, #tpu.memory_space<vmem>> -> memref<200xi32, #tpu.memory_space<vmem>>
        %dma_start3A_575 = arith.constant 0 : i32
        %dma_start3A_576 = tpu.memref_slice %arg2[%dma_start3A_575] : memref<4608000xf32, #tpu.memory_space<hbm>> -> memref<4608000xf32, #tpu.memory_space<hbm>>
        tpu.enqueue_indirect_dma source(%dma_start3A_576 : memref<4608000xf32, #tpu.memory_space<hbm>>) target(%dma_start3A_572 : memref<200xf32, #tpu.memory_space<vmem>>) offsets(%dma_start3A_574 : memref<200xi32, #tpu.memory_space<vmem>>) semaphore(%arg18 : memref<!tpu.dma_semaphore, #tpu.memory_space<semaphore_mem>>)
        %dma_start3A_577 = arith.constant 800 : i32
        %dma_start3A_578 = tpu.memref_slice %arg12[%dma_start3A_577] : memref<3200xf32, #tpu.memory_space<vmem>> -> memref<200xf32, #tpu.memory_space<vmem>>
        %dma_start3A_579 = arith.constant 800 : i32
        %dma_start3A_580 = tpu.memref_slice %arg9[%dma_start3A_579] : memref<3200xi32, #tpu.memory_space<vmem>> -> memref<200xi32, #tpu.memory_space<vmem>>
        %dma_start3A_581 = arith.constant 0 : i32
        %dma_start3A_582 = tpu.memref_slice %arg3[%dma_start3A_581] : memref<4608000xf32, #tpu.memory_space<hbm>> -> memref<4608000xf32, #tpu.memory_space<hbm>>
        tpu.enqueue_indirect_dma source(%dma_start3A_582 : memref<4608000xf32, #tpu.memory_space<hbm>>) target(%dma_start3A_578 : memref<200xf32, #tpu.memory_space<vmem>>) offsets(%dma_start3A_580 : memref<200xi32, #tpu.memory_space<vmem>>) semaphore(%arg18 : memref<!tpu.dma_semaphore, #tpu.memory_space<semaphore_mem>>)
        %dma_start3A_583 = arith.constant 1000 : i32
        %dma_start3A_584 = tpu.memref_slice %arg11[%dma_start3A_583] : memref<3200xf32, #tpu.memory_space<vmem>> -> memref<200xf32, #tpu.memory_space<vmem>>
        %dma_start3A_585 = arith.constant 1000 : i32
        %dma_start3A_586 = tpu.memref_slice %arg9[%dma_start3A_585] : memref<3200xi32, #tpu.memory_space<vmem>> -> memref<200xi32, #tpu.memory_space<vmem>>
        %dma_start3A_587 = arith.constant 0 : i32
        %dma_start3A_588 = tpu.memref_slice %arg2[%dma_start3A_587] : memref<4608000xf32, #tpu.memory_space<hbm>> -> memref<4608000xf32, #tpu.memory_space<hbm>>
        tpu.enqueue_indirect_dma source(%dma_start3A_588 : memref<4608000xf32, #tpu.memory_space<hbm>>) target(%dma_start3A_584 : memref<200xf32, #tpu.memory_space<vmem>>) offsets(%dma_start3A_586 : memref<200xi32, #tpu.memory_space<vmem>>) semaphore(%arg18 : memref<!tpu.dma_semaphore, #tpu.memory_space<semaphore_mem>>)
        %dma_start3A_589 = arith.constant 1000 : i32
        %dma_start3A_590 = tpu.memref_slice %arg12[%dma_start3A_589] : memref<3200xf32, #tpu.memory_space<vmem>> -> memref<200xf32, #tpu.memory_space<vmem>>
        %dma_start3A_591 = arith.constant 1000 : i32
        %dma_start3A_592 = tpu.memref_slice %arg9[%dma_start3A_591] : memref<3200xi32, #tpu.memory_space<vmem>> -> memref<200xi32, #tpu.memory_space<vmem>>
        %dma_start3A_593 = arith.constant 0 : i32
        %dma_start3A_594 = tpu.memref_slice %arg3[%dma_start3A_593] : memref<4608000xf32, #tpu.memory_space<hbm>> -> memref<4608000xf32, #tpu.memory_space<hbm>>
        tpu.enqueue_indirect_dma source(%dma_start3A_594 : memref<4608000xf32, #tpu.memory_space<hbm>>) target(%dma_start3A_590 : memref<200xf32, #tpu.memory_space<vmem>>) offsets(%dma_start3A_592 : memref<200xi32, #tpu.memory_space<vmem>>) semaphore(%arg18 : memref<!tpu.dma_semaphore, #tpu.memory_space<semaphore_mem>>)
        %dma_start3A_595 = arith.constant 1200 : i32
        %dma_start3A_596 = tpu.memref_slice %arg11[%dma_start3A_595] : memref<3200xf32, #tpu.memory_space<vmem>> -> memref<200xf32, #tpu.memory_space<vmem>>
        %dma_start3A_597 = arith.constant 1200 : i32
        %dma_start3A_598 = tpu.memref_slice %arg9[%dma_start3A_597] : memref<3200xi32, #tpu.memory_space<vmem>> -> memref<200xi32, #tpu.memory_space<vmem>>
        %dma_start3A_599 = arith.constant 0 : i32
        %dma_start3A_600 = tpu.memref_slice %arg2[%dma_start3A_599] : memref<4608000xf32, #tpu.memory_space<hbm>> -> memref<4608000xf32, #tpu.memory_space<hbm>>
        tpu.enqueue_indirect_dma source(%dma_start3A_600 : memref<4608000xf32, #tpu.memory_space<hbm>>) target(%dma_start3A_596 : memref<200xf32, #tpu.memory_space<vmem>>) offsets(%dma_start3A_598 : memref<200xi32, #tpu.memory_space<vmem>>) semaphore(%arg18 : memref<!tpu.dma_semaphore, #tpu.memory_space<semaphore_mem>>)
        %dma_start3A_601 = arith.constant 1200 : i32
        %dma_start3A_602 = tpu.memref_slice %arg12[%dma_start3A_601] : memref<3200xf32, #tpu.memory_space<vmem>> -> memref<200xf32, #tpu.memory_space<vmem>>
        %dma_start3A_603 = arith.constant 1200 : i32
        %dma_start3A_604 = tpu.memref_slice %arg9[%dma_start3A_603] : memref<3200xi32, #tpu.memory_space<vmem>> -> memref<200xi32, #tpu.memory_space<vmem>>
        %dma_start3A_605 = arith.constant 0 : i32
        %dma_start3A_606 = tpu.memref_slice %arg3[%dma_start3A_605] : memref<4608000xf32, #tpu.memory_space<hbm>> -> memref<4608000xf32, #tpu.memory_space<hbm>>
        tpu.enqueue_indirect_dma source(%dma_start3A_606 : memref<4608000xf32, #tpu.memory_space<hbm>>) target(%dma_start3A_602 : memref<200xf32, #tpu.memory_space<vmem>>) offsets(%dma_start3A_604 : memref<200xi32, #tpu.memory_space<vmem>>) semaphore(%arg18 : memref<!tpu.dma_semaphore, #tpu.memory_space<semaphore_mem>>)
        %dma_start3A_607 = arith.constant 1400 : i32
        %dma_start3A_608 = tpu.memref_slice %arg11[%dma_start3A_607] : memref<3200xf32, #tpu.memory_space<vmem>> -> memref<200xf32, #tpu.memory_space<vmem>>
        %dma_start3A_609 = arith.constant 1400 : i32
        %dma_start3A_610 = tpu.memref_slice %arg9[%dma_start3A_609] : memref<3200xi32, #tpu.memory_space<vmem>> -> memref<200xi32, #tpu.memory_space<vmem>>
        %dma_start3A_611 = arith.constant 0 : i32
        %dma_start3A_612 = tpu.memref_slice %arg2[%dma_start3A_611] : memref<4608000xf32, #tpu.memory_space<hbm>> -> memref<4608000xf32, #tpu.memory_space<hbm>>
        tpu.enqueue_indirect_dma source(%dma_start3A_612 : memref<4608000xf32, #tpu.memory_space<hbm>>) target(%dma_start3A_608 : memref<200xf32, #tpu.memory_space<vmem>>) offsets(%dma_start3A_610 : memref<200xi32, #tpu.memory_space<vmem>>) semaphore(%arg18 : memref<!tpu.dma_semaphore, #tpu.memory_space<semaphore_mem>>)
        %dma_start3A_613 = arith.constant 1400 : i32
        %dma_start3A_614 = tpu.memref_slice %arg12[%dma_start3A_613] : memref<3200xf32, #tpu.memory_space<vmem>> -> memref<200xf32, #tpu.memory_space<vmem>>
        %dma_start3A_615 = arith.constant 1400 : i32
        %dma_start3A_616 = tpu.memref_slice %arg9[%dma_start3A_615] : memref<3200xi32, #tpu.memory_space<vmem>> -> memref<200xi32, #tpu.memory_space<vmem>>
        %dma_start3A_617 = arith.constant 0 : i32
        %dma_start3A_618 = tpu.memref_slice %arg3[%dma_start3A_617] : memref<4608000xf32, #tpu.memory_space<hbm>> -> memref<4608000xf32, #tpu.memory_space<hbm>>
        tpu.enqueue_indirect_dma source(%dma_start3A_618 : memref<4608000xf32, #tpu.memory_space<hbm>>) target(%dma_start3A_614 : memref<200xf32, #tpu.memory_space<vmem>>) offsets(%dma_start3A_616 : memref<200xi32, #tpu.memory_space<vmem>>) semaphore(%arg18 : memref<!tpu.dma_semaphore, #tpu.memory_space<semaphore_mem>>)
        %dma_start3A_619 = arith.constant 1600 : i32
        %dma_start3A_620 = tpu.memref_slice %arg11[%dma_start3A_619] : memref<3200xf32, #tpu.memory_space<vmem>> -> memref<200xf32, #tpu.memory_space<vmem>>
        %dma_start3A_621 = arith.constant 1600 : i32
        %dma_start3A_622 = tpu.memref_slice %arg9[%dma_start3A_621] : memref<3200xi32, #tpu.memory_space<vmem>> -> memref<200xi32, #tpu.memory_space<vmem>>
        %dma_start3A_623 = arith.constant 0 : i32
        %dma_start3A_624 = tpu.memref_slice %arg2[%dma_start3A_623] : memref<4608000xf32, #tpu.memory_space<hbm>> -> memref<4608000xf32, #tpu.memory_space<hbm>>
        tpu.enqueue_indirect_dma source(%dma_start3A_624 : memref<4608000xf32, #tpu.memory_space<hbm>>) target(%dma_start3A_620 : memref<200xf32, #tpu.memory_space<vmem>>) offsets(%dma_start3A_622 : memref<200xi32, #tpu.memory_space<vmem>>) semaphore(%arg18 : memref<!tpu.dma_semaphore, #tpu.memory_space<semaphore_mem>>)
        %dma_start3A_625 = arith.constant 1600 : i32
        %dma_start3A_626 = tpu.memref_slice %arg12[%dma_start3A_625] : memref<3200xf32, #tpu.memory_space<vmem>> -> memref<200xf32, #tpu.memory_space<vmem>>
        %dma_start3A_627 = arith.constant 1600 : i32
        %dma_start3A_628 = tpu.memref_slice %arg9[%dma_start3A_627] : memref<3200xi32, #tpu.memory_space<vmem>> -> memref<200xi32, #tpu.memory_space<vmem>>
        %dma_start3A_629 = arith.constant 0 : i32
        %dma_start3A_630 = tpu.memref_slice %arg3[%dma_start3A_629] : memref<4608000xf32, #tpu.memory_space<hbm>> -> memref<4608000xf32, #tpu.memory_space<hbm>>
        tpu.enqueue_indirect_dma source(%dma_start3A_630 : memref<4608000xf32, #tpu.memory_space<hbm>>) target(%dma_start3A_626 : memref<200xf32, #tpu.memory_space<vmem>>) offsets(%dma_start3A_628 : memref<200xi32, #tpu.memory_space<vmem>>) semaphore(%arg18 : memref<!tpu.dma_semaphore, #tpu.memory_space<semaphore_mem>>)
        %dma_start3A_631 = arith.constant 1800 : i32
        %dma_start3A_632 = tpu.memref_slice %arg11[%dma_start3A_631] : memref<3200xf32, #tpu.memory_space<vmem>> -> memref<200xf32, #tpu.memory_space<vmem>>
        %dma_start3A_633 = arith.constant 1800 : i32
        %dma_start3A_634 = tpu.memref_slice %arg9[%dma_start3A_633] : memref<3200xi32, #tpu.memory_space<vmem>> -> memref<200xi32, #tpu.memory_space<vmem>>
        %dma_start3A_635 = arith.constant 0 : i32
        %dma_start3A_636 = tpu.memref_slice %arg2[%dma_start3A_635] : memref<4608000xf32, #tpu.memory_space<hbm>> -> memref<4608000xf32, #tpu.memory_space<hbm>>
        tpu.enqueue_indirect_dma source(%dma_start3A_636 : memref<4608000xf32, #tpu.memory_space<hbm>>) target(%dma_start3A_632 : memref<200xf32, #tpu.memory_space<vmem>>) offsets(%dma_start3A_634 : memref<200xi32, #tpu.memory_space<vmem>>) semaphore(%arg18 : memref<!tpu.dma_semaphore, #tpu.memory_space<semaphore_mem>>)
        %dma_start3A_637 = arith.constant 1800 : i32
        %dma_start3A_638 = tpu.memref_slice %arg12[%dma_start3A_637] : memref<3200xf32, #tpu.memory_space<vmem>> -> memref<200xf32, #tpu.memory_space<vmem>>
        %dma_start3A_639 = arith.constant 1800 : i32
        %dma_start3A_640 = tpu.memref_slice %arg9[%dma_start3A_639] : memref<3200xi32, #tpu.memory_space<vmem>> -> memref<200xi32, #tpu.memory_space<vmem>>
        %dma_start3A_641 = arith.constant 0 : i32
        %dma_start3A_642 = tpu.memref_slice %arg3[%dma_start3A_641] : memref<4608000xf32, #tpu.memory_space<hbm>> -> memref<4608000xf32, #tpu.memory_space<hbm>>
        tpu.enqueue_indirect_dma source(%dma_start3A_642 : memref<4608000xf32, #tpu.memory_space<hbm>>) target(%dma_start3A_638 : memref<200xf32, #tpu.memory_space<vmem>>) offsets(%dma_start3A_640 : memref<200xi32, #tpu.memory_space<vmem>>) semaphore(%arg18 : memref<!tpu.dma_semaphore, #tpu.memory_space<semaphore_mem>>)
        %dma_start3A_643 = arith.constant 2000 : i32
        %dma_start3A_644 = tpu.memref_slice %arg11[%dma_start3A_643] : memref<3200xf32, #tpu.memory_space<vmem>> -> memref<200xf32, #tpu.memory_space<vmem>>
        %dma_start3A_645 = arith.constant 2000 : i32
        %dma_start3A_646 = tpu.memref_slice %arg9[%dma_start3A_645] : memref<3200xi32, #tpu.memory_space<vmem>> -> memref<200xi32, #tpu.memory_space<vmem>>
        %dma_start3A_647 = arith.constant 0 : i32
        %dma_start3A_648 = tpu.memref_slice %arg2[%dma_start3A_647] : memref<4608000xf32, #tpu.memory_space<hbm>> -> memref<4608000xf32, #tpu.memory_space<hbm>>
        tpu.enqueue_indirect_dma source(%dma_start3A_648 : memref<4608000xf32, #tpu.memory_space<hbm>>) target(%dma_start3A_644 : memref<200xf32, #tpu.memory_space<vmem>>) offsets(%dma_start3A_646 : memref<200xi32, #tpu.memory_space<vmem>>) semaphore(%arg18 : memref<!tpu.dma_semaphore, #tpu.memory_space<semaphore_mem>>)
        %dma_start3A_649 = arith.constant 2000 : i32
        %dma_start3A_650 = tpu.memref_slice %arg12[%dma_start3A_649] : memref<3200xf32, #tpu.memory_space<vmem>> -> memref<200xf32, #tpu.memory_space<vmem>>
        %dma_start3A_651 = arith.constant 2000 : i32
        %dma_start3A_652 = tpu.memref_slice %arg9[%dma_start3A_651] : memref<3200xi32, #tpu.memory_space<vmem>> -> memref<200xi32, #tpu.memory_space<vmem>>
        %dma_start3A_653 = arith.constant 0 : i32
        %dma_start3A_654 = tpu.memref_slice %arg3[%dma_start3A_653] : memref<4608000xf32, #tpu.memory_space<hbm>> -> memref<4608000xf32, #tpu.memory_space<hbm>>
        tpu.enqueue_indirect_dma source(%dma_start3A_654 : memref<4608000xf32, #tpu.memory_space<hbm>>) target(%dma_start3A_650 : memref<200xf32, #tpu.memory_space<vmem>>) offsets(%dma_start3A_652 : memref<200xi32, #tpu.memory_space<vmem>>) semaphore(%arg18 : memref<!tpu.dma_semaphore, #tpu.memory_space<semaphore_mem>>)
        %dma_start3A_655 = arith.constant 2200 : i32
        %dma_start3A_656 = tpu.memref_slice %arg11[%dma_start3A_655] : memref<3200xf32, #tpu.memory_space<vmem>> -> memref<200xf32, #tpu.memory_space<vmem>>
        %dma_start3A_657 = arith.constant 2200 : i32
        %dma_start3A_658 = tpu.memref_slice %arg9[%dma_start3A_657] : memref<3200xi32, #tpu.memory_space<vmem>> -> memref<200xi32, #tpu.memory_space<vmem>>
        %dma_start3A_659 = arith.constant 0 : i32
        %dma_start3A_660 = tpu.memref_slice %arg2[%dma_start3A_659] : memref<4608000xf32, #tpu.memory_space<hbm>> -> memref<4608000xf32, #tpu.memory_space<hbm>>
        tpu.enqueue_indirect_dma source(%dma_start3A_660 : memref<4608000xf32, #tpu.memory_space<hbm>>) target(%dma_start3A_656 : memref<200xf32, #tpu.memory_space<vmem>>) offsets(%dma_start3A_658 : memref<200xi32, #tpu.memory_space<vmem>>) semaphore(%arg18 : memref<!tpu.dma_semaphore, #tpu.memory_space<semaphore_mem>>)
        %dma_start3A_661 = arith.constant 2200 : i32
        %dma_start3A_662 = tpu.memref_slice %arg12[%dma_start3A_661] : memref<3200xf32, #tpu.memory_space<vmem>> -> memref<200xf32, #tpu.memory_space<vmem>>
        %dma_start3A_663 = arith.constant 2200 : i32
        %dma_start3A_664 = tpu.memref_slice %arg9[%dma_start3A_663] : memref<3200xi32, #tpu.memory_space<vmem>> -> memref<200xi32, #tpu.memory_space<vmem>>
        %dma_start3A_665 = arith.constant 0 : i32
        %dma_start3A_666 = tpu.memref_slice %arg3[%dma_start3A_665] : memref<4608000xf32, #tpu.memory_space<hbm>> -> memref<4608000xf32, #tpu.memory_space<hbm>>
        tpu.enqueue_indirect_dma source(%dma_start3A_666 : memref<4608000xf32, #tpu.memory_space<hbm>>) target(%dma_start3A_662 : memref<200xf32, #tpu.memory_space<vmem>>) offsets(%dma_start3A_664 : memref<200xi32, #tpu.memory_space<vmem>>) semaphore(%arg18 : memref<!tpu.dma_semaphore, #tpu.memory_space<semaphore_mem>>)
        %dma_start3A_667 = arith.constant 2400 : i32
        %dma_start3A_668 = tpu.memref_slice %arg11[%dma_start3A_667] : memref<3200xf32, #tpu.memory_space<vmem>> -> memref<200xf32, #tpu.memory_space<vmem>>
        %dma_start3A_669 = arith.constant 2400 : i32
        %dma_start3A_670 = tpu.memref_slice %arg9[%dma_start3A_669] : memref<3200xi32, #tpu.memory_space<vmem>> -> memref<200xi32, #tpu.memory_space<vmem>>
        %dma_start3A_671 = arith.constant 0 : i32
        %dma_start3A_672 = tpu.memref_slice %arg2[%dma_start3A_671] : memref<4608000xf32, #tpu.memory_space<hbm>> -> memref<4608000xf32, #tpu.memory_space<hbm>>
        tpu.enqueue_indirect_dma source(%dma_start3A_672 : memref<4608000xf32, #tpu.memory_space<hbm>>) target(%dma_start3A_668 : memref<200xf32, #tpu.memory_space<vmem>>) offsets(%dma_start3A_670 : memref<200xi32, #tpu.memory_space<vmem>>) semaphore(%arg18 : memref<!tpu.dma_semaphore, #tpu.memory_space<semaphore_mem>>)
        %dma_start3A_673 = arith.constant 2400 : i32
        %dma_start3A_674 = tpu.memref_slice %arg12[%dma_start3A_673] : memref<3200xf32, #tpu.memory_space<vmem>> -> memref<200xf32, #tpu.memory_space<vmem>>
        %dma_start3A_675 = arith.constant 2400 : i32
        %dma_start3A_676 = tpu.memref_slice %arg9[%dma_start3A_675] : memref<3200xi32, #tpu.memory_space<vmem>> -> memref<200xi32, #tpu.memory_space<vmem>>
        %dma_start3A_677 = arith.constant 0 : i32
        %dma_start3A_678 = tpu.memref_slice %arg3[%dma_start3A_677] : memref<4608000xf32, #tpu.memory_space<hbm>> -> memref<4608000xf32, #tpu.memory_space<hbm>>
        tpu.enqueue_indirect_dma source(%dma_start3A_678 : memref<4608000xf32, #tpu.memory_space<hbm>>) target(%dma_start3A_674 : memref<200xf32, #tpu.memory_space<vmem>>) offsets(%dma_start3A_676 : memref<200xi32, #tpu.memory_space<vmem>>) semaphore(%arg18 : memref<!tpu.dma_semaphore, #tpu.memory_space<semaphore_mem>>)
        %dma_start3A_679 = arith.constant 2600 : i32
        %dma_start3A_680 = tpu.memref_slice %arg11[%dma_start3A_679] : memref<3200xf32, #tpu.memory_space<vmem>> -> memref<200xf32, #tpu.memory_space<vmem>>
        %dma_start3A_681 = arith.constant 2600 : i32
        %dma_start3A_682 = tpu.memref_slice %arg9[%dma_start3A_681] : memref<3200xi32, #tpu.memory_space<vmem>> -> memref<200xi32, #tpu.memory_space<vmem>>
        %dma_start3A_683 = arith.constant 0 : i32
        %dma_start3A_684 = tpu.memref_slice %arg2[%dma_start3A_683] : memref<4608000xf32, #tpu.memory_space<hbm>> -> memref<4608000xf32, #tpu.memory_space<hbm>>
        tpu.enqueue_indirect_dma source(%dma_start3A_684 : memref<4608000xf32, #tpu.memory_space<hbm>>) target(%dma_start3A_680 : memref<200xf32, #tpu.memory_space<vmem>>) offsets(%dma_start3A_682 : memref<200xi32, #tpu.memory_space<vmem>>) semaphore(%arg18 : memref<!tpu.dma_semaphore, #tpu.memory_space<semaphore_mem>>)
        %dma_start3A_685 = arith.constant 2600 : i32
        %dma_start3A_686 = tpu.memref_slice %arg12[%dma_start3A_685] : memref<3200xf32, #tpu.memory_space<vmem>> -> memref<200xf32, #tpu.memory_space<vmem>>
        %dma_start3A_687 = arith.constant 2600 : i32
        %dma_start3A_688 = tpu.memref_slice %arg9[%dma_start3A_687] : memref<3200xi32, #tpu.memory_space<vmem>> -> memref<200xi32, #tpu.memory_space<vmem>>
        %dma_start3A_689 = arith.constant 0 : i32
        %dma_start3A_690 = tpu.memref_slice %arg3[%dma_start3A_689] : memref<4608000xf32, #tpu.memory_space<hbm>> -> memref<4608000xf32, #tpu.memory_space<hbm>>
        tpu.enqueue_indirect_dma source(%dma_start3A_690 : memref<4608000xf32, #tpu.memory_space<hbm>>) target(%dma_start3A_686 : memref<200xf32, #tpu.memory_space<vmem>>) offsets(%dma_start3A_688 : memref<200xi32, #tpu.memory_space<vmem>>) semaphore(%arg18 : memref<!tpu.dma_semaphore, #tpu.memory_space<semaphore_mem>>)
        %dma_start3A_691 = arith.constant 2800 : i32
        %dma_start3A_692 = tpu.memref_slice %arg11[%dma_start3A_691] : memref<3200xf32, #tpu.memory_space<vmem>> -> memref<200xf32, #tpu.memory_space<vmem>>
        %dma_start3A_693 = arith.constant 2800 : i32
        %dma_start3A_694 = tpu.memref_slice %arg9[%dma_start3A_693] : memref<3200xi32, #tpu.memory_space<vmem>> -> memref<200xi32, #tpu.memory_space<vmem>>
        %dma_start3A_695 = arith.constant 0 : i32
        %dma_start3A_696 = tpu.memref_slice %arg2[%dma_start3A_695] : memref<4608000xf32, #tpu.memory_space<hbm>> -> memref<4608000xf32, #tpu.memory_space<hbm>>
        tpu.enqueue_indirect_dma source(%dma_start3A_696 : memref<4608000xf32, #tpu.memory_space<hbm>>) target(%dma_start3A_692 : memref<200xf32, #tpu.memory_space<vmem>>) offsets(%dma_start3A_694 : memref<200xi32, #tpu.memory_space<vmem>>) semaphore(%arg18 : memref<!tpu.dma_semaphore, #tpu.memory_space<semaphore_mem>>)
        %dma_start3A_697 = arith.constant 2800 : i32
        %dma_start3A_698 = tpu.memref_slice %arg12[%dma_start3A_697] : memref<3200xf32, #tpu.memory_space<vmem>> -> memref<200xf32, #tpu.memory_space<vmem>>
        %dma_start3A_699 = arith.constant 2800 : i32
        %dma_start3A_700 = tpu.memref_slice %arg9[%dma_start3A_699] : memref<3200xi32, #tpu.memory_space<vmem>> -> memref<200xi32, #tpu.memory_space<vmem>>
        %dma_start3A_701 = arith.constant 0 : i32
        %dma_start3A_702 = tpu.memref_slice %arg3[%dma_start3A_701] : memref<4608000xf32, #tpu.memory_space<hbm>> -> memref<4608000xf32, #tpu.memory_space<hbm>>
        tpu.enqueue_indirect_dma source(%dma_start3A_702 : memref<4608000xf32, #tpu.memory_space<hbm>>) target(%dma_start3A_698 : memref<200xf32, #tpu.memory_space<vmem>>) offsets(%dma_start3A_700 : memref<200xi32, #tpu.memory_space<vmem>>) semaphore(%arg18 : memref<!tpu.dma_semaphore, #tpu.memory_space<semaphore_mem>>)
        %dma_start3A_703 = arith.constant 3000 : i32
        %dma_start3A_704 = tpu.memref_slice %arg11[%dma_start3A_703] : memref<3200xf32, #tpu.memory_space<vmem>> -> memref<200xf32, #tpu.memory_space<vmem>>
        %dma_start3A_705 = arith.constant 3000 : i32
        %dma_start3A_706 = tpu.memref_slice %arg9[%dma_start3A_705] : memref<3200xi32, #tpu.memory_space<vmem>> -> memref<200xi32, #tpu.memory_space<vmem>>
        %dma_start3A_707 = arith.constant 0 : i32
        %dma_start3A_708 = tpu.memref_slice %arg2[%dma_start3A_707] : memref<4608000xf32, #tpu.memory_space<hbm>> -> memref<4608000xf32, #tpu.memory_space<hbm>>
        tpu.enqueue_indirect_dma source(%dma_start3A_708 : memref<4608000xf32, #tpu.memory_space<hbm>>) target(%dma_start3A_704 : memref<200xf32, #tpu.memory_space<vmem>>) offsets(%dma_start3A_706 : memref<200xi32, #tpu.memory_space<vmem>>) semaphore(%arg18 : memref<!tpu.dma_semaphore, #tpu.memory_space<semaphore_mem>>)
        %dma_start3A_709 = arith.constant 3000 : i32
        %dma_start3A_710 = tpu.memref_slice %arg12[%dma_start3A_709] : memref<3200xf32, #tpu.memory_space<vmem>> -> memref<200xf32, #tpu.memory_space<vmem>>
        %dma_start3A_711 = arith.constant 3000 : i32
        %dma_start3A_712 = tpu.memref_slice %arg9[%dma_start3A_711] : memref<3200xi32, #tpu.memory_space<vmem>> -> memref<200xi32, #tpu.memory_space<vmem>>
        %dma_start3A_713 = arith.constant 0 : i32
        %dma_start3A_714 = tpu.memref_slice %arg3[%dma_start3A_713] : memref<4608000xf32, #tpu.memory_space<hbm>> -> memref<4608000xf32, #tpu.memory_space<hbm>>
        tpu.enqueue_indirect_dma source(%dma_start3A_714 : memref<4608000xf32, #tpu.memory_space<hbm>>) target(%dma_start3A_710 : memref<200xf32, #tpu.memory_space<vmem>>) offsets(%dma_start3A_712 : memref<200xi32, #tpu.memory_space<vmem>>) semaphore(%arg18 : memref<!tpu.dma_semaphore, #tpu.memory_space<semaphore_mem>>)
      } else {
      }
      %lt3A_429 = arith.constant 125 : i32
      %lt3A_430 = arith.cmpi slt, %add3A_215, %lt3A_429 : i32
      %convert_element_type3A_431 = arith.extui %lt3A_430 : i1 to i32
      %cond3A_432 = arith.constant 0 : i32
      %cond3A_433 = arith.cmpi ne, %convert_element_type3A_431, %cond3A_432 : i32
      scf.if %cond3A_433 {
        %dma_wait3A_434 = arith.constant 0 : i32
        %dma_wait3A_435 = tpu.memref_slice %arg13[%dma_wait3A_434] : memref<3200xf32, #tpu.memory_space<vmem>> -> memref<200xf32, #tpu.memory_space<vmem>>
        %dma_wait3A_436 = arith.constant 0 : i32
        %dma_wait3A_437 = tpu.memref_slice %arg10[%dma_wait3A_436] : memref<3200xi32, #tpu.memory_space<vmem>> -> memref<200xi32, #tpu.memory_space<vmem>>
        %dma_wait3A_438 = arith.constant 0 : i32
        %dma_wait3A_439 = tpu.memref_slice %arg2[%dma_wait3A_438] : memref<4608000xf32, #tpu.memory_space<hbm>> -> memref<4608000xf32, #tpu.memory_space<hbm>>
        tpu.wait_indirect_dma semaphore(%arg19 : memref<!tpu.dma_semaphore, #tpu.memory_space<semaphore_mem>>) src(%dma_wait3A_439 : memref<4608000xf32, #tpu.memory_space<hbm>>) dst(%dma_wait3A_435 : memref<200xf32, #tpu.memory_space<vmem>>)
        %dma_wait3A_440 = arith.constant 0 : i32
        %dma_wait3A_441 = tpu.memref_slice %arg14[%dma_wait3A_440] : memref<3200xf32, #tpu.memory_space<vmem>> -> memref<200xf32, #tpu.memory_space<vmem>>
        %dma_wait3A_442 = arith.constant 0 : i32
        %dma_wait3A_443 = tpu.memref_slice %arg10[%dma_wait3A_442] : memref<3200xi32, #tpu.memory_space<vmem>> -> memref<200xi32, #tpu.memory_space<vmem>>
        %dma_wait3A_444 = arith.constant 0 : i32
        %dma_wait3A_445 = tpu.memref_slice %arg3[%dma_wait3A_444] : memref<4608000xf32, #tpu.memory_space<hbm>> -> memref<4608000xf32, #tpu.memory_space<hbm>>
        tpu.wait_indirect_dma semaphore(%arg19 : memref<!tpu.dma_semaphore, #tpu.memory_space<semaphore_mem>>) src(%dma_wait3A_445 : memref<4608000xf32, #tpu.memory_space<hbm>>) dst(%dma_wait3A_441 : memref<200xf32, #tpu.memory_space<vmem>>)
        %dma_wait3A_446 = arith.constant 200 : i32
        %dma_wait3A_447 = tpu.memref_slice %arg13[%dma_wait3A_446] : memref<3200xf32, #tpu.memory_space<vmem>> -> memref<200xf32, #tpu.memory_space<vmem>>
        %dma_wait3A_448 = arith.constant 200 : i32
        %dma_wait3A_449 = tpu.memref_slice %arg10[%dma_wait3A_448] : memref<3200xi32, #tpu.memory_space<vmem>> -> memref<200xi32, #tpu.memory_space<vmem>>
        %dma_wait3A_450 = arith.constant 0 : i32
        %dma_wait3A_451 = tpu.memref_slice %arg2[%dma_wait3A_450] : memref<4608000xf32, #tpu.memory_space<hbm>> -> memref<4608000xf32, #tpu.memory_space<hbm>>
        tpu.wait_indirect_dma semaphore(%arg19 : memref<!tpu.dma_semaphore, #tpu.memory_space<semaphore_mem>>) src(%dma_wait3A_451 : memref<4608000xf32, #tpu.memory_space<hbm>>) dst(%dma_wait3A_447 : memref<200xf32, #tpu.memory_space<vmem>>)
        %dma_wait3A_452 = arith.constant 200 : i32
        %dma_wait3A_453 = tpu.memref_slice %arg14[%dma_wait3A_452] : memref<3200xf32, #tpu.memory_space<vmem>> -> memref<200xf32, #tpu.memory_space<vmem>>
        %dma_wait3A_454 = arith.constant 200 : i32
        %dma_wait3A_455 = tpu.memref_slice %arg10[%dma_wait3A_454] : memref<3200xi32, #tpu.memory_space<vmem>> -> memref<200xi32, #tpu.memory_space<vmem>>
        %dma_wait3A_456 = arith.constant 0 : i32
        %dma_wait3A_457 = tpu.memref_slice %arg3[%dma_wait3A_456] : memref<4608000xf32, #tpu.memory_space<hbm>> -> memref<4608000xf32, #tpu.memory_space<hbm>>
        tpu.wait_indirect_dma semaphore(%arg19 : memref<!tpu.dma_semaphore, #tpu.memory_space<semaphore_mem>>) src(%dma_wait3A_457 : memref<4608000xf32, #tpu.memory_space<hbm>>) dst(%dma_wait3A_453 : memref<200xf32, #tpu.memory_space<vmem>>)
        %dma_wait3A_458 = arith.constant 400 : i32
        %dma_wait3A_459 = tpu.memref_slice %arg13[%dma_wait3A_458] : memref<3200xf32, #tpu.memory_space<vmem>> -> memref<200xf32, #tpu.memory_space<vmem>>
        %dma_wait3A_460 = arith.constant 400 : i32
        %dma_wait3A_461 = tpu.memref_slice %arg10[%dma_wait3A_460] : memref<3200xi32, #tpu.memory_space<vmem>> -> memref<200xi32, #tpu.memory_space<vmem>>
        %dma_wait3A_462 = arith.constant 0 : i32
        %dma_wait3A_463 = tpu.memref_slice %arg2[%dma_wait3A_462] : memref<4608000xf32, #tpu.memory_space<hbm>> -> memref<4608000xf32, #tpu.memory_space<hbm>>
        tpu.wait_indirect_dma semaphore(%arg19 : memref<!tpu.dma_semaphore, #tpu.memory_space<semaphore_mem>>) src(%dma_wait3A_463 : memref<4608000xf32, #tpu.memory_space<hbm>>) dst(%dma_wait3A_459 : memref<200xf32, #tpu.memory_space<vmem>>)
        %dma_wait3A_464 = arith.constant 400 : i32
        %dma_wait3A_465 = tpu.memref_slice %arg14[%dma_wait3A_464] : memref<3200xf32, #tpu.memory_space<vmem>> -> memref<200xf32, #tpu.memory_space<vmem>>
        %dma_wait3A_466 = arith.constant 400 : i32
        %dma_wait3A_467 = tpu.memref_slice %arg10[%dma_wait3A_466] : memref<3200xi32, #tpu.memory_space<vmem>> -> memref<200xi32, #tpu.memory_space<vmem>>
        %dma_wait3A_468 = arith.constant 0 : i32
        %dma_wait3A_469 = tpu.memref_slice %arg3[%dma_wait3A_468] : memref<4608000xf32, #tpu.memory_space<hbm>> -> memref<4608000xf32, #tpu.memory_space<hbm>>
        tpu.wait_indirect_dma semaphore(%arg19 : memref<!tpu.dma_semaphore, #tpu.memory_space<semaphore_mem>>) src(%dma_wait3A_469 : memref<4608000xf32, #tpu.memory_space<hbm>>) dst(%dma_wait3A_465 : memref<200xf32, #tpu.memory_space<vmem>>)
        %dma_wait3A_470 = arith.constant 600 : i32
        %dma_wait3A_471 = tpu.memref_slice %arg13[%dma_wait3A_470] : memref<3200xf32, #tpu.memory_space<vmem>> -> memref<200xf32, #tpu.memory_space<vmem>>
        %dma_wait3A_472 = arith.constant 600 : i32
        %dma_wait3A_473 = tpu.memref_slice %arg10[%dma_wait3A_472] : memref<3200xi32, #tpu.memory_space<vmem>> -> memref<200xi32, #tpu.memory_space<vmem>>
        %dma_wait3A_474 = arith.constant 0 : i32
        %dma_wait3A_475 = tpu.memref_slice %arg2[%dma_wait3A_474] : memref<4608000xf32, #tpu.memory_space<hbm>> -> memref<4608000xf32, #tpu.memory_space<hbm>>
        tpu.wait_indirect_dma semaphore(%arg19 : memref<!tpu.dma_semaphore, #tpu.memory_space<semaphore_mem>>) src(%dma_wait3A_475 : memref<4608000xf32, #tpu.memory_space<hbm>>) dst(%dma_wait3A_471 : memref<200xf32, #tpu.memory_space<vmem>>)
        %dma_wait3A_476 = arith.constant 600 : i32
        %dma_wait3A_477 = tpu.memref_slice %arg14[%dma_wait3A_476] : memref<3200xf32, #tpu.memory_space<vmem>> -> memref<200xf32, #tpu.memory_space<vmem>>
        %dma_wait3A_478 = arith.constant 600 : i32
        %dma_wait3A_479 = tpu.memref_slice %arg10[%dma_wait3A_478] : memref<3200xi32, #tpu.memory_space<vmem>> -> memref<200xi32, #tpu.memory_space<vmem>>
        %dma_wait3A_480 = arith.constant 0 : i32
        %dma_wait3A_481 = tpu.memref_slice %arg3[%dma_wait3A_480] : memref<4608000xf32, #tpu.memory_space<hbm>> -> memref<4608000xf32, #tpu.memory_space<hbm>>
        tpu.wait_indirect_dma semaphore(%arg19 : memref<!tpu.dma_semaphore, #tpu.memory_space<semaphore_mem>>) src(%dma_wait3A_481 : memref<4608000xf32, #tpu.memory_space<hbm>>) dst(%dma_wait3A_477 : memref<200xf32, #tpu.memory_space<vmem>>)
        %dma_wait3A_482 = arith.constant 800 : i32
        %dma_wait3A_483 = tpu.memref_slice %arg13[%dma_wait3A_482] : memref<3200xf32, #tpu.memory_space<vmem>> -> memref<200xf32, #tpu.memory_space<vmem>>
        %dma_wait3A_484 = arith.constant 800 : i32
        %dma_wait3A_485 = tpu.memref_slice %arg10[%dma_wait3A_484] : memref<3200xi32, #tpu.memory_space<vmem>> -> memref<200xi32, #tpu.memory_space<vmem>>
        %dma_wait3A_486 = arith.constant 0 : i32
        %dma_wait3A_487 = tpu.memref_slice %arg2[%dma_wait3A_486] : memref<4608000xf32, #tpu.memory_space<hbm>> -> memref<4608000xf32, #tpu.memory_space<hbm>>
        tpu.wait_indirect_dma semaphore(%arg19 : memref<!tpu.dma_semaphore, #tpu.memory_space<semaphore_mem>>) src(%dma_wait3A_487 : memref<4608000xf32, #tpu.memory_space<hbm>>) dst(%dma_wait3A_483 : memref<200xf32, #tpu.memory_space<vmem>>)
        %dma_wait3A_488 = arith.constant 800 : i32
        %dma_wait3A_489 = tpu.memref_slice %arg14[%dma_wait3A_488] : memref<3200xf32, #tpu.memory_space<vmem>> -> memref<200xf32, #tpu.memory_space<vmem>>
        %dma_wait3A_490 = arith.constant 800 : i32
        %dma_wait3A_491 = tpu.memref_slice %arg10[%dma_wait3A_490] : memref<3200xi32, #tpu.memory_space<vmem>> -> memref<200xi32, #tpu.memory_space<vmem>>
        %dma_wait3A_492 = arith.constant 0 : i32
        %dma_wait3A_493 = tpu.memref_slice %arg3[%dma_wait3A_492] : memref<4608000xf32, #tpu.memory_space<hbm>> -> memref<4608000xf32, #tpu.memory_space<hbm>>
        tpu.wait_indirect_dma semaphore(%arg19 : memref<!tpu.dma_semaphore, #tpu.memory_space<semaphore_mem>>) src(%dma_wait3A_493 : memref<4608000xf32, #tpu.memory_space<hbm>>) dst(%dma_wait3A_489 : memref<200xf32, #tpu.memory_space<vmem>>)
        %dma_wait3A_494 = arith.constant 1000 : i32
        %dma_wait3A_495 = tpu.memref_slice %arg13[%dma_wait3A_494] : memref<3200xf32, #tpu.memory_space<vmem>> -> memref<200xf32, #tpu.memory_space<vmem>>
        %dma_wait3A_496 = arith.constant 1000 : i32
        %dma_wait3A_497 = tpu.memref_slice %arg10[%dma_wait3A_496] : memref<3200xi32, #tpu.memory_space<vmem>> -> memref<200xi32, #tpu.memory_space<vmem>>
        %dma_wait3A_498 = arith.constant 0 : i32
        %dma_wait3A_499 = tpu.memref_slice %arg2[%dma_wait3A_498] : memref<4608000xf32, #tpu.memory_space<hbm>> -> memref<4608000xf32, #tpu.memory_space<hbm>>
        tpu.wait_indirect_dma semaphore(%arg19 : memref<!tpu.dma_semaphore, #tpu.memory_space<semaphore_mem>>) src(%dma_wait3A_499 : memref<4608000xf32, #tpu.memory_space<hbm>>) dst(%dma_wait3A_495 : memref<200xf32, #tpu.memory_space<vmem>>)
        %dma_wait3A_500 = arith.constant 1000 : i32
        %dma_wait3A_501 = tpu.memref_slice %arg14[%dma_wait3A_500] : memref<3200xf32, #tpu.memory_space<vmem>> -> memref<200xf32, #tpu.memory_space<vmem>>
        %dma_wait3A_502 = arith.constant 1000 : i32
        %dma_wait3A_503 = tpu.memref_slice %arg10[%dma_wait3A_502] : memref<3200xi32, #tpu.memory_space<vmem>> -> memref<200xi32, #tpu.memory_space<vmem>>
        %dma_wait3A_504 = arith.constant 0 : i32
        %dma_wait3A_505 = tpu.memref_slice %arg3[%dma_wait3A_504] : memref<4608000xf32, #tpu.memory_space<hbm>> -> memref<4608000xf32, #tpu.memory_space<hbm>>
        tpu.wait_indirect_dma semaphore(%arg19 : memref<!tpu.dma_semaphore, #tpu.memory_space<semaphore_mem>>) src(%dma_wait3A_505 : memref<4608000xf32, #tpu.memory_space<hbm>>) dst(%dma_wait3A_501 : memref<200xf32, #tpu.memory_space<vmem>>)
        %dma_wait3A_506 = arith.constant 1200 : i32
        %dma_wait3A_507 = tpu.memref_slice %arg13[%dma_wait3A_506] : memref<3200xf32, #tpu.memory_space<vmem>> -> memref<200xf32, #tpu.memory_space<vmem>>
        %dma_wait3A_508 = arith.constant 1200 : i32
        %dma_wait3A_509 = tpu.memref_slice %arg10[%dma_wait3A_508] : memref<3200xi32, #tpu.memory_space<vmem>> -> memref<200xi32, #tpu.memory_space<vmem>>
        %dma_wait3A_510 = arith.constant 0 : i32
        %dma_wait3A_511 = tpu.memref_slice %arg2[%dma_wait3A_510] : memref<4608000xf32, #tpu.memory_space<hbm>> -> memref<4608000xf32, #tpu.memory_space<hbm>>
        tpu.wait_indirect_dma semaphore(%arg19 : memref<!tpu.dma_semaphore, #tpu.memory_space<semaphore_mem>>) src(%dma_wait3A_511 : memref<4608000xf32, #tpu.memory_space<hbm>>) dst(%dma_wait3A_507 : memref<200xf32, #tpu.memory_space<vmem>>)
        %dma_wait3A_512 = arith.constant 1200 : i32
        %dma_wait3A_513 = tpu.memref_slice %arg14[%dma_wait3A_512] : memref<3200xf32, #tpu.memory_space<vmem>> -> memref<200xf32, #tpu.memory_space<vmem>>
        %dma_wait3A_514 = arith.constant 1200 : i32
        %dma_wait3A_515 = tpu.memref_slice %arg10[%dma_wait3A_514] : memref<3200xi32, #tpu.memory_space<vmem>> -> memref<200xi32, #tpu.memory_space<vmem>>
        %dma_wait3A_516 = arith.constant 0 : i32
        %dma_wait3A_517 = tpu.memref_slice %arg3[%dma_wait3A_516] : memref<4608000xf32, #tpu.memory_space<hbm>> -> memref<4608000xf32, #tpu.memory_space<hbm>>
        tpu.wait_indirect_dma semaphore(%arg19 : memref<!tpu.dma_semaphore, #tpu.memory_space<semaphore_mem>>) src(%dma_wait3A_517 : memref<4608000xf32, #tpu.memory_space<hbm>>) dst(%dma_wait3A_513 : memref<200xf32, #tpu.memory_space<vmem>>)
        %dma_wait3A_518 = arith.constant 1400 : i32
        %dma_wait3A_519 = tpu.memref_slice %arg13[%dma_wait3A_518] : memref<3200xf32, #tpu.memory_space<vmem>> -> memref<200xf32, #tpu.memory_space<vmem>>
        %dma_wait3A_520 = arith.constant 1400 : i32
        %dma_wait3A_521 = tpu.memref_slice %arg10[%dma_wait3A_520] : memref<3200xi32, #tpu.memory_space<vmem>> -> memref<200xi32, #tpu.memory_space<vmem>>
        %dma_wait3A_522 = arith.constant 0 : i32
        %dma_wait3A_523 = tpu.memref_slice %arg2[%dma_wait3A_522] : memref<4608000xf32, #tpu.memory_space<hbm>> -> memref<4608000xf32, #tpu.memory_space<hbm>>
        tpu.wait_indirect_dma semaphore(%arg19 : memref<!tpu.dma_semaphore, #tpu.memory_space<semaphore_mem>>) src(%dma_wait3A_523 : memref<4608000xf32, #tpu.memory_space<hbm>>) dst(%dma_wait3A_519 : memref<200xf32, #tpu.memory_space<vmem>>)
        %dma_wait3A_524 = arith.constant 1400 : i32
        %dma_wait3A_525 = tpu.memref_slice %arg14[%dma_wait3A_524] : memref<3200xf32, #tpu.memory_space<vmem>> -> memref<200xf32, #tpu.memory_space<vmem>>
        %dma_wait3A_526 = arith.constant 1400 : i32
        %dma_wait3A_527 = tpu.memref_slice %arg10[%dma_wait3A_526] : memref<3200xi32, #tpu.memory_space<vmem>> -> memref<200xi32, #tpu.memory_space<vmem>>
        %dma_wait3A_528 = arith.constant 0 : i32
        %dma_wait3A_529 = tpu.memref_slice %arg3[%dma_wait3A_528] : memref<4608000xf32, #tpu.memory_space<hbm>> -> memref<4608000xf32, #tpu.memory_space<hbm>>
        tpu.wait_indirect_dma semaphore(%arg19 : memref<!tpu.dma_semaphore, #tpu.memory_space<semaphore_mem>>) src(%dma_wait3A_529 : memref<4608000xf32, #tpu.memory_space<hbm>>) dst(%dma_wait3A_525 : memref<200xf32, #tpu.memory_space<vmem>>)
        %dma_wait3A_530 = arith.constant 1600 : i32
        %dma_wait3A_531 = tpu.memref_slice %arg13[%dma_wait3A_530] : memref<3200xf32, #tpu.memory_space<vmem>> -> memref<200xf32, #tpu.memory_space<vmem>>
        %dma_wait3A_532 = arith.constant 1600 : i32
        %dma_wait3A_533 = tpu.memref_slice %arg10[%dma_wait3A_532] : memref<3200xi32, #tpu.memory_space<vmem>> -> memref<200xi32, #tpu.memory_space<vmem>>
        %dma_wait3A_534 = arith.constant 0 : i32
        %dma_wait3A_535 = tpu.memref_slice %arg2[%dma_wait3A_534] : memref<4608000xf32, #tpu.memory_space<hbm>> -> memref<4608000xf32, #tpu.memory_space<hbm>>
        tpu.wait_indirect_dma semaphore(%arg19 : memref<!tpu.dma_semaphore, #tpu.memory_space<semaphore_mem>>) src(%dma_wait3A_535 : memref<4608000xf32, #tpu.memory_space<hbm>>) dst(%dma_wait3A_531 : memref<200xf32, #tpu.memory_space<vmem>>)
        %dma_wait3A_536 = arith.constant 1600 : i32
        %dma_wait3A_537 = tpu.memref_slice %arg14[%dma_wait3A_536] : memref<3200xf32, #tpu.memory_space<vmem>> -> memref<200xf32, #tpu.memory_space<vmem>>
        %dma_wait3A_538 = arith.constant 1600 : i32
        %dma_wait3A_539 = tpu.memref_slice %arg10[%dma_wait3A_538] : memref<3200xi32, #tpu.memory_space<vmem>> -> memref<200xi32, #tpu.memory_space<vmem>>
        %dma_wait3A_540 = arith.constant 0 : i32
        %dma_wait3A_541 = tpu.memref_slice %arg3[%dma_wait3A_540] : memref<4608000xf32, #tpu.memory_space<hbm>> -> memref<4608000xf32, #tpu.memory_space<hbm>>
        tpu.wait_indirect_dma semaphore(%arg19 : memref<!tpu.dma_semaphore, #tpu.memory_space<semaphore_mem>>) src(%dma_wait3A_541 : memref<4608000xf32, #tpu.memory_space<hbm>>) dst(%dma_wait3A_537 : memref<200xf32, #tpu.memory_space<vmem>>)
        %dma_wait3A_542 = arith.constant 1800 : i32
        %dma_wait3A_543 = tpu.memref_slice %arg13[%dma_wait3A_542] : memref<3200xf32, #tpu.memory_space<vmem>> -> memref<200xf32, #tpu.memory_space<vmem>>
        %dma_wait3A_544 = arith.constant 1800 : i32
        %dma_wait3A_545 = tpu.memref_slice %arg10[%dma_wait3A_544] : memref<3200xi32, #tpu.memory_space<vmem>> -> memref<200xi32, #tpu.memory_space<vmem>>
        %dma_wait3A_546 = arith.constant 0 : i32
        %dma_wait3A_547 = tpu.memref_slice %arg2[%dma_wait3A_546] : memref<4608000xf32, #tpu.memory_space<hbm>> -> memref<4608000xf32, #tpu.memory_space<hbm>>
        tpu.wait_indirect_dma semaphore(%arg19 : memref<!tpu.dma_semaphore, #tpu.memory_space<semaphore_mem>>) src(%dma_wait3A_547 : memref<4608000xf32, #tpu.memory_space<hbm>>) dst(%dma_wait3A_543 : memref<200xf32, #tpu.memory_space<vmem>>)
        %dma_wait3A_548 = arith.constant 1800 : i32
        %dma_wait3A_549 = tpu.memref_slice %arg14[%dma_wait3A_548] : memref<3200xf32, #tpu.memory_space<vmem>> -> memref<200xf32, #tpu.memory_space<vmem>>
        %dma_wait3A_550 = arith.constant 1800 : i32
        %dma_wait3A_551 = tpu.memref_slice %arg10[%dma_wait3A_550] : memref<3200xi32, #tpu.memory_space<vmem>> -> memref<200xi32, #tpu.memory_space<vmem>>
        %dma_wait3A_552 = arith.constant 0 : i32
        %dma_wait3A_553 = tpu.memref_slice %arg3[%dma_wait3A_552] : memref<4608000xf32, #tpu.memory_space<hbm>> -> memref<4608000xf32, #tpu.memory_space<hbm>>
        tpu.wait_indirect_dma semaphore(%arg19 : memref<!tpu.dma_semaphore, #tpu.memory_space<semaphore_mem>>) src(%dma_wait3A_553 : memref<4608000xf32, #tpu.memory_space<hbm>>) dst(%dma_wait3A_549 : memref<200xf32, #tpu.memory_space<vmem>>)
        %dma_wait3A_554 = arith.constant 2000 : i32
        %dma_wait3A_555 = tpu.memref_slice %arg13[%dma_wait3A_554] : memref<3200xf32, #tpu.memory_space<vmem>> -> memref<200xf32, #tpu.memory_space<vmem>>
        %dma_wait3A_556 = arith.constant 2000 : i32
        %dma_wait3A_557 = tpu.memref_slice %arg10[%dma_wait3A_556] : memref<3200xi32, #tpu.memory_space<vmem>> -> memref<200xi32, #tpu.memory_space<vmem>>
        %dma_wait3A_558 = arith.constant 0 : i32
        %dma_wait3A_559 = tpu.memref_slice %arg2[%dma_wait3A_558] : memref<4608000xf32, #tpu.memory_space<hbm>> -> memref<4608000xf32, #tpu.memory_space<hbm>>
        tpu.wait_indirect_dma semaphore(%arg19 : memref<!tpu.dma_semaphore, #tpu.memory_space<semaphore_mem>>) src(%dma_wait3A_559 : memref<4608000xf32, #tpu.memory_space<hbm>>) dst(%dma_wait3A_555 : memref<200xf32, #tpu.memory_space<vmem>>)
        %dma_wait3A_560 = arith.constant 2000 : i32
        %dma_wait3A_561 = tpu.memref_slice %arg14[%dma_wait3A_560] : memref<3200xf32, #tpu.memory_space<vmem>> -> memref<200xf32, #tpu.memory_space<vmem>>
        %dma_wait3A_562 = arith.constant 2000 : i32
        %dma_wait3A_563 = tpu.memref_slice %arg10[%dma_wait3A_562] : memref<3200xi32, #tpu.memory_space<vmem>> -> memref<200xi32, #tpu.memory_space<vmem>>
        %dma_wait3A_564 = arith.constant 0 : i32
        %dma_wait3A_565 = tpu.memref_slice %arg3[%dma_wait3A_564] : memref<4608000xf32, #tpu.memory_space<hbm>> -> memref<4608000xf32, #tpu.memory_space<hbm>>
        tpu.wait_indirect_dma semaphore(%arg19 : memref<!tpu.dma_semaphore, #tpu.memory_space<semaphore_mem>>) src(%dma_wait3A_565 : memref<4608000xf32, #tpu.memory_space<hbm>>) dst(%dma_wait3A_561 : memref<200xf32, #tpu.memory_space<vmem>>)
        %dma_wait3A_566 = arith.constant 2200 : i32
        %dma_wait3A_567 = tpu.memref_slice %arg13[%dma_wait3A_566] : memref<3200xf32, #tpu.memory_space<vmem>> -> memref<200xf32, #tpu.memory_space<vmem>>
        %dma_wait3A_568 = arith.constant 2200 : i32
        %dma_wait3A_569 = tpu.memref_slice %arg10[%dma_wait3A_568] : memref<3200xi32, #tpu.memory_space<vmem>> -> memref<200xi32, #tpu.memory_space<vmem>>
        %dma_wait3A_570 = arith.constant 0 : i32
        %dma_wait3A_571 = tpu.memref_slice %arg2[%dma_wait3A_570] : memref<4608000xf32, #tpu.memory_space<hbm>> -> memref<4608000xf32, #tpu.memory_space<hbm>>
        tpu.wait_indirect_dma semaphore(%arg19 : memref<!tpu.dma_semaphore, #tpu.memory_space<semaphore_mem>>) src(%dma_wait3A_571 : memref<4608000xf32, #tpu.memory_space<hbm>>) dst(%dma_wait3A_567 : memref<200xf32, #tpu.memory_space<vmem>>)
        %dma_wait3A_572 = arith.constant 2200 : i32
        %dma_wait3A_573 = tpu.memref_slice %arg14[%dma_wait3A_572] : memref<3200xf32, #tpu.memory_space<vmem>> -> memref<200xf32, #tpu.memory_space<vmem>>
        %dma_wait3A_574 = arith.constant 2200 : i32
        %dma_wait3A_575 = tpu.memref_slice %arg10[%dma_wait3A_574] : memref<3200xi32, #tpu.memory_space<vmem>> -> memref<200xi32, #tpu.memory_space<vmem>>
        %dma_wait3A_576 = arith.constant 0 : i32
        %dma_wait3A_577 = tpu.memref_slice %arg3[%dma_wait3A_576] : memref<4608000xf32, #tpu.memory_space<hbm>> -> memref<4608000xf32, #tpu.memory_space<hbm>>
        tpu.wait_indirect_dma semaphore(%arg19 : memref<!tpu.dma_semaphore, #tpu.memory_space<semaphore_mem>>) src(%dma_wait3A_577 : memref<4608000xf32, #tpu.memory_space<hbm>>) dst(%dma_wait3A_573 : memref<200xf32, #tpu.memory_space<vmem>>)
        %dma_wait3A_578 = arith.constant 2400 : i32
        %dma_wait3A_579 = tpu.memref_slice %arg13[%dma_wait3A_578] : memref<3200xf32, #tpu.memory_space<vmem>> -> memref<200xf32, #tpu.memory_space<vmem>>
        %dma_wait3A_580 = arith.constant 2400 : i32
        %dma_wait3A_581 = tpu.memref_slice %arg10[%dma_wait3A_580] : memref<3200xi32, #tpu.memory_space<vmem>> -> memref<200xi32, #tpu.memory_space<vmem>>
        %dma_wait3A_582 = arith.constant 0 : i32
        %dma_wait3A_583 = tpu.memref_slice %arg2[%dma_wait3A_582] : memref<4608000xf32, #tpu.memory_space<hbm>> -> memref<4608000xf32, #tpu.memory_space<hbm>>
        tpu.wait_indirect_dma semaphore(%arg19 : memref<!tpu.dma_semaphore, #tpu.memory_space<semaphore_mem>>) src(%dma_wait3A_583 : memref<4608000xf32, #tpu.memory_space<hbm>>) dst(%dma_wait3A_579 : memref<200xf32, #tpu.memory_space<vmem>>)
        %dma_wait3A_584 = arith.constant 2400 : i32
        %dma_wait3A_585 = tpu.memref_slice %arg14[%dma_wait3A_584] : memref<3200xf32, #tpu.memory_space<vmem>> -> memref<200xf32, #tpu.memory_space<vmem>>
        %dma_wait3A_586 = arith.constant 2400 : i32
        %dma_wait3A_587 = tpu.memref_slice %arg10[%dma_wait3A_586] : memref<3200xi32, #tpu.memory_space<vmem>> -> memref<200xi32, #tpu.memory_space<vmem>>
        %dma_wait3A_588 = arith.constant 0 : i32
        %dma_wait3A_589 = tpu.memref_slice %arg3[%dma_wait3A_588] : memref<4608000xf32, #tpu.memory_space<hbm>> -> memref<4608000xf32, #tpu.memory_space<hbm>>
        tpu.wait_indirect_dma semaphore(%arg19 : memref<!tpu.dma_semaphore, #tpu.memory_space<semaphore_mem>>) src(%dma_wait3A_589 : memref<4608000xf32, #tpu.memory_space<hbm>>) dst(%dma_wait3A_585 : memref<200xf32, #tpu.memory_space<vmem>>)
        %dma_wait3A_590 = arith.constant 2600 : i32
        %dma_wait3A_591 = tpu.memref_slice %arg13[%dma_wait3A_590] : memref<3200xf32, #tpu.memory_space<vmem>> -> memref<200xf32, #tpu.memory_space<vmem>>
        %dma_wait3A_592 = arith.constant 2600 : i32
        %dma_wait3A_593 = tpu.memref_slice %arg10[%dma_wait3A_592] : memref<3200xi32, #tpu.memory_space<vmem>> -> memref<200xi32, #tpu.memory_space<vmem>>
        %dma_wait3A_594 = arith.constant 0 : i32
        %dma_wait3A_595 = tpu.memref_slice %arg2[%dma_wait3A_594] : memref<4608000xf32, #tpu.memory_space<hbm>> -> memref<4608000xf32, #tpu.memory_space<hbm>>
        tpu.wait_indirect_dma semaphore(%arg19 : memref<!tpu.dma_semaphore, #tpu.memory_space<semaphore_mem>>) src(%dma_wait3A_595 : memref<4608000xf32, #tpu.memory_space<hbm>>) dst(%dma_wait3A_591 : memref<200xf32, #tpu.memory_space<vmem>>)
        %dma_wait3A_596 = arith.constant 2600 : i32
        %dma_wait3A_597 = tpu.memref_slice %arg14[%dma_wait3A_596] : memref<3200xf32, #tpu.memory_space<vmem>> -> memref<200xf32, #tpu.memory_space<vmem>>
        %dma_wait3A_598 = arith.constant 2600 : i32
        %dma_wait3A_599 = tpu.memref_slice %arg10[%dma_wait3A_598] : memref<3200xi32, #tpu.memory_space<vmem>> -> memref<200xi32, #tpu.memory_space<vmem>>
        %dma_wait3A_600 = arith.constant 0 : i32
        %dma_wait3A_601 = tpu.memref_slice %arg3[%dma_wait3A_600] : memref<4608000xf32, #tpu.memory_space<hbm>> -> memref<4608000xf32, #tpu.memory_space<hbm>>
        tpu.wait_indirect_dma semaphore(%arg19 : memref<!tpu.dma_semaphore, #tpu.memory_space<semaphore_mem>>) src(%dma_wait3A_601 : memref<4608000xf32, #tpu.memory_space<hbm>>) dst(%dma_wait3A_597 : memref<200xf32, #tpu.memory_space<vmem>>)
        %dma_wait3A_602 = arith.constant 2800 : i32
        %dma_wait3A_603 = tpu.memref_slice %arg13[%dma_wait3A_602] : memref<3200xf32, #tpu.memory_space<vmem>> -> memref<200xf32, #tpu.memory_space<vmem>>
        %dma_wait3A_604 = arith.constant 2800 : i32
        %dma_wait3A_605 = tpu.memref_slice %arg10[%dma_wait3A_604] : memref<3200xi32, #tpu.memory_space<vmem>> -> memref<200xi32, #tpu.memory_space<vmem>>
        %dma_wait3A_606 = arith.constant 0 : i32
        %dma_wait3A_607 = tpu.memref_slice %arg2[%dma_wait3A_606] : memref<4608000xf32, #tpu.memory_space<hbm>> -> memref<4608000xf32, #tpu.memory_space<hbm>>
        tpu.wait_indirect_dma semaphore(%arg19 : memref<!tpu.dma_semaphore, #tpu.memory_space<semaphore_mem>>) src(%dma_wait3A_607 : memref<4608000xf32, #tpu.memory_space<hbm>>) dst(%dma_wait3A_603 : memref<200xf32, #tpu.memory_space<vmem>>)
        %dma_wait3A_608 = arith.constant 2800 : i32
        %dma_wait3A_609 = tpu.memref_slice %arg14[%dma_wait3A_608] : memref<3200xf32, #tpu.memory_space<vmem>> -> memref<200xf32, #tpu.memory_space<vmem>>
        %dma_wait3A_610 = arith.constant 2800 : i32
        %dma_wait3A_611 = tpu.memref_slice %arg10[%dma_wait3A_610] : memref<3200xi32, #tpu.memory_space<vmem>> -> memref<200xi32, #tpu.memory_space<vmem>>
        %dma_wait3A_612 = arith.constant 0 : i32
        %dma_wait3A_613 = tpu.memref_slice %arg3[%dma_wait3A_612] : memref<4608000xf32, #tpu.memory_space<hbm>> -> memref<4608000xf32, #tpu.memory_space<hbm>>
        tpu.wait_indirect_dma semaphore(%arg19 : memref<!tpu.dma_semaphore, #tpu.memory_space<semaphore_mem>>) src(%dma_wait3A_613 : memref<4608000xf32, #tpu.memory_space<hbm>>) dst(%dma_wait3A_609 : memref<200xf32, #tpu.memory_space<vmem>>)
        %dma_wait3A_614 = arith.constant 3000 : i32
        %dma_wait3A_615 = tpu.memref_slice %arg13[%dma_wait3A_614] : memref<3200xf32, #tpu.memory_space<vmem>> -> memref<200xf32, #tpu.memory_space<vmem>>
        %dma_wait3A_616 = arith.constant 3000 : i32
        %dma_wait3A_617 = tpu.memref_slice %arg10[%dma_wait3A_616] : memref<3200xi32, #tpu.memory_space<vmem>> -> memref<200xi32, #tpu.memory_space<vmem>>
        %dma_wait3A_618 = arith.constant 0 : i32
        %dma_wait3A_619 = tpu.memref_slice %arg2[%dma_wait3A_618] : memref<4608000xf32, #tpu.memory_space<hbm>> -> memref<4608000xf32, #tpu.memory_space<hbm>>
        tpu.wait_indirect_dma semaphore(%arg19 : memref<!tpu.dma_semaphore, #tpu.memory_space<semaphore_mem>>) src(%dma_wait3A_619 : memref<4608000xf32, #tpu.memory_space<hbm>>) dst(%dma_wait3A_615 : memref<200xf32, #tpu.memory_space<vmem>>)
        %dma_wait3A_620 = arith.constant 3000 : i32
        %dma_wait3A_621 = tpu.memref_slice %arg14[%dma_wait3A_620] : memref<3200xf32, #tpu.memory_space<vmem>> -> memref<200xf32, #tpu.memory_space<vmem>>
        %dma_wait3A_622 = arith.constant 3000 : i32
        %dma_wait3A_623 = tpu.memref_slice %arg10[%dma_wait3A_622] : memref<3200xi32, #tpu.memory_space<vmem>> -> memref<200xi32, #tpu.memory_space<vmem>>
        %dma_wait3A_624 = arith.constant 0 : i32
        %dma_wait3A_625 = tpu.memref_slice %arg3[%dma_wait3A_624] : memref<4608000xf32, #tpu.memory_space<hbm>> -> memref<4608000xf32, #tpu.memory_space<hbm>>
        tpu.wait_indirect_dma semaphore(%arg19 : memref<!tpu.dma_semaphore, #tpu.memory_space<semaphore_mem>>) src(%dma_wait3A_625 : memref<4608000xf32, #tpu.memory_space<hbm>>) dst(%dma_wait3A_621 : memref<200xf32, #tpu.memory_space<vmem>>)
        %get3A_626 = arith.index_cast %add3A_215 : i32 to index
        %get3A_627 = arith.constant 0 : index
        %get3A_628 = tpu.vector_load %arg16[%get3A_626, %get3A_627] {strides = array<i32>} : memref<128x16xf32, #tpu.memory_space<vmem>>, vector<1x16xf32>,
        %get3A_629 = vector.shape_cast %get3A_628 : vector<1x16xf32> to vector<16xf32>
        %get3A_630 = arith.index_cast %add3A_215 : i32 to index
        %get3A_631 = arith.constant 0 : index
        %get3A_632 = tpu.vector_load %arg17[%get3A_630, %get3A_631] {strides = array<i32>} : memref<128x16xf32, #tpu.memory_space<vmem>>, vector<1x16xf32>,
        %get3A_633 = vector.shape_cast %get3A_632 : vector<1x16xf32> to vector<16xf32>
        %scan3A_634 = arith.constant 0 : i32
        %scan3A_635 = arith.constant 0 : i32
        %scan3A_636 = arith.constant 200 : i32
        %scan3A_637 = arith.addi %scan3A_635, %scan3A_636 : i32
        %scan3A_638 = arith.constant 1 : i32
        scf.for %scan3A_640 = %scan3A_635 to %scan3A_637 step %scan3A_638  : i32 {
          %mul3A_641 = arith.constant 16 : i32
          %mul3A_642 = arith.muli %mul3A_641, %scan3A_640 : i32
          %get3A_643 = arith.index_cast %mul3A_642 : i32 to index
          %get3A_644 = tpu.vector_load %arg15[%get3A_643] {strides = array<i32>} : memref<3200xf32, #tpu.memory_space<vmem>>, vector<16xf32>,
          %get3A_645 = vector.shape_cast %get3A_644 : vector<16xf32> to vector<16xf32>
          %get3A_646 = arith.index_cast %mul3A_642 : i32 to index
          %get3A_647 = tpu.vector_load %arg13[%get3A_646] {strides = array<i32>} : memref<3200xf32, #tpu.memory_space<vmem>>, vector<16xf32>,
          %get3A_648 = vector.shape_cast %get3A_647 : vector<16xf32> to vector<16xf32>
          %mul3A_649 = arith.mulf %get3A_629, %get3A_648 : vector<16xf32>
          %add3A_650 = arith.addf %get3A_645, %mul3A_649 : vector<16xf32>
          %get3A_651 = arith.index_cast %mul3A_642 : i32 to index
          %get3A_652 = tpu.vector_load %arg14[%get3A_651] {strides = array<i32>} : memref<3200xf32, #tpu.memory_space<vmem>>, vector<16xf32>,
          %get3A_653 = vector.shape_cast %get3A_652 : vector<16xf32> to vector<16xf32>
          %mul3A_654 = arith.mulf %get3A_633, %get3A_653 : vector<16xf32>
          %add3A_655 = arith.addf %add3A_650, %mul3A_654 : vector<16xf32>
          %swap3A = arith.index_cast %mul3A_642 : i32 to index
          %swap3A_656 = tpu.vector_load %arg15[%swap3A] {strides = array<i32>} : memref<3200xf32, #tpu.memory_space<vmem>>, vector<16xf32>,
          %swap3A_657 = vector.shape_cast %swap3A_656 : vector<16xf32> to vector<16xf32>
          %swap3A_658 = vector.shape_cast %add3A_655 : vector<16xf32> to vector<16xf32>
          tpu.vector_store %arg15[%swap3A], %swap3A_658 {strides = array<i32>} : memref<3200xf32, #tpu.memory_space<vmem>>, vector<16xf32>,
        }
        %scan3A_639 = arith.constant 200 : i32
      } else {
      }
    }
    %scan3A_210 = arith.constant 63 : i32
    "tpu.region"() ({
      %run_scoped3A = tpu.sem_alloc : memref<!tpu.dma_semaphore, #tpu.memory_space<semaphore_mem>>
      %dma_start3A_211 = tpu.memref_slice %arg7[%mul3A_2] : memref<102400xf32, #tpu.memory_space<hbm>> -> memref<3200xf32, #tpu.memory_space<hbm>>
      %dma_start3A_212 = tpu.memref_slice %arg7[%mul3A_2] : memref<102400xf32, #tpu.memory_space<hbm>> -> memref<3200xf32, #tpu.memory_space<hbm>>
      tpu.enqueue_dma source(%arg15 : memref<3200xf32, #tpu.memory_space<vmem>>) target(%dma_start3A_212 : memref<3200xf32, #tpu.memory_space<hbm>>) target_semaphore(%run_scoped3A : memref<!tpu.dma_semaphore, #tpu.memory_space<semaphore_mem>>)
      %dma_wait3A = tpu.memref_slice %arg7[%mul3A_2] : memref<102400xf32, #tpu.memory_space<hbm>> -> memref<3200xf32, #tpu.memory_space<hbm>>
      %dma_wait3A_213 = tpu.memref_slice %arg7[%mul3A_2] : memref<102400xf32, #tpu.memory_space<hbm>> -> memref<3200xf32, #tpu.memory_space<hbm>>
      tpu.wait_dma2 semaphore(%run_scoped3A : memref<!tpu.dma_semaphore, #tpu.memory_space<semaphore_mem>>) src(%arg15 : memref<3200xf32, #tpu.memory_space<vmem>>) dst(%dma_wait3A_213 : memref<3200xf32, #tpu.memory_space<hbm>>)
      tpu.yield
    }) : () -> ()
    return
  }
}

module attributes {stable_mosaic.version = 14 : i64} {
  func.func @_prep_body(%arg0: i32, %arg1: memref<1024x64xf32, #tpu.memory_space<vmem>>, %arg2: memref<8x128xi32, #tpu.memory_space<vmem>>, %arg3: memref<8x128xi32, #tpu.memory_space<vmem>>, %arg4: memref<8x128xi32, #tpu.memory_space<vmem>>, %arg5: memref<8x128xi32, #tpu.memory_space<vmem>>, %arg6: memref<8x128xf32, #tpu.memory_space<vmem>>, %arg7: memref<8x128xf32, #tpu.memory_space<vmem>>, %arg8: memref<8x128xi32, #tpu.memory_space<vmem>>, %arg9: memref<8x128xi32, #tpu.memory_space<vmem>>) attributes {dimension_semantics = [#tpu.dimension_semantics<arbitrary>], iteration_bounds = array<i64: 100>, scalar_prefetch = 0 : i64, scratch_operands = 0 : i64, tpu.core_type = #tpu.core_type<tc>, window_params = [{transform_indices = @transform_0, window_bounds = array<i64: 1024, 64>}, {transform_indices = @transform_1, window_bounds = array<i64: 8, 128>}, {transform_indices = @transform_2, window_bounds = array<i64: 8, 128>}, {transform_indices = @transform_3, window_bounds = array<i64: 8, 128>}, {transform_indices = @transform_4, window_bounds = array<i64: 8, 128>}, {transform_indices = @transform_5, window_bounds = array<i64: 8, 128>}, {transform_indices = @transform_6, window_bounds = array<i64: 8, 128>}, {transform_indices = @transform_7, window_bounds = array<i64: 8, 128>}, {transform_indices = @transform_8, window_bounds = array<i64: 8, 128>}]} {
    %get3A = arith.constant 0 : index
    %get3A_0 = arith.constant 0 : index
    %get3A_1 = vector.load %arg1[%get3A, %get3A_0] : memref<1024x64xf32, #tpu.memory_space<vmem>>, vector<1024x64xf32>
    %reduce_sum3A = arith.constant dense<0.000000e+00> : vector<1024xf32>
    %reduce_sum3A_2 = vector.multi_reduction <add>, %get3A_1, %reduce_sum3A [1] : vector<1024x64xf32> to vector<1024xf32>
    %div3A = arith.constant 6.400000e+01 : f32
    %div3A_3 = vector.broadcast %div3A : f32 to vector<1024xf32>
    %div3A_4 = arith.divf %reduce_sum3A_2, %div3A_3 : vector<1024xf32>
    %reshape3A = vector.shape_cast %div3A_4 : vector<1024xf32> to vector<8x128xf32>
    %swap3A = arith.constant 0 : index
    %swap3A_5 = arith.constant 0 : index
    %swap3A_6 = vector.load %arg6[%swap3A, %swap3A_5] : memref<8x128xf32, #tpu.memory_space<vmem>>, vector<8x128xf32>
    tpu.vector_store %arg6[%swap3A, %swap3A_5], %reshape3A {strides = array<i32>} : memref<8x128xf32, #tpu.memory_space<vmem>>, vector<8x128xf32>,
    %reduce_max3A = arith.constant dense<0xFF800000> : vector<1024xf32>
    %reduce_max3A_7 = vector.multi_reduction <maximumf>, %get3A_1, %reduce_max3A [1] : vector<1024x64xf32> to vector<1024xf32>
    %reshape3A_8 = vector.shape_cast %reduce_max3A_7 : vector<1024xf32> to vector<8x128xf32>
    %swap3A_9 = arith.constant 0 : index
    %swap3A_10 = arith.constant 0 : index
    %swap3A_11 = vector.load %arg7[%swap3A_9, %swap3A_10] : memref<8x128xf32, #tpu.memory_space<vmem>>, vector<8x128xf32>
    tpu.vector_store %arg7[%swap3A_9, %swap3A_10], %reshape3A_8 {strides = array<i32>} : memref<8x128xf32, #tpu.memory_space<vmem>>, vector<8x128xf32>,
    %iota3A = tpu.iota {dimensions = array<i32: 0>} : vector<8x128xi32>
    %iota3A_12 = tpu.iota {dimensions = array<i32: 1>} : vector<8x128xi32>
    %mul3A = arith.constant 8 : i32
    %mul3A_13 = arith.muli %arg0, %mul3A : i32
    %add3A = vector.broadcast %mul3A_13 : i32 to vector<8x128xi32>
    %add3A_14 = arith.addi %add3A, %iota3A : vector<8x128xi32>
    %mul3A_15 = arith.constant 128 : i32
    %mul3A_16 = vector.broadcast %mul3A_15 : i32 to vector<8x128xi32>
    %mul3A_17 = arith.muli %add3A_14, %mul3A_16 : vector<8x128xi32>
    %add3A_18 = arith.addi %mul3A_17, %iota3A_12 : vector<8x128xi32>
    %get3A_19 = arith.constant 0 : index
    %get3A_20 = arith.constant 0 : index
    %get3A_21 = vector.load %arg2[%get3A_19, %get3A_20] : memref<8x128xi32, #tpu.memory_space<vmem>>, vector<8x128xi32>
    %mul3A_22 = arith.constant 132 : i32
    %mul3A_23 = vector.broadcast %mul3A_22 : i32 to vector<8x128xi32>
    %mul3A_24 = arith.muli %get3A_21, %mul3A_23 : vector<8x128xi32>
    %get3A_25 = arith.constant 0 : index
    %get3A_26 = arith.constant 0 : index
    %get3A_27 = vector.load %arg3[%get3A_25, %get3A_26] : memref<8x128xi32, #tpu.memory_space<vmem>>, vector<8x128xi32>
    %add3A_28 = arith.addi %mul3A_24, %get3A_27 : vector<8x128xi32>
    %add3A_29 = arith.constant 2 : i32
    %add3A_30 = vector.broadcast %add3A_29 : i32 to vector<8x128xi32>
    %add3A_31 = arith.addi %add3A_28, %add3A_30 : vector<8x128xi32>
    %mul3A_32 = arith.constant 132 : i32
    %mul3A_33 = vector.broadcast %mul3A_32 : i32 to vector<8x128xi32>
    %mul3A_34 = arith.muli %add3A_31, %mul3A_33 : vector<8x128xi32>
    %get3A_35 = arith.constant 0 : index
    %get3A_36 = arith.constant 0 : index
    %get3A_37 = vector.load %arg4[%get3A_35, %get3A_36] : memref<8x128xi32, #tpu.memory_space<vmem>>, vector<8x128xi32>
    %add3A_38 = arith.addi %mul3A_34, %get3A_37 : vector<8x128xi32>
    %add3A_39 = arith.constant 2 : i32
    %add3A_40 = vector.broadcast %add3A_39 : i32 to vector<8x128xi32>
    %add3A_41 = arith.addi %add3A_38, %add3A_40 : vector<8x128xi32>
    %mul3A_42 = arith.constant 132 : i32
    %mul3A_43 = vector.broadcast %mul3A_42 : i32 to vector<8x128xi32>
    %mul3A_44 = arith.muli %add3A_41, %mul3A_43 : vector<8x128xi32>
    %get3A_45 = arith.constant 0 : index
    %get3A_46 = arith.constant 0 : index
    %get3A_47 = vector.load %arg5[%get3A_45, %get3A_46] : memref<8x128xi32, #tpu.memory_space<vmem>>, vector<8x128xi32>
    %add3A_48 = arith.addi %mul3A_44, %get3A_47 : vector<8x128xi32>
    %add3A_49 = arith.constant 2 : i32
    %add3A_50 = vector.broadcast %add3A_49 : i32 to vector<8x128xi32>
    %add3A_51 = arith.addi %add3A_48, %add3A_50 : vector<8x128xi32>
    %lt3A = arith.constant 100000 : i32
    %lt3A_52 = vector.broadcast %lt3A : i32 to vector<8x128xi32>
    %lt3A_53 = arith.cmpi slt, %add3A_18, %lt3A_52 : vector<8x128xi32>
    %jit3A = arith.constant 0 : i32
    %broadcast_in_dim3A = vector.broadcast %jit3A : i32 to vector<8x128xi32>
    %select_n3A = arith.select %lt3A_53, %add3A_51, %broadcast_in_dim3A : vector<8x128xi1>, vector<8x128xi32>
    %swap3A_54 = arith.constant 0 : index
    %swap3A_55 = arith.constant 0 : index
    %swap3A_56 = vector.load %arg8[%swap3A_54, %swap3A_55] : memref<8x128xi32, #tpu.memory_space<vmem>>, vector<8x128xi32>
    tpu.vector_store %arg8[%swap3A_54, %swap3A_55], %select_n3A {strides = array<i32>} : memref<8x128xi32, #tpu.memory_space<vmem>>, vector<8x128xi32>,
    %jit3A_57 = arith.constant 35114 : i32
    %broadcast_in_dim3A_58 = vector.broadcast %jit3A_57 : i32 to vector<8x128xi32>
    %select_n3A_59 = arith.select %lt3A_53, %add3A_51, %broadcast_in_dim3A_58 : vector<8x128xi1>, vector<8x128xi32>
    %swap3A_60 = arith.constant 0 : index
    %swap3A_61 = arith.constant 0 : index
    %swap3A_62 = vector.load %arg9[%swap3A_60, %swap3A_61] : memref<8x128xi32, #tpu.memory_space<vmem>>, vector<8x128xi32>
    tpu.vector_store %arg9[%swap3A_60, %swap3A_61], %select_n3A_59 {strides = array<i32>} : memref<8x128xi32, #tpu.memory_space<vmem>>, vector<8x128xi32>,
    return
  }
  func.func @transform_0(%arg0: i32) -> (i32, i32) {
    %c0_i32 = arith.constant 0 : i32
    %c0_i32_0 = arith.constant 0 : i32
    return %arg0, %c0_i32 : i32, i32
  }
  func.func @transform_1(%arg0: i32) -> (i32, i32) {
    %c0_i32 = arith.constant 0 : i32
    %c0_i32_0 = arith.constant 0 : i32
    return %arg0, %c0_i32 : i32, i32
  }
  func.func @transform_2(%arg0: i32) -> (i32, i32) {
    %c0_i32 = arith.constant 0 : i32
    %c0_i32_0 = arith.constant 0 : i32
    return %arg0, %c0_i32 : i32, i32
  }
  func.func @transform_3(%arg0: i32) -> (i32, i32) {
    %c0_i32 = arith.constant 0 : i32
    %c0_i32_0 = arith.constant 0 : i32
    return %arg0, %c0_i32 : i32, i32
  }
  func.func @transform_4(%arg0: i32) -> (i32, i32) {
    %c0_i32 = arith.constant 0 : i32
    %c0_i32_0 = arith.constant 0 : i32
    return %arg0, %c0_i32 : i32, i32
  }
  func.func @transform_5(%arg0: i32) -> (i32, i32) {
    %c0_i32 = arith.constant 0 : i32
    %c0_i32_0 = arith.constant 0 : i32
    return %arg0, %c0_i32 : i32, i32
  }
  func.func @transform_6(%arg0: i32) -> (i32, i32) {
    %c0_i32 = arith.constant 0 : i32
    %c0_i32_0 = arith.constant 0 : i32
    return %arg0, %c0_i32 : i32, i32
  }
  func.func @transform_7(%arg0: i32) -> (i32, i32) {
    %c0_i32 = arith.constant 0 : i32
    %c0_i32_0 = arith.constant 0 : i32
    return %arg0, %c0_i32 : i32, i32
  }
  func.func @transform_8(%arg0: i32) -> (i32, i32) {
    %c0_i32 = arith.constant 0 : i32
    %c0_i32_0 = arith.constant 0 : i32
    return %arg0, %c0_i32 : i32, i32
  }
}

module attributes {stable_mosaic.version = 14 : i64} {
  func.func @_gate_body(%arg0: i32, %arg1: memref<1024x64xf32, #tpu.memory_space<vmem>>, %arg2: memref<8x128xf32, #tpu.memory_space<vmem>>, %arg3: memref<1024x64xf32, #tpu.memory_space<vmem>>) attributes {dimension_semantics = [#tpu.dimension_semantics<arbitrary>], iteration_bounds = array<i64: 100>, scalar_prefetch = 0 : i64, scratch_operands = 0 : i64, tpu.core_type = #tpu.core_type<tc>, window_params = [{transform_indices = @transform_0, window_bounds = array<i64: 1024, 64>}, {transform_indices = @transform_1, window_bounds = array<i64: 8, 128>}, {transform_indices = @transform_2, window_bounds = array<i64: 1024, 64>}]} {
    %get3A = arith.constant 0 : index
    %get3A_0 = arith.constant 0 : index
    %get3A_1 = vector.load %arg2[%get3A, %get3A_0] : memref<8x128xf32, #tpu.memory_space<vmem>>, vector<8x128xf32>
    %neg3A = arith.constant 0.000000e+00 : f32
    %neg3A_2 = vector.broadcast %neg3A : f32 to vector<8x128xf32>
    %neg3A_3 = arith.subf %neg3A_2, %get3A_1 : vector<8x128xf32>
    %exp3A = math.exp %neg3A_3 : vector<8x128xf32>
    %add3A = arith.constant 1.000000e+00 : f32
    %add3A_4 = vector.broadcast %add3A : f32 to vector<8x128xf32>
    %add3A_5 = arith.addf %add3A_4, %exp3A : vector<8x128xf32>
    %div3A = arith.constant 1.000000e+00 : f32
    %div3A_6 = vector.broadcast %div3A : f32 to vector<8x128xf32>
    %div3A_7 = arith.divf %div3A_6, %add3A_5 : vector<8x128xf32>
    %broadcast_in_dim3A = arith.constant 1.000000e+00 : f32
    %broadcast_in_dim3A_8 = vector.broadcast %broadcast_in_dim3A : f32 to vector<1x64xf32>
    %slice3A = vector.extract_strided_slice %div3A_7 {offsets = [0, 0], sizes = [1, 128], strides = [1, 1]} : vector<8x128xf32> to vector<1x128xf32>
    %dot_general3A = arith.constant dense<0.000000e+00> : vector<128x64xf32>
    %dot_general3A_9 = tpu.matmul %slice3A, %broadcast_in_dim3A_8, %dot_general3A {dimension_numbers = #tpu.dot_dimension_numbers<[0], [0], [1], [1], [0, 1, 1, 1], [], []>, transpose_lhs_hint = false} : vector<1x128xf32>, vector<1x64xf32>, vector<128x64xf32> -> vector<128x64xf32>
    %get3A_10 = arith.constant 0 : index
    %get3A_11 = arith.constant 0 : index
    %get3A_12 = vector.load %arg1[%get3A_10, %get3A_11] : memref<1024x64xf32, #tpu.memory_space<vmem>>, vector<128x64xf32>
    %mul3A = arith.mulf %get3A_12, %dot_general3A_9 : vector<128x64xf32>
    %swap3A = arith.constant 0 : index
    %swap3A_13 = arith.constant 0 : index
    %swap3A_14 = vector.load %arg3[%swap3A, %swap3A_13] : memref<1024x64xf32, #tpu.memory_space<vmem>>, vector<128x64xf32>
    tpu.vector_store %arg3[%swap3A, %swap3A_13], %mul3A {strides = array<i32>} : memref<1024x64xf32, #tpu.memory_space<vmem>>, vector<128x64xf32>,
    %slice3A_15 = vector.extract_strided_slice %div3A_7 {offsets = [1, 0], sizes = [1, 128], strides = [1, 1]} : vector<8x128xf32> to vector<1x128xf32>
    %dot_general3A_16 = arith.constant dense<0.000000e+00> : vector<128x64xf32>
    %dot_general3A_17 = tpu.matmul %slice3A_15, %broadcast_in_dim3A_8, %dot_general3A_16 {dimension_numbers = #tpu.dot_dimension_numbers<[0], [0], [1], [1], [0, 1, 1, 1], [], []>, transpose_lhs_hint = false} : vector<1x128xf32>, vector<1x64xf32>, vector<128x64xf32> -> vector<128x64xf32>
    %get3A_18 = arith.constant 128 : index
    %get3A_19 = arith.constant 0 : index
    %get3A_20 = vector.load %arg1[%get3A_18, %get3A_19] : memref<1024x64xf32, #tpu.memory_space<vmem>>, vector<128x64xf32>
    %mul3A_21 = arith.mulf %get3A_20, %dot_general3A_17 : vector<128x64xf32>
    %swap3A_22 = arith.constant 128 : index
    %swap3A_23 = arith.constant 0 : index
    %swap3A_24 = vector.load %arg3[%swap3A_22, %swap3A_23] : memref<1024x64xf32, #tpu.memory_space<vmem>>, vector<128x64xf32>
    tpu.vector_store %arg3[%swap3A_22, %swap3A_23], %mul3A_21 {strides = array<i32>} : memref<1024x64xf32, #tpu.memory_space<vmem>>, vector<128x64xf32>,
    %slice3A_25 = vector.extract_strided_slice %div3A_7 {offsets = [2, 0], sizes = [1, 128], strides = [1, 1]} : vector<8x128xf32> to vector<1x128xf32>
    %dot_general3A_26 = arith.constant dense<0.000000e+00> : vector<128x64xf32>
    %dot_general3A_27 = tpu.matmul %slice3A_25, %broadcast_in_dim3A_8, %dot_general3A_26 {dimension_numbers = #tpu.dot_dimension_numbers<[0], [0], [1], [1], [0, 1, 1, 1], [], []>, transpose_lhs_hint = false} : vector<1x128xf32>, vector<1x64xf32>, vector<128x64xf32> -> vector<128x64xf32>
    %get3A_28 = arith.constant 256 : index
    %get3A_29 = arith.constant 0 : index
    %get3A_30 = vector.load %arg1[%get3A_28, %get3A_29] : memref<1024x64xf32, #tpu.memory_space<vmem>>, vector<128x64xf32>
    %mul3A_31 = arith.mulf %get3A_30, %dot_general3A_27 : vector<128x64xf32>
    %swap3A_32 = arith.constant 256 : index
    %swap3A_33 = arith.constant 0 : index
    %swap3A_34 = vector.load %arg3[%swap3A_32, %swap3A_33] : memref<1024x64xf32, #tpu.memory_space<vmem>>, vector<128x64xf32>
    tpu.vector_store %arg3[%swap3A_32, %swap3A_33], %mul3A_31 {strides = array<i32>} : memref<1024x64xf32, #tpu.memory_space<vmem>>, vector<128x64xf32>,
    %slice3A_35 = vector.extract_strided_slice %div3A_7 {offsets = [3, 0], sizes = [1, 128], strides = [1, 1]} : vector<8x128xf32> to vector<1x128xf32>
    %dot_general3A_36 = arith.constant dense<0.000000e+00> : vector<128x64xf32>
    %dot_general3A_37 = tpu.matmul %slice3A_35, %broadcast_in_dim3A_8, %dot_general3A_36 {dimension_numbers = #tpu.dot_dimension_numbers<[0], [0], [1], [1], [0, 1, 1, 1], [], []>, transpose_lhs_hint = false} : vector<1x128xf32>, vector<1x64xf32>, vector<128x64xf32> -> vector<128x64xf32>
    %get3A_38 = arith.constant 384 : index
    %get3A_39 = arith.constant 0 : index
    %get3A_40 = vector.load %arg1[%get3A_38, %get3A_39] : memref<1024x64xf32, #tpu.memory_space<vmem>>, vector<128x64xf32>
    %mul3A_41 = arith.mulf %get3A_40, %dot_general3A_37 : vector<128x64xf32>
    %swap3A_42 = arith.constant 384 : index
    %swap3A_43 = arith.constant 0 : index
    %swap3A_44 = vector.load %arg3[%swap3A_42, %swap3A_43] : memref<1024x64xf32, #tpu.memory_space<vmem>>, vector<128x64xf32>
    tpu.vector_store %arg3[%swap3A_42, %swap3A_43], %mul3A_41 {strides = array<i32>} : memref<1024x64xf32, #tpu.memory_space<vmem>>, vector<128x64xf32>,
    %slice3A_45 = vector.extract_strided_slice %div3A_7 {offsets = [4, 0], sizes = [1, 128], strides = [1, 1]} : vector<8x128xf32> to vector<1x128xf32>
    %dot_general3A_46 = arith.constant dense<0.000000e+00> : vector<128x64xf32>
    %dot_general3A_47 = tpu.matmul %slice3A_45, %broadcast_in_dim3A_8, %dot_general3A_46 {dimension_numbers = #tpu.dot_dimension_numbers<[0], [0], [1], [1], [0, 1, 1, 1], [], []>, transpose_lhs_hint = false} : vector<1x128xf32>, vector<1x64xf32>, vector<128x64xf32> -> vector<128x64xf32>
    %get3A_48 = arith.constant 512 : index
    %get3A_49 = arith.constant 0 : index
    %get3A_50 = vector.load %arg1[%get3A_48, %get3A_49] : memref<1024x64xf32, #tpu.memory_space<vmem>>, vector<128x64xf32>
    %mul3A_51 = arith.mulf %get3A_50, %dot_general3A_47 : vector<128x64xf32>
    %swap3A_52 = arith.constant 512 : index
    %swap3A_53 = arith.constant 0 : index
    %swap3A_54 = vector.load %arg3[%swap3A_52, %swap3A_53] : memref<1024x64xf32, #tpu.memory_space<vmem>>, vector<128x64xf32>
    tpu.vector_store %arg3[%swap3A_52, %swap3A_53], %mul3A_51 {strides = array<i32>} : memref<1024x64xf32, #tpu.memory_space<vmem>>, vector<128x64xf32>,
    %slice3A_55 = vector.extract_strided_slice %div3A_7 {offsets = [5, 0], sizes = [1, 128], strides = [1, 1]} : vector<8x128xf32> to vector<1x128xf32>
    %dot_general3A_56 = arith.constant dense<0.000000e+00> : vector<128x64xf32>
    %dot_general3A_57 = tpu.matmul %slice3A_55, %broadcast_in_dim3A_8, %dot_general3A_56 {dimension_numbers = #tpu.dot_dimension_numbers<[0], [0], [1], [1], [0, 1, 1, 1], [], []>, transpose_lhs_hint = false} : vector<1x128xf32>, vector<1x64xf32>, vector<128x64xf32> -> vector<128x64xf32>
    %get3A_58 = arith.constant 640 : index
    %get3A_59 = arith.constant 0 : index
    %get3A_60 = vector.load %arg1[%get3A_58, %get3A_59] : memref<1024x64xf32, #tpu.memory_space<vmem>>, vector<128x64xf32>
    %mul3A_61 = arith.mulf %get3A_60, %dot_general3A_57 : vector<128x64xf32>
    %swap3A_62 = arith.constant 640 : index
    %swap3A_63 = arith.constant 0 : index
    %swap3A_64 = vector.load %arg3[%swap3A_62, %swap3A_63] : memref<1024x64xf32, #tpu.memory_space<vmem>>, vector<128x64xf32>
    tpu.vector_store %arg3[%swap3A_62, %swap3A_63], %mul3A_61 {strides = array<i32>} : memref<1024x64xf32, #tpu.memory_space<vmem>>, vector<128x64xf32>,
    %slice3A_65 = vector.extract_strided_slice %div3A_7 {offsets = [6, 0], sizes = [1, 128], strides = [1, 1]} : vector<8x128xf32> to vector<1x128xf32>
    %dot_general3A_66 = arith.constant dense<0.000000e+00> : vector<128x64xf32>
    %dot_general3A_67 = tpu.matmul %slice3A_65, %broadcast_in_dim3A_8, %dot_general3A_66 {dimension_numbers = #tpu.dot_dimension_numbers<[0], [0], [1], [1], [0, 1, 1, 1], [], []>, transpose_lhs_hint = false} : vector<1x128xf32>, vector<1x64xf32>, vector<128x64xf32> -> vector<128x64xf32>
    %get3A_68 = arith.constant 768 : index
    %get3A_69 = arith.constant 0 : index
    %get3A_70 = vector.load %arg1[%get3A_68, %get3A_69] : memref<1024x64xf32, #tpu.memory_space<vmem>>, vector<128x64xf32>
    %mul3A_71 = arith.mulf %get3A_70, %dot_general3A_67 : vector<128x64xf32>
    %swap3A_72 = arith.constant 768 : index
    %swap3A_73 = arith.constant 0 : index
    %swap3A_74 = vector.load %arg3[%swap3A_72, %swap3A_73] : memref<1024x64xf32, #tpu.memory_space<vmem>>, vector<128x64xf32>
    tpu.vector_store %arg3[%swap3A_72, %swap3A_73], %mul3A_71 {strides = array<i32>} : memref<1024x64xf32, #tpu.memory_space<vmem>>, vector<128x64xf32>,
    %slice3A_75 = vector.extract_strided_slice %div3A_7 {offsets = [7, 0], sizes = [1, 128], strides = [1, 1]} : vector<8x128xf32> to vector<1x128xf32>
    %dot_general3A_76 = arith.constant dense<0.000000e+00> : vector<128x64xf32>
    %dot_general3A_77 = tpu.matmul %slice3A_75, %broadcast_in_dim3A_8, %dot_general3A_76 {dimension_numbers = #tpu.dot_dimension_numbers<[0], [0], [1], [1], [0, 1, 1, 1], [], []>, transpose_lhs_hint = false} : vector<1x128xf32>, vector<1x64xf32>, vector<128x64xf32> -> vector<128x64xf32>
    %get3A_78 = arith.constant 896 : index
    %get3A_79 = arith.constant 0 : index
    %get3A_80 = vector.load %arg1[%get3A_78, %get3A_79] : memref<1024x64xf32, #tpu.memory_space<vmem>>, vector<128x64xf32>
    %mul3A_81 = arith.mulf %get3A_80, %dot_general3A_77 : vector<128x64xf32>
    %swap3A_82 = arith.constant 896 : index
    %swap3A_83 = arith.constant 0 : index
    %swap3A_84 = vector.load %arg3[%swap3A_82, %swap3A_83] : memref<1024x64xf32, #tpu.memory_space<vmem>>, vector<128x64xf32>
    tpu.vector_store %arg3[%swap3A_82, %swap3A_83], %mul3A_81 {strides = array<i32>} : memref<1024x64xf32, #tpu.memory_space<vmem>>, vector<128x64xf32>,
    return
  }
  func.func @transform_0(%arg0: i32) -> (i32, i32) {
    %c0_i32 = arith.constant 0 : i32
    %c0_i32_0 = arith.constant 0 : i32
    return %arg0, %c0_i32 : i32, i32
  }
  func.func @transform_1(%arg0: i32) -> (i32, i32) {
    %c0_i32 = arith.constant 0 : i32
    %c0_i32_0 = arith.constant 0 : i32
    return %arg0, %c0_i32 : i32, i32
  }
  func.func @transform_2(%arg0: i32) -> (i32, i32) {
    %c0_i32 = arith.constant 0 : i32
    %c0_i32_0 = arith.constant 0 : i32
    return %arg0, %c0_i32 : i32, i32
  }
}

</mosaic_0001>

<sc_bundles>
// kernel: kernel.6.cloned.1.call-start
scs
__scs_entry_jumppad:
0x0: {  	(pc) =	sbr.rel $0x88, $3  }
0x1: {  	(tag) =	ssettag $0x0;
	lr =	simm.s32 $0x1  }
0x2: {  	[smem:$0x3F9E] =	sst lr;
	_ =	strace $0xD0000000  }
0x3: {  	_ = 	snop  }
0x4: {  	_ = 	snop  }
0x5: {  	_ = 	snop  }
0x6: {  	_ = 	snop  }
0x7: {  	_ = 	snop  }
__scs_overlays_trampoline_lowered:
0x8: {  	[smem:$0x3FAD] =	sst s0  }
0x9: {  	[smem:$0x3FAE] =	sst s1  }
0xa: {  	[smem:$0x3FAF] =	sst s2  }
0xb: {  	[smem:$0x3FB0] =	sst s3  }
0xc: {  	[smem:$0x3FB1] =	sst s4  }
0xd: {  	[smem:$0x3FB2] =	sst s5  }
0xe: {  	[smem:$0x3FB3] =	sst s6  }
0xf: {  	[smem:$0x3FB4] =	sst s7  }
0x10: {  	[smem:$0x3FB5] =	sst s8  }
0x11: {  	[smem:$0x3FB6] =	sst s9;
	s0 =	simm.s32 @!p0 $0x0  }
0x12: {  	s1 =	sld [smem:$0x3F9C];
	s0 =	simm.s32 @p0 $0x1  }
0x13: {  	[smem:$0x3FB7] =	sst s0;
	s0 =	simm.s32 @!p1 $0x0  }
0x14: {  	s2 =	sld [smem:$0x3F9B];
	s0 =	simm.s32 @p1 $0x1  }
0x15: {  	[smem:$0x3FB8] =	sst s0;
	s0 =	simm.s32 @!p2 $0x0  }
0x16: {  	s3 =	sld [smem:$0x3FDB];
	s0 =	simm.s32 @p2 $0x1  }
0x17: {  	s4 =	simm.s32 $0x1BF5;
	[smem:$0x3FBA] =	sst s0  }
0x18: {  	s0 =	sld [smem:$0x3F9D];
	_ =	swait.ge [sflag:s4], $0x0  }
0x19: {  	s7 =	sld [smem:$0x3F9E]  }
0x1a: {  	s8 =	sadd.s32 $0xFFFFE003, lr  }
0x1b: {  	s9 =	sadd.s32 $0xFFFFFEF7, lr;
	s5 =	simm.s32 $0xFFFFFFFF;
	p2 =	slt.u32 s8, $0xFFFFF086  }
0x1c: {  	p1 =	slt.u32 s9, $0xF7A;
	s5 =	simm.s32 @!p2 $0x0  }
0x1d: {  	s5 =	simm.s32 @p1 $0x1;
	p0 =	seq.s32 s7, s2  }
0x1e: {  	s7 =	smul.u32 @!p0 $0xF7A, s2;
	p2 =	seq.s32 @!p0 s5, $0x0  }
0x1f: {  	s9 =	smul.u32 $0xF7A, s1;
	s8 =	simm.s32 @!p0 $0x1BF5;
	p2 =	por !p2, p0  }
0x20: {  	[sflag:s8] =	ssyncset.s32 @!p0 $0xFFFFF086;
	s6 =	sadd.s32 @!p0 s3, s7;
	s7 =	simm.s32 @!p0 $0x108  }
0x21: {  	s3 =	sadd.s32 s3, s9;
	s6 =	sadd.s32 @!p0 $0x88, s6;
	s7 =	simm.s32 @p2 $0x1082  }
0x22: {  	[simem:s7], [sflag:s8] =	dma.local @!p0 [hbm:s6], $0xF7A  }
0x23: {  	s9 =	sor.u32 $0xD0000000, s2;
	s6 =	simm.s32 $0x108;
	_ =	swait.ge @!p0 [sflag:s8], $0x0  }
0x24: {  	s3 =	sadd.s32 $0x88, s3;
	s6 =	simm.s32 @!p1 $0x1082;
	[sflag:s4] =	ssyncset.s32 $0xFFFFF086  }
0x25: {  	[simem:s6], [sflag:s4] =	dma.local [hbm:s3], $0xF7A  }
0x26: {  	[smem:$0x3F9E] =	sst s1;
	(tag) =	ssettag s2;
	_ =	strace s9  }
0x27: {  	s1 =	sld [smem:$0x3FAE]  }
0x28: {  	s2 =	sld [smem:$0x3FAF]  }
0x29: {  	s4 =	sld [smem:$0x3FB1]  }
0x2a: {  	p0 =	seq.s32 s5, $0x0;
	s5 =	sld [smem:$0x3FB2]  }
0x2b: {  	s6 =	sld [smem:$0x3FB3]  }
0x2c: {  	s7 =	sld [smem:$0x3FB4]  }
0x2d: {  	s3 =	simm.s32 $0x108;
	s8 =	sld [smem:$0x3FB5]  }
0x2e: {  	s3 =	simm.s32 @!p0 $0x1082;
	s9 =	sld [smem:$0x3FB6]  }
0x2f: {  	lr =	sadd.s32 s0, s3;
	s0 =	sld [smem:$0x3FAD]  }
0x30: {  	s3 =	sld [smem:$0x3FB0]  }
0x31: {  	[smem:$0x3FB9] =	sst s10  }
0x32: {  	s10 =	sld [smem:$0x3FB7];
	_ =	sdelay $0x3  }
0x33: {  	p0 =	seq.s32 s10, $0x1;
	s10 =	sld [smem:$0x3FB9];
	_ =	sdelay $0x3  }
0x34: {  	[smem:$0x3FB9] =	sst s10  }
0x35: {  	s10 =	sld [smem:$0x3FB8];
	_ =	sdelay $0x3  }
0x36: {  	p1 =	seq.s32 s10, $0x1;
	s10 =	sld [smem:$0x3FB9];
	_ =	sdelay $0x3  }
0x37: {  	[smem:$0x3FB9] =	sst s10  }
0x38: {  	s10 =	sld [smem:$0x3FBA]  }
0x39: {  	_ = 	snop;
	(pc) =	sbr.ind lr, $3  }
0x3a: {  	_ = 	snop  }
0x3b: {  	_ = 	snop  }
0x3c: {  	p2 =	seq.s32 s10, $0x1;
	s10 =	sld [smem:$0x3FB9]  }
0x3d: {  	_ =	shalt  }
0x3e: {  	_ =	shalt  }
0x3f: {  	_ =	shalt  }
0x40: {  	_ =	shalt  }
0x41: {  	_ =	shalt  }
0x42: {  	_ =	shalt  }
0x43: {  	_ =	shalt  }
0x44: {  	_ =	shalt  }
0x45: {  	_ =	shalt  }
0x46: {  	_ =	shalt  }
0x47: {  	_ =	shalt  }
0x48: {  	_ =	shalt  }
0x49: {  	_ =	shalt  }
0x4a: {  	_ =	shalt  }
0x4b: {  	_ =	shalt  }
0x4c: {  	_ =	shalt  }
0x4d: {  	_ =	shalt  }
0x4e: {  	_ =	shalt  }
0x4f: {  	_ =	shalt  }
0x50: {  	_ =	shalt  }
0x51: {  	_ =	shalt  }
0x52: {  	_ =	shalt  }
0x53: {  	_ =	shalt  }
0x54: {  	_ =	shalt  }
0x55: {  	_ =	shalt  }
0x56: {  	_ =	shalt  }
0x57: {  	_ =	shalt  }
0x58: {  	_ =	shalt  }
0x59: {  	_ =	shalt  }
0x5a: {  	_ =	shalt  }
0x5b: {  	_ =	shalt  }
0x5c: {  	_ =	shalt  }
0x5d: {  	_ =	shalt  }
0x5e: {  	_ =	shalt  }
0x5f: {  	_ =	shalt  }
0x60: {  	_ =	shalt  }
0x61: {  	_ =	shalt  }
0x62: {  	_ =	shalt  }
0x63: {  	_ =	shalt  }
0x64: {  	_ =	shalt  }
0x65: {  	_ =	shalt  }
0x66: {  	_ =	shalt  }
0x67: {  	_ =	shalt  }
0x68: {  	_ =	shalt  }
0x69: {  	_ =	shalt  }
0x6a: {  	_ =	shalt  }
0x6b: {  	_ =	shalt  }
0x6c: {  	_ =	shalt  }
0x6d: {  	_ =	shalt  }
0x6e: {  	_ =	shalt  }
0x6f: {  	_ =	shalt  }
0x70: {  	_ =	shalt  }
0x71: {  	_ =	shalt  }
0x72: {  	_ =	shalt  }
0x73: {  	_ =	shalt  }
0x74: {  	_ =	shalt  }
0x75: {  	_ =	shalt  }
0x76: {  	_ =	shalt  }
0x77: {  	_ =	shalt  }
0x78: {  	_ =	shalt  }
0x79: {  	_ =	shalt  }
0x7a: {  	_ =	shalt  }
0x7b: {  	_ =	shalt  }
0x7c: {  	_ =	shalt  }
0x7d: {  	_ =	shalt  }
0x7e: {  	_ =	shalt  }
0x7f: {  	_ =	shalt  }
0x80: {  	_ =	shalt  }
0x81: {  	_ =	shalt  }
0x82: {  	_ =	shalt  }
0x83: {  	_ =	shalt  }
0x84: {  	_ =	shalt  }
0x85: {  	_ =	shalt  }
0x86: {  	_ =	shalt  }
0x87: {  	_ =	shalt  }
.Lfunc_end0:
.L_simem_size_0:
called_computation_lowered:
.L_overlay_start_0:
0x88: {  	s0 =	sld [smem:$0x3FD9]  }
0x89: {  	s1 =	sld [smem:$0x3FFE];
	_ =	sdelay $0x3  }
0x8a: {  	s0 =	sadd.s32 s1, s0  }
0x8b: {  	[smem:$0x3FC5] =	sst s0  }
0x8c: {  	_ = 	snop  }
0x8d: {  	s0 =	sld [smem:$0x3FD0];
	(tm) =	ssettm $0x1  }
0x8e: {  	s16 =	sld [smem:$0x3FFB];
	_ =	sdelay $0x3  }
0x8f: {  	_ =	strace s16  }
0x90: {  	s1 =	sld [smem:$0x3FFC];
	_ =	sdelay $0x3  }
0x91: {  	_ =	strace s1  }
0x92: {  	s1 =	sld [smem:$0x3FFD];
	_ =	sdelay $0x3  }
0x93: {  	_ =	strace s1  }
0x94: {  	_ =	strace $0x8FFFFFFF  }
0x95: {  	s17 =	sld [smem:$0x3FDB];
	_ =	sdelay $0x1  }
0x96: {  	s2 =	simm.s32 $_scs_section_size  }
0x97: {  	s3 =	simm.s32 $_size__tile_overlayer_lowered;
	s4 =	simm.s32 $_tile_overlayer_lowered  }
0x98: {  	s20 =	simm.s32 $0x1BFF;
	s19 =	sshll.u32 s4, $0x1;
	s1 =	sadd.s32 s2, s17  }
0x99: {  	s5 =	simm.s32 $0x0;
	s18 =	sshll.u32 s3, $0x1;
	s3 =	sadd.s32 s19, s1  }
0x9a: {  	[timem:s5], [sflag:s20] =	dma.local [hbm:s3], s18  }
0x9b: {  	_ =	swait.ge [sflag:s20], s18  }
0x9c: {  	s2 =	ssub.s32 $0x0, s18;
	[sflag:s20] =	ssyncset.done $0x0  }
0x9d: {  	[sflag:s20] =	ssyncadd.s32 s2;
	_ =	sdelay $0x1  }
0x9e: {  	s21 =	simm.s32 $0x1B8B  }
0x9f: {  	_ =	swait.ge [sflag:s21], $0x1  }
0xa0: {  	[sflag:s21] =	ssyncset.done $0x0  }
0xa1: {  	s23 =	simm.s32 $0x1B8E;
	s22 =	sld [smem:$0x3FFE];
	[sflag:s21] =	ssyncadd.s32 $0xFFFFFFFF  }
0xa2: {  	s24 =	simm.s32 $execute0_lowered;
	[smem:$0x3FD2] =	sst s23  }
0xa3: {  	s3 =	sshll.u32 s24, $0x1;
	_ =	strace $0x80000046;
	[dreg:$0x1] =	wrdreg $0xFFFFFFFF  }
0xa4: {  	s25 =	simm.s32 $_size_execute0_lowered;
	s1 =	sadd.s32 s1, s3;
	[dreg:$0x0] =	wrdreg $0x0  }
0xa5: {  	s3 =	sshll.u32 s25, $0x1;
	[dreg:$0x2] =	wrdreg s1  }
0xa6: {  	[dreg:$0x3] =	wrdreg s3  }
0xa7: {  	[dreg:$0x4] =	wrdreg $0xC0  }
0xa8: {  	_ =	task [dreg:s5], $0x5FFFF  }
0xa9: {  	[dreg:$0x1] =	wrdreg $0xFFFFFFFF  }
0xaa: {  	[dreg:$0x0] =	wrdreg $0x60  }
0xab: {  	[dreg:$0x2] =	wrdreg s22  }
0xac: {  	[dreg:$0x3] =	wrdreg s0  }
0xad: {  	[dreg:$0x4] =	wrdreg $0x9  }
0xae: {  	_ =	task.clear_ibuf [dreg:s5], $0x5FFFF;
	_ =	strace $0x90000046  }
0xaf: {  	s26 =	simm.s32 $0x9;
	_ =	strace $0x80000048  }
0xb0: {  	_ =	swait.ge [sflag:s26], $0x1  }
0xb1: {  	[sflag:s26] =	ssyncadd.s32 $0xFFFFFFFF  }
0xb2: {  	_ =	strace $0x90000048  }
0xb3: {  	_ =	sfence  }
0xb4: {  	s28 =	sld [smem:$0x0];
	_ =	sdelay $0x1  }
0xb5: {  	s29 =	srdreg.scid  }
0xb6: {  	s30 =	sshll.u32 s29, $0xD;
	s31 =	sshrl.u32 s29, $0x2  }
0xb7: {  	s2 =	sand.u32 $0x4000, s30;
	s1 =	sand.u32 $0x1, s29;
	s0 =	sadd.s32 s31, s28  }
0xb8: {  	s1 =	sor.u32 s2, s1;
	s0 =	sshll.u32 s0, $0x11  }
0xb9: {  	s0 =	sor.u32 s0, s1  }
0xba: {  	s0 =	sadd.s32 $0x8F2B, s0  }
0xbb: {  	[sflag:s0] =	ssyncadd.remote.s32 $0x1  }
0xbc: {  	_ =	sfence.sel $0xFFFF  }
0xbd: {  	[dreg:$0x0] =	wrdreg $0xFFFFFFFF;
	(pc) =	sbr.abs _section_cstart, $3  }
0xbe: {  	[dreg:$0x1] =	wrdreg $0xFFFFFFFF  }
0xbf: {  	_ =	task.clear_ibuf [dreg:s5], $0x2FFFF;
	_ =	strace $0x9FFFFFFF  }
0xc0: {  	(tm) =	ssettm $0x7FFFFFFF  }
0xc1: {  	_ =	shalt  }
tec
execute0_lowered:
.L_overlay_start_1:
0x0: {  	(tag) =	ssettag $0x1  }
0x1: {  	s1 =	rddreg [dreg:$0x0]  }
0x2: {  	s2 =	rddreg [dreg:$0x1]  }
0x3: {  	s0 =	rddreg [dreg:$0x2];
	s3 =	simm.s32 $0x0  }
0x4: {  	s7 =	simm.s32 $0x40;
	s8 =	simm.s32 $0x0;
	[smem:$0x7FF] =	sst s3  }
0x5: {  	s6 =	sadd.s32 $0xC00, s1;
	s5 =	sadd.s32 $0x3E00, s1;
	s4 =	sadd.s32 $0x7000, s1  }
0x6: {  	v0 =	vimm.f32 $0.0e+00;
	s3 =	sadd.s32 $0xD400, s1;
	s1 =	stileid.u32;
	_ =	strace $0x80000047  }
.LBB2_1:
0x7: {  	p0 =	sne.s32 s7, $0xBB40;
	[tilespmem:s8+$0x0] =	vst v0;
	s8 =	smov.u32 s7;
	s7 =	sadd.s32 $0x40, s7  }
.Ltmp0:
0x8: {  	(pc) =	sbr.rel @p0 .LBB2_1-.Ltmp0, $2  }
0x9: {  	_ =	sdelay $0x2  }
0xa: {  	s8 =	sshra.s32 s8, $0x2  }
0xb: {  	s9 =	smul.u32 $0x8CA0, s1;
	_ =	sdelay $0x1  }
0xc: {  	s7 =	sadd.s32 s9, s2  }
0xd: {  	[tilespmem:s8+$0x0] =	vst v0;
	s8 =	simm.s32 $0x0;
	s9 =	sadd.s32 s9, s3;
	s10 =	sadd.s32 $0x0, s7  }
0xe: {  	[hbm4b:s10+s8] =	stream.linear.scatter [tilespmem:s8], [sflag:$0x1], $0x2EE0, $0x38;
	[tilespmem:$0x7A00] =	vst v63  }
0xf: {  	s11 =	sadd.s32 $0x0, s9;
	s10 =	simm.s32 $0x5DC  }
.LBB2_3:
0x10: {  	[hbm4b:s11+s8] =	stream.linear.scatter [tilespmem:s8], [sflag:$0x1], $0x2EE0, $0x38;
	[tilespmem:$0x7A00] =	vst v63  }
0x11: {  	s11 =	smov.u32 s10;
	p0 =	sne.s32 s10, $0x86C4  }
.Ltmp1:
0x12: {  	s10 =	sadd.s32 $0x5DC, s10;
	(pc) =	sbr.rel @p0 .LBB2_3-.Ltmp1, $4  }
0x13: {  	_ = 	snop  }
0x14: {  	s12 =	sadd.s32 s11, s7  }
0x15: {  	[hbm4b:s12+s8] =	stream.linear.scatter [tilespmem:s8], [sflag:$0x1], $0x2EE0, $0x38;
	[tilespmem:$0x7A00] =	vst v63  }
0x16: {  	s11 =	sadd.s32 s11, s9  }
0x17: {  	[hbm4b:s11+s8] =	stream.linear.scatter [tilespmem:s8], [sflag:$0x1], $0x2EE0, $0x38;
	[tilespmem:$0x7A00] =	vst v63  }
0x18: {  	s7 =	simm.s32 $0x1  }
0x19: {  	_ =	swait.ge [sflag:s7], $0x2EE0  }
0x1a: {  	[sflag:s7] =	ssyncset.done $0x0  }
0x1b: {  	[sflag:s7] =	ssyncadd.s32 $0xFFFFD120  }
0x1c: {  	_ =	swait.ge [sflag:s7], $0x2EE0  }
0x1d: {  	s8 =	simm.s32 $0x17;
	[sflag:s7] =	ssyncset.done $0x0  }
.LBB2_5:
0x1e: {  	p0 =	sne.s32 s8, $0x1;
	s8 =	sadd.s32 $0xFFFFFFFF, s8;
	[sflag:s7] =	ssyncadd.s32 $0xFFFFD120  }
.Ltmp2:
0x1f: {  	_ =	swait.ge [sflag:s7], $0x2EE0;
	(pc) =	sbr.rel @p0 .LBB2_5-.Ltmp2, $4  }
0x20: {  	[sflag:s7] =	ssyncset.done $0x0  }
0x21: {  	[sflag:s7] =	ssyncadd.s32 $0xFFFFD120  }
0x22: {  	_ =	swait.ge [sflag:s7], $0x2EE0  }
0x23: {  	[sflag:s7] =	ssyncset.done $0x0  }
0x24: {  	s8 =	smul.u32 $0x320, s1  }
0x25: {  	[sflag:s7] =	ssyncadd.s32 $0xFFFFD120;
	s26 =	simm.s32 $0x0;
	s9 =	simm.s32 $0x2F00  }
0x26: {  	s28 =	simm.s32 $0x2;
	[bflag:$0x0] =	sbarrier.arrive $0xFFFF;
	s6 =	sadd.s32 s6, s8  }
0x27: {  	[tilespmem:s9], [sflag:$0x2] =	stream.linear.gather [hbm4b:s6+s26], $0x1900, $0x38;
	[tilespmem:$0x7A00] =	vst v63  }
0x28: {  	_ =	swait.ge [sflag:s28], $0x1900  }
0x29: {  	[sflag:s28] =	ssyncset.done $0x0  }
0x2a: {  	s10 =	simm.s32 $0x4800;
	s5 =	sadd.s32 s5, s8;
	[sflag:s28] =	ssyncadd.s32 $0xFFFFE700  }
0x2b: {  	[tilespmem:s10], [sflag:$0x2] =	stream.linear.gather [hbm4b:s5+s26], $0x1900, $0x38;
	[tilespmem:$0x7A00] =	vst v63  }
0x2c: {  	_ =	swait.ge [sflag:s28], $0x1900  }
0x2d: {  	[sflag:s28] =	ssyncset.done $0x0  }
0x2e: {  	s29 =	simm.s32 $0x6100;
	s4 =	sadd.s32 s4, s8;
	[sflag:s28] =	ssyncadd.s32 $0xFFFFE700  }
0x2f: {  	[tilespmem:s29], [sflag:$0x2] =	stream.linear.gather [hbm4b:s4+s26], $0x1900, $0x38;
	[tilespmem:$0x7A00] =	vst v63  }
0x30: {  	_ =	swait.ge [sflag:s28], $0x1900  }
0x31: {  	[sflag:s28] =	ssyncset.done $0x0  }
0x32: {  	s30 =	simm.s32 $0x1900;
	[sflag:s28] =	ssyncadd.s32 $0xFFFFE700  }
0x33: {  	[hbm4b:s2+s30] =	stream.indirect.scatter [tilespmem:s10], [sflag:$0x1], $0x1, s9, s30, $0xb8;
	[tilespmem:$0x7A00] =	vst v63  }
0x34: {  	s31 =	simm.s32 $0x1  }
0x35: {  	[hbm4b:s3+s30] =	stream.indirect.scatter [tilespmem:s29], [sflag:$0x1], $0x1, s9, s30, $0xb8;
	[tilespmem:$0x7A00] =	vst v63  }
0x36: {  	_ =	swait.ge [sflag:s31], $0x1900  }
0x37: {  	[sflag:s31] =	ssyncset.done $0x0  }
0x38: {  	[sflag:s31] =	ssyncadd.s32 $0xFFFFE700  }
0x39: {  	_ =	swait.ge [sflag:s31], $0x1900  }
0x3a: {  	[sflag:s31] =	ssyncset.done $0x0  }
0x3b: {  	[sflag:s31] =	ssyncadd.s32 $0xFFFFE700  }
0x3c: {  	_ =	sfence.sel $0x180000  }
0x3d: {  	[bflag:$0x0] =	sbarrier.arrive $0xFFFF  }
0x3e: {  	p0 =	sne.s32 s1, $0x0;
	_ =	strace $0x90000047  }
0x3f: {  	s0 =	sadd.s32 @!p0 $0x100000, s0;
	[bflag:$0x2] =	sbarrier.arrive $0xFFFF  }
0x40: {  	[sflag:s0] =	ssyncadd.tile.s32 @!p0 $0x1;
	_ =	shalt  }
.Lfunc_end2:
_tile_overlayer_lowered:
.L_overlay_start_2:
0x41: {  	(tag) =	ssettag $0x2  }
0x42: {  	s0 =	rddreg [dreg:$0x0];
	s2 =	stileid.u32  }
0x43: {  	s1 =	rddreg [dreg:$0x1];
	p0 =	sne.s32 s2, $0x0  }
0x44: {  	s3 =	rddreg [dreg:$0x2];
	[bflag:$0x3] =	sbarrier.arrive $0xFFFF;
	s2 =	simm.s32 @!p0 $0x1C02  }
0x45: {  	[timem:s3], [sflag:s2] =	dma.local @!p0 [hbm:s0], s1  }
0x46: {  	s0 =	simm.s32 @!p0 $0x2  }
0x47: {  	_ =	swait.ge @!p0 [sflag:s0], s1  }
0x48: {  	s1 =	ssub.s32 @!p0 $0x0, s1;
	[sflag:s0] =	ssyncset.done @!p0 $0x0  }
0x49: {  	[sflag:s0] =	ssyncadd.s32 @!p0 s1  }
0x4a: {  	[bflag:$0x3] =	sbarrier.arrive $0xFFFF  }
0x4b: {  	_ =	shalt  }

// kernel: kernel.9.cloned.1.call-start
scs
__scs_entry_jumppad:
0x0: {  	(pc) =	sbr.rel $0x88, $3  }
0x1: {  	(tag) =	ssettag $0x0;
	lr =	simm.s32 $0x1  }
0x2: {  	[smem:$0x3F9E] =	sst lr;
	_ =	strace $0xD0000000  }
0x3: {  	_ = 	snop  }
0x4: {  	_ = 	snop  }
0x5: {  	_ = 	snop  }
0x6: {  	_ = 	snop  }
0x7: {  	_ = 	snop  }
__scs_overlays_trampoline_lowered:
0x8: {  	[smem:$0x3FAD] =	sst s0  }
0x9: {  	[smem:$0x3FAE] =	sst s1  }
0xa: {  	[smem:$0x3FAF] =	sst s2  }
0xb: {  	[smem:$0x3FB0] =	sst s3  }
0xc: {  	[smem:$0x3FB1] =	sst s4  }
0xd: {  	[smem:$0x3FB2] =	sst s5  }
0xe: {  	[smem:$0x3FB3] =	sst s6  }
0xf: {  	[smem:$0x3FB4] =	sst s7  }
0x10: {  	[smem:$0x3FB5] =	sst s8  }
0x11: {  	[smem:$0x3FB6] =	sst s9;
	s0 =	simm.s32 @!p0 $0x0  }
0x12: {  	s1 =	sld [smem:$0x3F9C];
	s0 =	simm.s32 @p0 $0x1  }
0x13: {  	[smem:$0x3FB7] =	sst s0;
	s0 =	simm.s32 @!p1 $0x0  }
0x14: {  	s2 =	sld [smem:$0x3F9B];
	s0 =	simm.s32 @p1 $0x1  }
0x15: {  	[smem:$0x3FB8] =	sst s0;
	s0 =	simm.s32 @!p2 $0x0  }
0x16: {  	s3 =	sld [smem:$0x3FDB];
	s0 =	simm.s32 @p2 $0x1  }
0x17: {  	s4 =	simm.s32 $0x1BF5;
	[smem:$0x3FBA] =	sst s0  }
0x18: {  	s0 =	sld [smem:$0x3F9D];
	_ =	swait.ge [sflag:s4], $0x0  }
0x19: {  	s7 =	sld [smem:$0x3F9E]  }
0x1a: {  	s8 =	sadd.s32 $0xFFFFE003, lr  }
0x1b: {  	s9 =	sadd.s32 $0xFFFFFEF7, lr;
	s5 =	simm.s32 $0xFFFFFFFF;
	p2 =	slt.u32 s8, $0xFFFFF086  }
0x1c: {  	p1 =	slt.u32 s9, $0xF7A;
	s5 =	simm.s32 @!p2 $0x0  }
0x1d: {  	s5 =	simm.s32 @p1 $0x1;
	p0 =	seq.s32 s7, s2  }
0x1e: {  	s7 =	smul.u32 @!p0 $0xF7A, s2;
	p2 =	seq.s32 @!p0 s5, $0x0  }
0x1f: {  	s9 =	smul.u32 $0xF7A, s1;
	s8 =	simm.s32 @!p0 $0x1BF5;
	p2 =	por !p2, p0  }
0x20: {  	[sflag:s8] =	ssyncset.s32 @!p0 $0xFFFFF086;
	s6 =	sadd.s32 @!p0 s3, s7;
	s7 =	simm.s32 @!p0 $0x108  }
0x21: {  	s3 =	sadd.s32 s3, s9;
	s6 =	sadd.s32 @!p0 $0x88, s6;
	s7 =	simm.s32 @p2 $0x1082  }
0x22: {  	[simem:s7], [sflag:s8] =	dma.local @!p0 [hbm:s6], $0xF7A  }
0x23: {  	s9 =	sor.u32 $0xD0000000, s2;
	s6 =	simm.s32 $0x108;
	_ =	swait.ge @!p0 [sflag:s8], $0x0  }
0x24: {  	s3 =	sadd.s32 $0x88, s3;
	s6 =	simm.s32 @!p1 $0x1082;
	[sflag:s4] =	ssyncset.s32 $0xFFFFF086  }
0x25: {  	[simem:s6], [sflag:s4] =	dma.local [hbm:s3], $0xF7A  }
0x26: {  	[smem:$0x3F9E] =	sst s1;
	(tag) =	ssettag s2;
	_ =	strace s9  }
0x27: {  	s1 =	sld [smem:$0x3FAE]  }
0x28: {  	s2 =	sld [smem:$0x3FAF]  }
0x29: {  	s4 =	sld [smem:$0x3FB1]  }
0x2a: {  	p0 =	seq.s32 s5, $0x0;
	s5 =	sld [smem:$0x3FB2]  }
0x2b: {  	s6 =	sld [smem:$0x3FB3]  }
0x2c: {  	s7 =	sld [smem:$0x3FB4]  }
0x2d: {  	s3 =	simm.s32 $0x108;
	s8 =	sld [smem:$0x3FB5]  }
0x2e: {  	s3 =	simm.s32 @!p0 $0x1082;
	s9 =	sld [smem:$0x3FB6]  }
0x2f: {  	lr =	sadd.s32 s0, s3;
	s0 =	sld [smem:$0x3FAD]  }
0x30: {  	s3 =	sld [smem:$0x3FB0]  }
0x31: {  	[smem:$0x3FB9] =	sst s10  }
0x32: {  	s10 =	sld [smem:$0x3FB7];
	_ =	sdelay $0x3  }
0x33: {  	p0 =	seq.s32 s10, $0x1;
	s10 =	sld [smem:$0x3FB9];
	_ =	sdelay $0x3  }
0x34: {  	[smem:$0x3FB9] =	sst s10  }
0x35: {  	s10 =	sld [smem:$0x3FB8];
	_ =	sdelay $0x3  }
0x36: {  	p1 =	seq.s32 s10, $0x1;
	s10 =	sld [smem:$0x3FB9];
	_ =	sdelay $0x3  }
0x37: {  	[smem:$0x3FB9] =	sst s10  }
0x38: {  	s10 =	sld [smem:$0x3FBA]  }
0x39: {  	_ = 	snop;
	(pc) =	sbr.ind lr, $3  }
0x3a: {  	_ = 	snop  }
0x3b: {  	_ = 	snop  }
0x3c: {  	p2 =	seq.s32 s10, $0x1;
	s10 =	sld [smem:$0x3FB9]  }
0x3d: {  	_ =	shalt  }
0x3e: {  	_ =	shalt  }
0x3f: {  	_ =	shalt  }
0x40: {  	_ =	shalt  }
0x41: {  	_ =	shalt  }
0x42: {  	_ =	shalt  }
0x43: {  	_ =	shalt  }
0x44: {  	_ =	shalt  }
0x45: {  	_ =	shalt  }
0x46: {  	_ =	shalt  }
0x47: {  	_ =	shalt  }
0x48: {  	_ =	shalt  }
0x49: {  	_ =	shalt  }
0x4a: {  	_ =	shalt  }
0x4b: {  	_ =	shalt  }
0x4c: {  	_ =	shalt  }
0x4d: {  	_ =	shalt  }
0x4e: {  	_ =	shalt  }
0x4f: {  	_ =	shalt  }
0x50: {  	_ =	shalt  }
0x51: {  	_ =	shalt  }
0x52: {  	_ =	shalt  }
0x53: {  	_ =	shalt  }
0x54: {  	_ =	shalt  }
0x55: {  	_ =	shalt  }
0x56: {  	_ =	shalt  }
0x57: {  	_ =	shalt  }
0x58: {  	_ =	shalt  }
0x59: {  	_ =	shalt  }
0x5a: {  	_ =	shalt  }
0x5b: {  	_ =	shalt  }
0x5c: {  	_ =	shalt  }
0x5d: {  	_ =	shalt  }
0x5e: {  	_ =	shalt  }
0x5f: {  	_ =	shalt  }
0x60: {  	_ =	shalt  }
0x61: {  	_ =	shalt  }
0x62: {  	_ =	shalt  }
0x63: {  	_ =	shalt  }
0x64: {  	_ =	shalt  }
0x65: {  	_ =	shalt  }
0x66: {  	_ =	shalt  }
0x67: {  	_ =	shalt  }
0x68: {  	_ =	shalt  }
0x69: {  	_ =	shalt  }
0x6a: {  	_ =	shalt  }
0x6b: {  	_ =	shalt  }
0x6c: {  	_ =	shalt  }
0x6d: {  	_ =	shalt  }
0x6e: {  	_ =	shalt  }
0x6f: {  	_ =	shalt  }
0x70: {  	_ =	shalt  }
0x71: {  	_ =	shalt  }
0x72: {  	_ =	shalt  }
0x73: {  	_ =	shalt  }
0x74: {  	_ =	shalt  }
0x75: {  	_ =	shalt  }
0x76: {  	_ =	shalt  }
0x77: {  	_ =	shalt  }
0x78: {  	_ =	shalt  }
0x79: {  	_ =	shalt  }
0x7a: {  	_ =	shalt  }
0x7b: {  	_ =	shalt  }
0x7c: {  	_ =	shalt  }
0x7d: {  	_ =	shalt  }
0x7e: {  	_ =	shalt  }
0x7f: {  	_ =	shalt  }
0x80: {  	_ =	shalt  }
0x81: {  	_ =	shalt  }
0x82: {  	_ =	shalt  }
0x83: {  	_ =	shalt  }
0x84: {  	_ =	shalt  }
0x85: {  	_ =	shalt  }
0x86: {  	_ =	shalt  }
0x87: {  	_ =	shalt  }
.Lfunc_end0:
.L_simem_size_0:
called_computation.1_lowered:
.L_overlay_start_0:
0x88: {  	s2 =	sld [smem:$0x3FD9]  }
0x89: {  	s3 =	sld [smem:$0x3FFE];
	_ =	sdelay $0x1  }
0x8a: {  	s1 =	srdreg.scid  }
0x8b: {  	s0 =	sand.u32 $0x1, s1  }
0x8c: {  	s17 =	sshll.u32 s0, $0xA;
	s2 =	sadd.s32 s3, s2  }
0x8d: {  	s2 =	sadd.s32 s2, s17  }
0x8e: {  	[smem:$0x3FC5] =	sst s2  }
0x8f: {  	_ = 	snop  }
0x90: {  	s2 =	sld [smem:$0x3FD0];
	(tm) =	ssettm $0x1  }
0x91: {  	s18 =	sld [smem:$0x3FFB];
	_ =	sdelay $0x3  }
0x92: {  	_ =	strace s18  }
0x93: {  	s3 =	sld [smem:$0x3FFC];
	_ =	sdelay $0x3  }
0x94: {  	_ =	strace s3  }
0x95: {  	s3 =	sld [smem:$0x3FFD];
	_ =	sdelay $0x3  }
0x96: {  	_ =	strace s3  }
0x97: {  	_ =	strace $0x8FFFFFFF  }
0x98: {  	s19 =	sld [smem:$0x3FDB];
	_ =	sdelay $0x1  }
0x99: {  	s4 =	simm.s32 $_scs_section_size  }
0x9a: {  	s5 =	simm.s32 $_size__tile_overlayer_lowered;
	s6 =	simm.s32 $_tile_overlayer_lowered  }
0x9b: {  	s22 =	simm.s32 $0x1BFF;
	s21 =	sshll.u32 s6, $0x1;
	s3 =	sadd.s32 s4, s19  }
0x9c: {  	s7 =	simm.s32 $0x0;
	s20 =	sshll.u32 s5, $0x1;
	s5 =	sadd.s32 s21, s3  }
0x9d: {  	[timem:s7], [sflag:s22] =	dma.local [hbm:s5], s20  }
0x9e: {  	_ =	swait.ge [sflag:s22], s20  }
0x9f: {  	s4 =	ssub.s32 $0x0, s20;
	[sflag:s22] =	ssyncset.done $0x0  }
0xa0: {  	[sflag:s22] =	ssyncadd.s32 s4;
	_ =	sdelay $0x1  }
0xa1: {  	s23 =	simm.s32 $0x1B8B  }
0xa2: {  	_ =	swait.ge [sflag:s23], $0x1  }
0xa3: {  	[sflag:s23] =	ssyncset.done $0x0  }
0xa4: {  	s25 =	simm.s32 $0x1B8E;
	s24 =	sld [smem:$0x3FFE];
	[sflag:s23] =	ssyncadd.s32 $0xFFFFFFFF  }
0xa5: {  	s26 =	simm.s32 $execute0_lowered;
	[smem:$0x3FD2] =	sst s25  }
0xa6: {  	s5 =	sshll.u32 s26, $0x1;
	_ =	strace $0x80000049;
	[dreg:$0x1] =	wrdreg $0xFFFFFFFF  }
0xa7: {  	s28 =	simm.s32 $_size_execute0_lowered;
	s3 =	sadd.s32 s3, s5;
	[dreg:$0x0] =	wrdreg $0x0  }
0xa8: {  	s5 =	sshll.u32 s28, $0x1;
	[dreg:$0x2] =	wrdreg s3  }
0xa9: {  	[dreg:$0x3] =	wrdreg s5  }
0xaa: {  	[dreg:$0x4] =	wrdreg $0xC0  }
0xab: {  	_ =	task [dreg:s7], $0x5FFFF  }
0xac: {  	[dreg:$0x1] =	wrdreg $0xFFFFFFFF  }
0xad: {  	[dreg:$0x0] =	wrdreg $0x60  }
0xae: {  	[dreg:$0x2] =	wrdreg s2  }
0xaf: {  	[dreg:$0x3] =	wrdreg s24  }
0xb0: {  	[dreg:$0x4] =	wrdreg $0x9  }
0xb1: {  	_ =	task.clear_ibuf [dreg:s7], $0x5FFFF;
	_ =	strace $0x90000049  }
0xb2: {  	s29 =	simm.s32 $0x9;
	_ =	strace $0x8000004B  }
0xb3: {  	_ =	swait.ge [sflag:s29], $0x1  }
0xb4: {  	[sflag:s29] =	ssyncadd.s32 $0xFFFFFFFF  }
0xb5: {  	_ =	strace $0x9000004B  }
0xb6: {  	_ =	sfence  }
0xb7: {  	s30 =	sld [smem:$0x0];
	_ =	sdelay $0x2  }
0xb8: {  	s31 =	sshll.u32 s1, $0xD;
	s1 =	sshrl.u32 s1, $0x2  }
0xb9: {  	s3 =	sand.u32 $0x4000, s31;
	s1 =	sadd.s32 s1, s30  }
0xba: {  	s0 =	sor.u32 s3, s0;
	s1 =	sshll.u32 s1, $0x11  }
0xbb: {  	s0 =	sor.u32 s1, s0  }
0xbc: {  	s0 =	sadd.s32 $0x8F2B, s0  }
0xbd: {  	[sflag:s0] =	ssyncadd.remote.s32 $0x1  }
0xbe: {  	_ =	sfence.sel $0xFFFF  }
0xbf: {  	[dreg:$0x0] =	wrdreg $0xFFFFFFFF;
	(pc) =	sbr.abs _section_cstart, $3  }
0xc0: {  	[dreg:$0x1] =	wrdreg $0xFFFFFFFF  }
0xc1: {  	_ =	task.clear_ibuf [dreg:s7], $0x2FFFF;
	_ =	strace $0x9FFFFFFF  }
0xc2: {  	(tm) =	ssettm $0x7FFFFFFF  }
0xc3: {  	_ =	shalt  }
tec
execute0_lowered:
.L_overlay_start_1:
0x0: {  	(tag) =	ssettag $0x1  }
0x1: {  	s2 =	rddreg [dreg:$0x0]  }
0x2: {  	s0 =	rddreg [dreg:$0x1]  }
0x3: {  	s1 =	srdreg.scid;
	s3 =	stileid.u32  }
0x4: {  	s5 =	simm.s32 $0x0;
	s21 =	simm.s32 $0x3;
	s13 =	simm.s32 $0xC8  }
0x5: {  	s8 =	simm.s32 $0x12C0;
	s10 =	simm.s32 $0x1388;
	s18 =	simm.s32 $0x1450  }
0x6: {  	s22 =	simm.s32 $0x1518;
	s28 =	simm.s32 $0x15E0;
	s29 =	simm.s32 $0x1C20  }
0x7: {  	s31 =	simm.s32 $0x1CE8;
	s11 =	simm.s32 $0x1DB0;
	s12 =	simm.s32 $0x1E78  }
0x8: {  	s7 =	simm.s32 $0x1F40;
	s9 =	simm.s32 $0x2008;
	s15 =	simm.s32 $0x20D0  }
0x9: {  	s16 =	simm.s32 $0x2198;
	s14 =	simm.s32 $0x2260;
	s17 =	simm.s32 $0x2328  }
0xa: {  	s20 =	simm.s32 $0x23F0;
	s23 =	simm.s32 $0x24B8;
	s19 =	simm.s32 $0x1  }
0xb: {  	s1 =	sand.u32 $0x1, s1;
	s3 =	sshll.u32 s3, $0x1;
	[smem:$0x7FF] =	sst s5  }
0xc: {  	s4 =	sadd.s32 $0xD400, s0;
	s6 =	sadd.s32 $0xC00, s0;
	s24 =	sadd.s32 $0x1400, s0  }
0xd: {  	s3 =	sor.u32 s1, s3;
	_ =	strace $0x8000004A;
	s1 =	ssub.s32 $0x2, s1  }
0xe: {  	[dreg:$0x3] =	wrdreg s6;
	s3 =	smul.u32 $0x190, s3;
	s25 =	sshrl.u32 s1, $0x1  }
.Ltmp0:
0xf: {  	[dreg:$0x4] =	wrdreg s24;
	s1 =	ssub.s32 s1, s25;
	(pc) =	sbr.rel .LBB2_1-.Ltmp0, $4  }
0x10: {  	s6 =	simm.s32 $0x1770;
	s0 =	sadd.s32 s3, s0;
	s30 =	smax.u32 s1, $0x1  }
0x11: {  	s24 =	simm.s32 $0x0;
	s26 =	sadd.s32 $0xA200, s0;
	[dreg:$0x7] =	wrdreg s30  }
0x12: {  	s3 =	simm.s32 $0x1838;
	s0 =	sadd.s32 $0x1C00, s0;
	[dreg:$0x5] =	wrdreg s26  }
0x13: {  	v0 =	vimm.f32 $0.0e+00;
	[dreg:$0x6] =	wrdreg s0;
	s0 =	simm.s32 $0x16A8;
	s26 =	simm.s32 $0x2  }
.LBB2_21:
0x14: {  	s5 =	simm.s32 $0x0;
	s1 =	rddreg [dreg:$0x6];
	s21 =	simm.s32 $0x5780  }
0x15: {  	[hbm4b:s1+s5] =	stream.linear.scatter [tilespmem:s21], [sflag:$0x3], $0xC80, $0x38;
	[tilespmem:$0xE400] =	vst v63  }
0x16: {  	s21 =	simm.s32 $0x3  }
0x17: {  	_ =	swait.ge [sflag:s21], $0xC80  }
0x18: {  	s24 =	rddreg [dreg:$0x8]  }
0x19: {  	s30 =	rddreg [dreg:$0x7];
	s24 =	sadd.s32 $0x1, s24  }
0x1a: {  	p0 =	sne.s32 s24, s30  }
.Ltmp1:
0x1b: {  	_ = 	snop;
	(pc) =	sbr.rel @!p0 .LBB2_22-.Ltmp1, $3  }
0x1c: {  	_ =	sdelay $0x1  }
0x1d: {  	[sflag:s21] =	ssyncset.done $0x0  }
0x1e: {  	[sflag:s21] =	ssyncadd.s32 $0xFFFFF380  }
.LBB2_1:
0x1f: {  	[dreg:$0x8] =	wrdreg s24  }
0x20: {  	s1 =	rddreg [dreg:$0x5]  }
0x21: {  	[tilespmem:s5], [sflag:$0x3] =	stream.linear.gather [hbm4b:s1+s5], $0xC80, $0x38;
	[tilespmem:$0xE400] =	vst v63  }
0x22: {  	_ =	swait.ge [sflag:s21], $0xC80  }
0x23: {  	[sflag:s21] =	ssyncset.done $0x0  }
0x24: {  	s30 =	simm.s32 $0x6400;
	s25 =	rddreg [dreg:$0x3];
	[sflag:s21] =	ssyncadd.s32 $0xFFFFF380  }
0x25: {  	[tilespmem:s30], [sflag:$0x3] =	stream.linear.gather [hbm4b:s25+s5], $0x4000, $0x38;
	[tilespmem:$0xE400] =	vst v63  }
0x26: {  	_ =	swait.ge [sflag:s21], $0x4000  }
0x27: {  	[sflag:s21] =	ssyncset.done $0x0  }
0x28: {  	s30 =	simm.s32 $0xA400;
	s25 =	rddreg [dreg:$0x4];
	[sflag:s21] =	ssyncadd.s32 $0xFFFFC000  }
0x29: {  	[tilespmem:s30], [sflag:$0x3] =	stream.linear.gather [hbm4b:s25+s5], $0x4000, $0x38;
	[tilespmem:$0xE400] =	vst v63  }
0x2a: {  	_ =	swait.ge [sflag:s21], $0x4000  }
0x2b: {  	[sflag:s21] =	ssyncset.done $0x0  }
0x2c: {  	s1 =	simm.s32 $0x0;
	[sflag:s21] =	ssyncadd.s32 $0xFFFFC000  }
.LBB2_2:
0x2d: {  	p0 =	sne.s32 s1, $0x31C0  }
.Ltmp2:
0x2e: {  	_ = 	snop;
	(pc) =	sbr.rel @p0 .LBB2_2-.Ltmp2, $3  }
0x2f: {  	_ =	sdelay $0x1  }
0x30: {  	s5 =	sshra.s32 s1, $0x2  }
0x31: {  	s1 =	sadd.s32 $0x40, s1;
	[tilespmem:s5+$0x5780] =	vst v0  }
0x32: {  	s1 =	simm.s32 $0x0  }
0x33: {  	s5 =	simm.s32 $0x40;
	v1 =	vld [tilespmem:s1+$0x0]  }
.LBB2_4:
0x34: {  	p0 =	sne.s32 s5, $0x31C0  }
.Ltmp3:
0x35: {  	_ = 	snop;
	(pc) =	sbr.rel @p0 .LBB2_4-.Ltmp3, $3  }
0x36: {  	_ =	sdelay $0x1  }
0x37: {  	s21 =	sshra.s32 s5, $0x2;
	s5 =	sadd.s32 $0x40, s5;
	v2 =	vadd.s32 $0xFFFF76D6, v1  }
0x38: {  	v1 =	vld [tilespmem:s21+$0x0];
	[tilespmem:s1+$0xC80] =	vst v2;
	s1 =	smov.u32 s21  }
0x39: {  	_ =	sdelay $0x3  }
0x3a: {  	v1 =	vadd.s32 $0xFFFF76D6, v1  }
0x3b: {  	s21 =	simm.s32 $0xC80;
	s5 =	simm.s32 $0x2580;
	[tilespmem:s1+$0xC80] =	vst v1  }
0x3c: {  	[tilespmem:s5], [sflag:$0x1] =	stream.indirect.gather [hbm4b:s2+s13], $0x1, s21, s13, $0xb8;
	[tilespmem:$0xE400] =	vst v63  }
0x3d: {  	s24 =	simm.s32 $0x3200  }
0x3e: {  	[tilespmem:s24], [sflag:$0x1] =	stream.indirect.gather [hbm4b:s4+s13], $0x1, s21, s13, $0xb8;
	[tilespmem:$0xE400] =	vst v63  }
0x3f: {  	s25 =	simm.s32 $0xD48;
	s30 =	simm.s32 $0x2648  }
0x40: {  	[tilespmem:s30], [sflag:$0x1] =	stream.indirect.gather [hbm4b:s2+s13], $0x1, s25, s13, $0xb8;
	[tilespmem:$0xE400] =	vst v63  }
0x41: {  	s21 =	simm.s32 $0x32C8  }
0x42: {  	[tilespmem:s21], [sflag:$0x1] =	stream.indirect.gather [hbm4b:s4+s13], $0x1, s25, s13, $0xb8;
	[tilespmem:$0xE400] =	vst v63  }
0x43: {  	s24 =	simm.s32 $0xE10;
	s25 =	simm.s32 $0x2710  }
0x44: {  	[tilespmem:s25], [sflag:$0x1] =	stream.indirect.gather [hbm4b:s2+s13], $0x1, s24, s13, $0xb8;
	[tilespmem:$0xE400] =	vst v63  }
0x45: {  	s30 =	simm.s32 $0x3390  }
0x46: {  	[tilespmem:s30], [sflag:$0x1] =	stream.indirect.gather [hbm4b:s4+s13], $0x1, s24, s13, $0xb8;
	[tilespmem:$0xE400] =	vst v63  }
0x47: {  	s21 =	simm.s32 $0xED8;
	s24 =	simm.s32 $0x27D8  }
0x48: {  	[tilespmem:s24], [sflag:$0x1] =	stream.indirect.gather [hbm4b:s2+s13], $0x1, s21, s13, $0xb8;
	[tilespmem:$0xE400] =	vst v63  }
0x49: {  	s25 =	simm.s32 $0x3458  }
0x4a: {  	[tilespmem:s25], [sflag:$0x1] =	stream.indirect.gather [hbm4b:s4+s13], $0x1, s21, s13, $0xb8;
	[tilespmem:$0xE400] =	vst v63  }
0x4b: {  	s30 =	simm.s32 $0xFA0;
	s21 =	simm.s32 $0x28A0  }
0x4c: {  	[tilespmem:s21], [sflag:$0x1] =	stream.indirect.gather [hbm4b:s2+s13], $0x1, s30, s13, $0xb8;
	[tilespmem:$0xE400] =	vst v63  }
0x4d: {  	s24 =	simm.s32 $0x3520  }
0x4e: {  	[tilespmem:s24], [sflag:$0x1] =	stream.indirect.gather [hbm4b:s4+s13], $0x1, s30, s13, $0xb8;
	[tilespmem:$0xE400] =	vst v63  }
0x4f: {  	s25 =	simm.s32 $0x1068;
	s30 =	simm.s32 $0x2968  }
0x50: {  	[tilespmem:s30], [sflag:$0x1] =	stream.indirect.gather [hbm4b:s2+s13], $0x1, s25, s13, $0xb8;
	[tilespmem:$0xE400] =	vst v63  }
0x51: {  	s21 =	simm.s32 $0x35E8  }
0x52: {  	[tilespmem:s21], [sflag:$0x1] =	stream.indirect.gather [hbm4b:s4+s13], $0x1, s25, s13, $0xb8;
	[tilespmem:$0xE400] =	vst v63  }
0x53: {  	s24 =	simm.s32 $0x1130;
	s25 =	simm.s32 $0x2A30  }
0x54: {  	[tilespmem:s25], [sflag:$0x1] =	stream.indirect.gather [hbm4b:s2+s13], $0x1, s24, s13, $0xb8;
	[tilespmem:$0xE400] =	vst v63  }
0x55: {  	s30 =	simm.s32 $0x36B0  }
0x56: {  	[tilespmem:s30], [sflag:$0x1] =	stream.indirect.gather [hbm4b:s4+s13], $0x1, s24, s13, $0xb8;
	[tilespmem:$0xE400] =	vst v63  }
0x57: {  	s21 =	simm.s32 $0x11F8;
	s24 =	simm.s32 $0x2AF8  }
0x58: {  	[tilespmem:s24], [sflag:$0x1] =	stream.indirect.gather [hbm4b:s2+s13], $0x1, s21, s13, $0xb8;
	[tilespmem:$0xE400] =	vst v63  }
0x59: {  	s25 =	simm.s32 $0x3778  }
0x5a: {  	[tilespmem:s25], [sflag:$0x1] =	stream.indirect.gather [hbm4b:s4+s13], $0x1, s21, s13, $0xb8;
	[tilespmem:$0xE400] =	vst v63  }
0x5b: {  	s30 =	simm.s32 $0x2BC0  }
0x5c: {  	[tilespmem:s30], [sflag:$0x1] =	stream.indirect.gather [hbm4b:s2+s13], $0x1, s8, s13, $0xb8;
	[tilespmem:$0xE400] =	vst v63  }
0x5d: {  	s5 =	simm.s32 $0x3840  }
0x5e: {  	[tilespmem:s5], [sflag:$0x1] =	stream.indirect.gather [hbm4b:s4+s13], $0x1, s8, s13, $0xb8;
	[tilespmem:$0xE400] =	vst v63  }
0x5f: {  	s21 =	simm.s32 $0x2C88  }
0x60: {  	[tilespmem:s21], [sflag:$0x1] =	stream.indirect.gather [hbm4b:s2+s13], $0x1, s10, s13, $0xb8;
	[tilespmem:$0xE400] =	vst v63  }
0x61: {  	s24 =	simm.s32 $0x3908  }
0x62: {  	[tilespmem:s24], [sflag:$0x1] =	stream.indirect.gather [hbm4b:s4+s13], $0x1, s10, s13, $0xb8;
	[tilespmem:$0xE400] =	vst v63  }
0x63: {  	s25 =	simm.s32 $0x2D50  }
0x64: {  	[tilespmem:s25], [sflag:$0x1] =	stream.indirect.gather [hbm4b:s2+s13], $0x1, s18, s13, $0xb8;
	[tilespmem:$0xE400] =	vst v63  }
0x65: {  	s30 =	simm.s32 $0x39D0  }
0x66: {  	[tilespmem:s30], [sflag:$0x1] =	stream.indirect.gather [hbm4b:s4+s13], $0x1, s18, s13, $0xb8;
	[tilespmem:$0xE400] =	vst v63  }
0x67: {  	s5 =	simm.s32 $0x2E18  }
0x68: {  	[tilespmem:s5], [sflag:$0x1] =	stream.indirect.gather [hbm4b:s2+s13], $0x1, s22, s13, $0xb8;
	[tilespmem:$0xE400] =	vst v63  }
0x69: {  	s21 =	simm.s32 $0x3A98  }
0x6a: {  	[tilespmem:s21], [sflag:$0x1] =	stream.indirect.gather [hbm4b:s4+s13], $0x1, s22, s13, $0xb8;
	[tilespmem:$0xE400] =	vst v63  }
0x6b: {  	s24 =	simm.s32 $0x2EE0  }
0x6c: {  	[tilespmem:s24], [sflag:$0x1] =	stream.indirect.gather [hbm4b:s2+s13], $0x1, s28, s13, $0xb8;
	[tilespmem:$0xE400] =	vst v63  }
0x6d: {  	s25 =	simm.s32 $0x3B60  }
0x6e: {  	[tilespmem:s25], [sflag:$0x1] =	stream.indirect.gather [hbm4b:s4+s13], $0x1, s28, s13, $0xb8;
	[tilespmem:$0xE400] =	vst v63  }
0x6f: {  	s30 =	simm.s32 $0x2FA8  }
0x70: {  	[tilespmem:s30], [sflag:$0x1] =	stream.indirect.gather [hbm4b:s2+s13], $0x1, s0, s13, $0xb8;
	[tilespmem:$0xE400] =	vst v63  }
0x71: {  	s5 =	simm.s32 $0x3C28  }
0x72: {  	[tilespmem:s5], [sflag:$0x1] =	stream.indirect.gather [hbm4b:s4+s13], $0x1, s0, s13, $0xb8;
	[tilespmem:$0xE400] =	vst v63  }
0x73: {  	s21 =	simm.s32 $0x3070  }
0x74: {  	[tilespmem:s21], [sflag:$0x1] =	stream.indirect.gather [hbm4b:s2+s13], $0x1, s6, s13, $0xb8;
	[tilespmem:$0xE400] =	vst v63  }
0x75: {  	s24 =	simm.s32 $0x3CF0  }
0x76: {  	[tilespmem:s24], [sflag:$0x1] =	stream.indirect.gather [hbm4b:s4+s13], $0x1, s6, s13, $0xb8;
	[tilespmem:$0xE400] =	vst v63  }
.Ltmp4:
0x77: {  	_ = 	snop;
	(pc) =	sbr.rel .LBB2_6-.Ltmp4, $4  }
0x78: {  	s25 =	simm.s32 $0x3138  }
0x79: {  	[tilespmem:s25], [sflag:$0x1] =	stream.indirect.gather [hbm4b:s2+s13], $0x1, s3, s13, $0xb8;
	[tilespmem:$0xE400] =	vst v63  }
0x7a: {  	s30 =	simm.s32 $0x3DB8;
	s21 =	simm.s32 $0x0  }
0x7b: {  	[tilespmem:s30], [sflag:$0x1] =	stream.indirect.gather [hbm4b:s4+s13], $0x1, s3, s13, $0xb8;
	[tilespmem:$0xE400] =	vst v63  }
.LBB2_20:
0x7c: {  	s21 =	sadd.s32 $0x1, s21  }
0x7d: {  	p0 =	sne.s32 s21, $0x3F  }
.Ltmp5:
0x7e: {  	_ = 	snop;
	(pc) =	sbr.rel @!p0 .LBB2_21-.Ltmp5, $1  }
0x7f: {  	_ =	sdelay $0x3  }
.LBB2_6:
0x80: {  	s30 =	sshllo.u32 s21, $0x1  }
0x81: {  	p0 =	sgt.u32 s30, $0x7C  }
.Ltmp6:
0x82: {  	_ = 	snop;
	(pc) =	sbr.rel @p0 .LBB2_10-.Ltmp6, $1  }
0x83: {  	_ =	sdelay $0x3  }
0x84: {  	s1 =	smul.u32 $0xCD, s30;
	_ =	sdelay $0x1  }
0x85: {  	s1 =	sshrl.u32 s1, $0xA  }
0x86: {  	s1 =	sand.u32 $0x3F, s1  }
0x87: {  	s5 =	smul.u32 $0x34, s1  }
0x88: {  	s24 =	smul.u32 $0x29, s30  }
0x89: {  	s5 =	sshrl.u32 s5, $0x8  }
0x8a: {  	s24 =	sshrl.u32 s24, $0xA;
	s5 =	smul.u32 $0x5, s5  }
0x8b: {  	s24 =	sand.u32 $0x3F, s24  }
0x8c: {  	s24 =	smul.u32 $0x84, s24;
	s5 =	ssub.s32 s1, s5  }
0x8d: {  	s1 =	smul.u32 $0x5, s1;
	s5 =	sand.u32 $0xFF, s5  }
0x8e: {  	s5 =	sadd.s32 s5, s24  }
0x8f: {  	s1 =	ssub.s32 s30, s1;
	s5 =	smul.u32 $0x84, s5  }
0x90: {  	s1 =	sand.u32 $0xFF, s1  }
0x91: {  	s1 =	sadd.s32 s5, s1  }
0x92: {  	s5 =	sadd.s32 $0xFFFF76D6, s1;
	s1 =	simm.s32 $0x0  }
0x93: {  	v1 =	vmov s5;
	s5 =	simm.s32 $0x40;
	v2 =	vld [tilespmem:s1+$0x0]  }
.LBB2_8:
0x94: {  	p1 =	sne.s32 s5, $0x31C0  }
.Ltmp7:
0x95: {  	_ = 	snop;
	(pc) =	sbr.rel @p1 .LBB2_8-.Ltmp7, $3  }
0x96: {  	_ =	sdelay $0x1  }
0x97: {  	s24 =	sshra.s32 s5, $0x2;
	s5 =	sadd.s32 $0x40, s5;
	v3 =	vadd.s32 v1, v2  }
0x98: {  	v2 =	vld [tilespmem:s24+$0x0];
	[tilespmem:s1+$0x1900] =	vst v3;
	s1 =	smov.u32 s24  }
0x99: {  	_ =	sdelay $0x3  }
0x9a: {  	v1 =	vadd.s32 v1, v2  }
0x9b: {  	s24 =	simm.s32 $0x1900;
	s5 =	simm.s32 $0x3E80;
	[tilespmem:s1+$0x1900] =	vst v1  }
0x9c: {  	[tilespmem:s5], [sflag:$0x2] =	stream.indirect.gather [hbm4b:s2+s13], $0x1, s24, s13, $0xb8;
	[tilespmem:$0xE400] =	vst v63  }
0x9d: {  	s25 =	simm.s32 $0x4B00  }
0x9e: {  	[tilespmem:s25], [sflag:$0x2] =	stream.indirect.gather [hbm4b:s4+s13], $0x1, s24, s13, $0xb8;
	[tilespmem:$0xE400] =	vst v63  }
0x9f: {  	s1 =	simm.s32 $0x19C8;
	s24 =	simm.s32 $0x3F48  }
0xa0: {  	[tilespmem:s24], [sflag:$0x2] =	stream.indirect.gather [hbm4b:s2+s13], $0x1, s1, s13, $0xb8;
	[tilespmem:$0xE400] =	vst v63  }
0xa1: {  	s25 =	simm.s32 $0x4BC8  }
0xa2: {  	[tilespmem:s25], [sflag:$0x2] =	stream.indirect.gather [hbm4b:s4+s13], $0x1, s1, s13, $0xb8;
	[tilespmem:$0xE400] =	vst v63  }
0xa3: {  	s24 =	simm.s32 $0x4010;
	s1 =	simm.s32 $0x1A90  }
0xa4: {  	[tilespmem:s24], [sflag:$0x2] =	stream.indirect.gather [hbm4b:s2+s13], $0x1, s1, s13, $0xb8;
	[tilespmem:$0xE400] =	vst v63  }
0xa5: {  	s25 =	simm.s32 $0x4C90  }
0xa6: {  	[tilespmem:s25], [sflag:$0x2] =	stream.indirect.gather [hbm4b:s4+s13], $0x1, s1, s13, $0xb8;
	[tilespmem:$0xE400] =	vst v63  }
0xa7: {  	s24 =	simm.s32 $0x40D8;
	s1 =	simm.s32 $0x1B58  }
0xa8: {  	[tilespmem:s24], [sflag:$0x2] =	stream.indirect.gather [hbm4b:s2+s13], $0x1, s1, s13, $0xb8;
	[tilespmem:$0xE400] =	vst v63  }
0xa9: {  	s25 =	simm.s32 $0x4D58  }
0xaa: {  	[tilespmem:s25], [sflag:$0x2] =	stream.indirect.gather [hbm4b:s4+s13], $0x1, s1, s13, $0xb8;
	[tilespmem:$0xE400] =	vst v63  }
0xab: {  	s5 =	simm.s32 $0x41A0  }
0xac: {  	[tilespmem:s5], [sflag:$0x2] =	stream.indirect.gather [hbm4b:s2+s13], $0x1, s29, s13, $0xb8;
	[tilespmem:$0xE400] =	vst v63  }
0xad: {  	s24 =	simm.s32 $0x4E20  }
0xae: {  	[tilespmem:s24], [sflag:$0x2] =	stream.indirect.gather [hbm4b:s4+s13], $0x1, s29, s13, $0xb8;
	[tilespmem:$0xE400] =	vst v63  }
0xaf: {  	s25 =	simm.s32 $0x4268  }
0xb0: {  	[tilespmem:s25], [sflag:$0x2] =	stream.indirect.gather [hbm4b:s2+s13], $0x1, s31, s13, $0xb8;
	[tilespmem:$0xE400] =	vst v63  }
0xb1: {  	s5 =	simm.s32 $0x4EE8  }
0xb2: {  	[tilespmem:s5], [sflag:$0x2] =	stream.indirect.gather [hbm4b:s4+s13], $0x1, s31, s13, $0xb8;
	[tilespmem:$0xE400] =	vst v63  }
0xb3: {  	s24 =	simm.s32 $0x4330  }
0xb4: {  	[tilespmem:s24], [sflag:$0x2] =	stream.indirect.gather [hbm4b:s2+s13], $0x1, s11, s13, $0xb8;
	[tilespmem:$0xE400] =	vst v63  }
0xb5: {  	s25 =	simm.s32 $0x4FB0  }
0xb6: {  	[tilespmem:s25], [sflag:$0x2] =	stream.indirect.gather [hbm4b:s4+s13], $0x1, s11, s13, $0xb8;
	[tilespmem:$0xE400] =	vst v63  }
0xb7: {  	s5 =	simm.s32 $0x43F8  }
0xb8: {  	[tilespmem:s5], [sflag:$0x2] =	stream.indirect.gather [hbm4b:s2+s13], $0x1, s12, s13, $0xb8;
	[tilespmem:$0xE400] =	vst v63  }
0xb9: {  	s24 =	simm.s32 $0x5078  }
0xba: {  	[tilespmem:s24], [sflag:$0x2] =	stream.indirect.gather [hbm4b:s4+s13], $0x1, s12, s13, $0xb8;
	[tilespmem:$0xE400] =	vst v63  }
0xbb: {  	s25 =	simm.s32 $0x44C0  }
0xbc: {  	[tilespmem:s25], [sflag:$0x2] =	stream.indirect.gather [hbm4b:s2+s13], $0x1, s7, s13, $0xb8;
	[tilespmem:$0xE400] =	vst v63  }
0xbd: {  	s5 =	simm.s32 $0x5140  }
0xbe: {  	[tilespmem:s5], [sflag:$0x2] =	stream.indirect.gather [hbm4b:s4+s13], $0x1, s7, s13, $0xb8;
	[tilespmem:$0xE400] =	vst v63  }
0xbf: {  	s24 =	simm.s32 $0x4588  }
0xc0: {  	[tilespmem:s24], [sflag:$0x2] =	stream.indirect.gather [hbm4b:s2+s13], $0x1, s9, s13, $0xb8;
	[tilespmem:$0xE400] =	vst v63  }
0xc1: {  	s25 =	simm.s32 $0x5208  }
0xc2: {  	[tilespmem:s25], [sflag:$0x2] =	stream.indirect.gather [hbm4b:s4+s13], $0x1, s9, s13, $0xb8;
	[tilespmem:$0xE400] =	vst v63  }
0xc3: {  	s5 =	simm.s32 $0x4650  }
0xc4: {  	[tilespmem:s5], [sflag:$0x2] =	stream.indirect.gather [hbm4b:s2+s13], $0x1, s15, s13, $0xb8;
	[tilespmem:$0xE400] =	vst v63  }
0xc5: {  	s24 =	simm.s32 $0x52D0  }
0xc6: {  	[tilespmem:s24], [sflag:$0x2] =	stream.indirect.gather [hbm4b:s4+s13], $0x1, s15, s13, $0xb8;
	[tilespmem:$0xE400] =	vst v63  }
0xc7: {  	s25 =	simm.s32 $0x4718  }
0xc8: {  	[tilespmem:s25], [sflag:$0x2] =	stream.indirect.gather [hbm4b:s2+s13], $0x1, s16, s13, $0xb8;
	[tilespmem:$0xE400] =	vst v63  }
0xc9: {  	s5 =	simm.s32 $0x5398  }
0xca: {  	[tilespmem:s5], [sflag:$0x2] =	stream.indirect.gather [hbm4b:s4+s13], $0x1, s16, s13, $0xb8;
	[tilespmem:$0xE400] =	vst v63  }
0xcb: {  	s24 =	simm.s32 $0x47E0  }
0xcc: {  	[tilespmem:s24], [sflag:$0x2] =	stream.indirect.gather [hbm4b:s2+s13], $0x1, s14, s13, $0xb8;
	[tilespmem:$0xE400] =	vst v63  }
0xcd: {  	s25 =	simm.s32 $0x5460  }
0xce: {  	[tilespmem:s25], [sflag:$0x2] =	stream.indirect.gather [hbm4b:s4+s13], $0x1, s14, s13, $0xb8;
	[tilespmem:$0xE400] =	vst v63  }
0xcf: {  	s5 =	simm.s32 $0x48A8  }
0xd0: {  	[tilespmem:s5], [sflag:$0x2] =	stream.indirect.gather [hbm4b:s2+s13], $0x1, s17, s13, $0xb8;
	[tilespmem:$0xE400] =	vst v63  }
0xd1: {  	s24 =	simm.s32 $0x5528  }
0xd2: {  	[tilespmem:s24], [sflag:$0x2] =	stream.indirect.gather [hbm4b:s4+s13], $0x1, s17, s13, $0xb8;
	[tilespmem:$0xE400] =	vst v63  }
0xd3: {  	s25 =	simm.s32 $0x4970  }
0xd4: {  	[tilespmem:s25], [sflag:$0x2] =	stream.indirect.gather [hbm4b:s2+s13], $0x1, s20, s13, $0xb8;
	[tilespmem:$0xE400] =	vst v63  }
0xd5: {  	s5 =	simm.s32 $0x55F0  }
0xd6: {  	[tilespmem:s5], [sflag:$0x2] =	stream.indirect.gather [hbm4b:s4+s13], $0x1, s20, s13, $0xb8;
	[tilespmem:$0xE400] =	vst v63  }
0xd7: {  	s24 =	simm.s32 $0x4A38  }
0xd8: {  	[tilespmem:s24], [sflag:$0x2] =	stream.indirect.gather [hbm4b:s2+s13], $0x1, s23, s13, $0xb8;
	[tilespmem:$0xE400] =	vst v63  }
0xd9: {  	s25 =	simm.s32 $0x56B8  }
0xda: {  	[tilespmem:s25], [sflag:$0x2] =	stream.indirect.gather [hbm4b:s4+s13], $0x1, s23, s13, $0xb8;
	[tilespmem:$0xE400] =	vst v63  }
.LBB2_10:
0xdb: {  	_ =	swait.ge [sflag:s19], $0xC8  }
0xdc: {  	[sflag:s19] =	ssyncset.done $0x0  }
0xdd: {  	[sflag:s19] =	ssyncadd.s32 $0xFFFFFF38  }
0xde: {  	_ =	swait.ge [sflag:s19], $0xC8  }
0xdf: {  	[sflag:s19] =	ssyncset.done $0x0  }
0xe0: {  	[sflag:s19] =	ssyncadd.s32 $0xFFFFFF38  }
0xe1: {  	_ =	swait.ge [sflag:s19], $0xC8  }
0xe2: {  	[sflag:s19] =	ssyncset.done $0x0  }
0xe3: {  	[sflag:s19] =	ssyncadd.s32 $0xFFFFFF38  }
0xe4: {  	_ =	swait.ge [sflag:s19], $0xC8  }
0xe5: {  	[sflag:s19] =	ssyncset.done $0x0  }
0xe6: {  	[sflag:s19] =	ssyncadd.s32 $0xFFFFFF38  }
0xe7: {  	_ =	swait.ge [sflag:s19], $0xC8  }
0xe8: {  	[sflag:s19] =	ssyncset.done $0x0  }
0xe9: {  	[sflag:s19] =	ssyncadd.s32 $0xFFFFFF38  }
0xea: {  	_ =	swait.ge [sflag:s19], $0xC8  }
0xeb: {  	[sflag:s19] =	ssyncset.done $0x0  }
0xec: {  	[sflag:s19] =	ssyncadd.s32 $0xFFFFFF38  }
0xed: {  	_ =	swait.ge [sflag:s19], $0xC8  }
0xee: {  	[sflag:s19] =	ssyncset.done $0x0  }
0xef: {  	[sflag:s19] =	ssyncadd.s32 $0xFFFFFF38  }
0xf0: {  	_ =	swait.ge [sflag:s19], $0xC8  }
0xf1: {  	[sflag:s19] =	ssyncset.done $0x0  }
0xf2: {  	[sflag:s19] =	ssyncadd.s32 $0xFFFFFF38  }
0xf3: {  	_ =	swait.ge [sflag:s19], $0xC8  }
0xf4: {  	[sflag:s19] =	ssyncset.done $0x0  }
0xf5: {  	[sflag:s19] =	ssyncadd.s32 $0xFFFFFF38  }
0xf6: {  	_ =	swait.ge [sflag:s19], $0xC8  }
0xf7: {  	[sflag:s19] =	ssyncset.done $0x0  }
0xf8: {  	[sflag:s19] =	ssyncadd.s32 $0xFFFFFF38  }
0xf9: {  	_ =	swait.ge [sflag:s19], $0xC8  }
0xfa: {  	[sflag:s19] =	ssyncset.done $0x0  }
0xfb: {  	[sflag:s19] =	ssyncadd.s32 $0xFFFFFF38  }
0xfc: {  	_ =	swait.ge [sflag:s19], $0xC8  }
0xfd: {  	[sflag:s19] =	ssyncset.done $0x0  }
0xfe: {  	[sflag:s19] =	ssyncadd.s32 $0xFFFFFF38  }
0xff: {  	_ =	swait.ge [sflag:s19], $0xC8  }
0x100: {  	[sflag:s19] =	ssyncset.done $0x0  }
0x101: {  	[sflag:s19] =	ssyncadd.s32 $0xFFFFFF38  }
0x102: {  	_ =	swait.ge [sflag:s19], $0xC8  }
0x103: {  	[sflag:s19] =	ssyncset.done $0x0  }
0x104: {  	[sflag:s19] =	ssyncadd.s32 $0xFFFFFF38  }
0x105: {  	_ =	swait.ge [sflag:s19], $0xC8  }
0x106: {  	[sflag:s19] =	ssyncset.done $0x0  }
0x107: {  	[sflag:s19] =	ssyncadd.s32 $0xFFFFFF38  }
0x108: {  	_ =	swait.ge [sflag:s19], $0xC8  }
0x109: {  	[sflag:s19] =	ssyncset.done $0x0  }
0x10a: {  	[sflag:s19] =	ssyncadd.s32 $0xFFFFFF38  }
0x10b: {  	_ =	swait.ge [sflag:s19], $0xC8  }
0x10c: {  	[sflag:s19] =	ssyncset.done $0x0  }
0x10d: {  	[sflag:s19] =	ssyncadd.s32 $0xFFFFFF38  }
0x10e: {  	_ =	swait.ge [sflag:s19], $0xC8  }
0x10f: {  	[sflag:s19] =	ssyncset.done $0x0  }
0x110: {  	[sflag:s19] =	ssyncadd.s32 $0xFFFFFF38  }
0x111: {  	_ =	swait.ge [sflag:s19], $0xC8  }
0x112: {  	[sflag:s19] =	ssyncset.done $0x0  }
0x113: {  	[sflag:s19] =	ssyncadd.s32 $0xFFFFFF38  }
0x114: {  	_ =	swait.ge [sflag:s19], $0xC8  }
0x115: {  	[sflag:s19] =	ssyncset.done $0x0  }
0x116: {  	[sflag:s19] =	ssyncadd.s32 $0xFFFFFF38  }
0x117: {  	_ =	swait.ge [sflag:s19], $0xC8  }
0x118: {  	[sflag:s19] =	ssyncset.done $0x0  }
0x119: {  	[sflag:s19] =	ssyncadd.s32 $0xFFFFFF38  }
0x11a: {  	_ =	swait.ge [sflag:s19], $0xC8  }
0x11b: {  	[sflag:s19] =	ssyncset.done $0x0  }
0x11c: {  	[sflag:s19] =	ssyncadd.s32 $0xFFFFFF38  }
0x11d: {  	_ =	swait.ge [sflag:s19], $0xC8  }
0x11e: {  	[sflag:s19] =	ssyncset.done $0x0  }
0x11f: {  	[sflag:s19] =	ssyncadd.s32 $0xFFFFFF38  }
0x120: {  	_ =	swait.ge [sflag:s19], $0xC8  }
0x121: {  	[sflag:s19] =	ssyncset.done $0x0  }
0x122: {  	[sflag:s19] =	ssyncadd.s32 $0xFFFFFF38  }
0x123: {  	_ =	swait.ge [sflag:s19], $0xC8  }
0x124: {  	[sflag:s19] =	ssyncset.done $0x0  }
0x125: {  	[sflag:s19] =	ssyncadd.s32 $0xFFFFFF38  }
0x126: {  	_ =	swait.ge [sflag:s19], $0xC8  }
0x127: {  	[sflag:s19] =	ssyncset.done $0x0  }
0x128: {  	[sflag:s19] =	ssyncadd.s32 $0xFFFFFF38  }
0x129: {  	_ =	swait.ge [sflag:s19], $0xC8  }
0x12a: {  	[sflag:s19] =	ssyncset.done $0x0  }
0x12b: {  	[sflag:s19] =	ssyncadd.s32 $0xFFFFFF38  }
0x12c: {  	_ =	swait.ge [sflag:s19], $0xC8  }
0x12d: {  	[sflag:s19] =	ssyncset.done $0x0  }
0x12e: {  	[sflag:s19] =	ssyncadd.s32 $0xFFFFFF38  }
0x12f: {  	_ =	swait.ge [sflag:s19], $0xC8  }
0x130: {  	[sflag:s19] =	ssyncset.done $0x0  }
0x131: {  	[sflag:s19] =	ssyncadd.s32 $0xFFFFFF38  }
0x132: {  	_ =	swait.ge [sflag:s19], $0xC8  }
0x133: {  	[sflag:s19] =	ssyncset.done $0x0  }
0x134: {  	[sflag:s19] =	ssyncadd.s32 $0xFFFFFF38  }
0x135: {  	_ =	swait.ge [sflag:s19], $0xC8  }
0x136: {  	[sflag:s19] =	ssyncset.done $0x0  }
0x137: {  	[sflag:s19] =	ssyncadd.s32 $0xFFFFFF38  }
0x138: {  	_ =	swait.ge [sflag:s19], $0xC8  }
0x139: {  	[sflag:s19] =	ssyncset.done $0x0  }
0x13a: {  	s1 =	sshll.u32 s21, $0x8;
	[sflag:s19] =	ssyncadd.s32 $0xFFFFFF38  }
0x13b: {  	v2 =	vld [tilespmem:s1+$0x6400]  }
0x13c: {  	v1 =	vld [tilespmem:s1+$0xA400];
	s1 =	simm.s32 $0x0  }
0x13d: {  	v3 =	vld [tilespmem:s1+$0x2580]  }
0x13e: {  	v4 =	vld [tilespmem:s1+$0x3200]  }
0x13f: {  	v5 =	vld [tilespmem:s1+$0x5780];
	_ =	sdelay $0x2  }
0x140: {  	v3 =	vmul.f32 v3, v2;
	_ =	sdelay $0x1  }
0x141: {  	v4 =	vmul.f32 v4, v1;
	v3 =	vadd.f32 v3, v5;
	_ =	sdelay $0x1  }
0x142: {  	s24 =	sshll.u32 s21, $0x1;
	s5 =	simm.s32 $0x10;
	s25 =	simm.s32 $0x80;
	v3 =	vadd.f32 v4, v3  }
.LBB2_11:
0x143: {  	p1 =	sne.s32 s25, $0x31C0;
	v4 =	vld [tilespmem:s5+$0x2580]  }
0x144: {  	v5 =	vld [tilespmem:s5+$0x3200];
	[tilespmem:s1+$0x5780] =	vst v3;
	s1 =	smov.u32 s5  }
0x145: {  	v3 =	vld [tilespmem:s1+$0x5780];
	_ =	sdelay $0x2  }
.Ltmp8:
0x146: {  	v4 =	vmul.f32 v4, v2;
	(pc) =	sbr.rel @p1 .LBB2_11-.Ltmp8, $3  }
0x147: {  	_ = 	snop  }
0x148: {  	v3 =	vadd.f32 v4, v3;
	v4 =	vmul.f32 v5, v1;
	_ =	sdelay $0x1  }
0x149: {  	s5 =	sshra.s32 s25, $0x2;
	s25 =	sadd.s32 $0x40, s25;
	v3 =	vadd.f32 v4, v3  }
0x14a: {  	v4 =	vld [tilespmem:s5+$0x2580]  }
0x14b: {  	v5 =	vld [tilespmem:s5+$0x3200];
	[tilespmem:s1+$0x5780] =	vst v3  }
0x14c: {  	v3 =	vld [tilespmem:s5+$0x5780];
	_ =	sdelay $0x2  }
0x14d: {  	v2 =	vmul.f32 v4, v2  }
0x14e: {  	p1 =	seq.s32 s21, $0x3E  }
.Ltmp9:
0x14f: {  	v1 =	vmul.f32 v5, v1;
	v2 =	vadd.f32 v2, v3;
	(pc) =	sbr.rel @p1 .LBB2_16-.Ltmp9, $3  }
0x150: {  	_ = 	snop  }
0x151: {  	v1 =	vadd.f32 v1, v2;
	_ =	sdelay $0x1  }
0x152: {  	[tilespmem:s5+$0x5780] =	vst v1  }
0x153: {  	s1 =	sadd.s32 $0x2, s24  }
0x154: {  	s5 =	smulhi.u32 $0x66666667, s1;
	_ =	sdelay $0x1  }
0x155: {  	s24 =	smulhi.u32 $0x51EB851F, s1;
	s5 =	sshrl.u32 s5, $0x1  }
0x156: {  	s25 =	smulhi.u32 $0x33333334, s5;
	_ =	sdelay $0x1  }
0x157: {  	s24 =	sshrl.u32 s24, $0x3;
	s25 =	smul.u32 $0x5, s25  }
0x158: {  	s24 =	smul.u32 $0x84, s24  }
0x159: {  	s25 =	ssub.s32 s5, s25  }
0x15a: {  	s5 =	smul.u32 $0x5, s5;
	s24 =	sadd.s32 s25, s24  }
0x15b: {  	s24 =	smul.u32 $0x84, s24  }
0x15c: {  	s1 =	ssub.s32 s1, s5  }
0x15d: {  	s1 =	sadd.s32 s24, s1  }
0x15e: {  	s25 =	sadd.s32 $0xFFFF76D6, s1;
	s1 =	simm.s32 $0x0  }
0x15f: {  	s5 =	simm.s32 $0x40;
	v1 =	vmov s25;
	v2 =	vld [tilespmem:s1+$0x0]  }
.LBB2_14:
0x160: {  	p1 =	sne.s32 s5, $0x31C0  }
.Ltmp10:
0x161: {  	_ = 	snop;
	(pc) =	sbr.rel @p1 .LBB2_14-.Ltmp10, $3  }
0x162: {  	_ =	sdelay $0x1  }
0x163: {  	s24 =	sshra.s32 s5, $0x2;
	s5 =	sadd.s32 $0x40, s5;
	v3 =	vadd.s32 v1, v2  }
0x164: {  	v2 =	vld [tilespmem:s24+$0x0];
	[tilespmem:s1+$0xC80] =	vst v3;
	s1 =	smov.u32 s24  }
0x165: {  	_ =	sdelay $0x3  }
0x166: {  	v1 =	vadd.s32 v1, v2  }
0x167: {  	s25 =	simm.s32 $0xC80;
	s5 =	simm.s32 $0x2580;
	[tilespmem:s1+$0xC80] =	vst v1  }
0x168: {  	[tilespmem:s5], [sflag:$0x1] =	stream.indirect.gather [hbm4b:s2+s13], $0x1, s25, s13, $0xb8;
	[tilespmem:$0xE400] =	vst v63  }
0x169: {  	s24 =	simm.s32 $0x3200  }
0x16a: {  	[tilespmem:s24], [sflag:$0x1] =	stream.indirect.gather [hbm4b:s4+s13], $0x1, s25, s13, $0xb8;
	[tilespmem:$0xE400] =	vst v63  }
0x16b: {  	s1 =	simm.s32 $0xD48;
	s25 =	simm.s32 $0x2648  }
0x16c: {  	[tilespmem:s25], [sflag:$0x1] =	stream.indirect.gather [hbm4b:s2+s13], $0x1, s1, s13, $0xb8;
	[tilespmem:$0xE400] =	vst v63  }
0x16d: {  	s24 =	simm.s32 $0x32C8  }
0x16e: {  	[tilespmem:s24], [sflag:$0x1] =	stream.indirect.gather [hbm4b:s4+s13], $0x1, s1, s13, $0xb8;
	[tilespmem:$0xE400] =	vst v63  }
0x16f: {  	s25 =	simm.s32 $0x2710;
	s1 =	simm.s32 $0xE10  }
0x170: {  	[tilespmem:s25], [sflag:$0x1] =	stream.indirect.gather [hbm4b:s2+s13], $0x1, s1, s13, $0xb8;
	[tilespmem:$0xE400] =	vst v63  }
0x171: {  	s24 =	simm.s32 $0x3390  }
0x172: {  	[tilespmem:s24], [sflag:$0x1] =	stream.indirect.gather [hbm4b:s4+s13], $0x1, s1, s13, $0xb8;
	[tilespmem:$0xE400] =	vst v63  }
0x173: {  	s25 =	simm.s32 $0x27D8;
	s1 =	simm.s32 $0xED8  }
0x174: {  	[tilespmem:s25], [sflag:$0x1] =	stream.indirect.gather [hbm4b:s2+s13], $0x1, s1, s13, $0xb8;
	[tilespmem:$0xE400] =	vst v63  }
0x175: {  	s24 =	simm.s32 $0x3458  }
0x176: {  	[tilespmem:s24], [sflag:$0x1] =	stream.indirect.gather [hbm4b:s4+s13], $0x1, s1, s13, $0xb8;
	[tilespmem:$0xE400] =	vst v63  }
0x177: {  	s25 =	simm.s32 $0x28A0;
	s1 =	simm.s32 $0xFA0  }
0x178: {  	[tilespmem:s25], [sflag:$0x1] =	stream.indirect.gather [hbm4b:s2+s13], $0x1, s1, s13, $0xb8;
	[tilespmem:$0xE400] =	vst v63  }
0x179: {  	s24 =	simm.s32 $0x3520  }
0x17a: {  	[tilespmem:s24], [sflag:$0x1] =	stream.indirect.gather [hbm4b:s4+s13], $0x1, s1, s13, $0xb8;
	[tilespmem:$0xE400] =	vst v63  }
0x17b: {  	s25 =	simm.s32 $0x2968;
	s1 =	simm.s32 $0x1068  }
0x17c: {  	[tilespmem:s25], [sflag:$0x1] =	stream.indirect.gather [hbm4b:s2+s13], $0x1, s1, s13, $0xb8;
	[tilespmem:$0xE400] =	vst v63  }
0x17d: {  	s24 =	simm.s32 $0x35E8  }
0x17e: {  	[tilespmem:s24], [sflag:$0x1] =	stream.indirect.gather [hbm4b:s4+s13], $0x1, s1, s13, $0xb8;
	[tilespmem:$0xE400] =	vst v63  }
0x17f: {  	s25 =	simm.s32 $0x2A30;
	s1 =	simm.s32 $0x1130  }
0x180: {  	[tilespmem:s25], [sflag:$0x1] =	stream.indirect.gather [hbm4b:s2+s13], $0x1, s1, s13, $0xb8;
	[tilespmem:$0xE400] =	vst v63  }
0x181: {  	s24 =	simm.s32 $0x36B0  }
0x182: {  	[tilespmem:s24], [sflag:$0x1] =	stream.indirect.gather [hbm4b:s4+s13], $0x1, s1, s13, $0xb8;
	[tilespmem:$0xE400] =	vst v63  }
0x183: {  	s25 =	simm.s32 $0x2AF8;
	s1 =	simm.s32 $0x11F8  }
0x184: {  	[tilespmem:s25], [sflag:$0x1] =	stream.indirect.gather [hbm4b:s2+s13], $0x1, s1, s13, $0xb8;
	[tilespmem:$0xE400] =	vst v63  }
0x185: {  	s24 =	simm.s32 $0x3778  }
0x186: {  	[tilespmem:s24], [sflag:$0x1] =	stream.indirect.gather [hbm4b:s4+s13], $0x1, s1, s13, $0xb8;
	[tilespmem:$0xE400] =	vst v63  }
0x187: {  	s25 =	simm.s32 $0x2BC0  }
0x188: {  	[tilespmem:s25], [sflag:$0x1] =	stream.indirect.gather [hbm4b:s2+s13], $0x1, s8, s13, $0xb8;
	[tilespmem:$0xE400] =	vst v63  }
0x189: {  	s5 =	simm.s32 $0x3840  }
0x18a: {  	[tilespmem:s5], [sflag:$0x1] =	stream.indirect.gather [hbm4b:s4+s13], $0x1, s8, s13, $0xb8;
	[tilespmem:$0xE400] =	vst v63  }
0x18b: {  	s24 =	simm.s32 $0x2C88  }
0x18c: {  	[tilespmem:s24], [sflag:$0x1] =	stream.indirect.gather [hbm4b:s2+s13], $0x1, s10, s13, $0xb8;
	[tilespmem:$0xE400] =	vst v63  }
0x18d: {  	s25 =	simm.s32 $0x3908  }
0x18e: {  	[tilespmem:s25], [sflag:$0x1] =	stream.indirect.gather [hbm4b:s4+s13], $0x1, s10, s13, $0xb8;
	[tilespmem:$0xE400] =	vst v63  }
0x18f: {  	s5 =	simm.s32 $0x2D50  }
0x190: {  	[tilespmem:s5], [sflag:$0x1] =	stream.indirect.gather [hbm4b:s2+s13], $0x1, s18, s13, $0xb8;
	[tilespmem:$0xE400] =	vst v63  }
0x191: {  	s24 =	simm.s32 $0x39D0  }
0x192: {  	[tilespmem:s24], [sflag:$0x1] =	stream.indirect.gather [hbm4b:s4+s13], $0x1, s18, s13, $0xb8;
	[tilespmem:$0xE400] =	vst v63  }
0x193: {  	s25 =	simm.s32 $0x2E18  }
0x194: {  	[tilespmem:s25], [sflag:$0x1] =	stream.indirect.gather [hbm4b:s2+s13], $0x1, s22, s13, $0xb8;
	[tilespmem:$0xE400] =	vst v63  }
0x195: {  	s5 =	simm.s32 $0x3A98  }
0x196: {  	[tilespmem:s5], [sflag:$0x1] =	stream.indirect.gather [hbm4b:s4+s13], $0x1, s22, s13, $0xb8;
	[tilespmem:$0xE400] =	vst v63  }
0x197: {  	s24 =	simm.s32 $0x2EE0  }
0x198: {  	[tilespmem:s24], [sflag:$0x1] =	stream.indirect.gather [hbm4b:s2+s13], $0x1, s28, s13, $0xb8;
	[tilespmem:$0xE400] =	vst v63  }
0x199: {  	s25 =	simm.s32 $0x3B60  }
0x19a: {  	[tilespmem:s25], [sflag:$0x1] =	stream.indirect.gather [hbm4b:s4+s13], $0x1, s28, s13, $0xb8;
	[tilespmem:$0xE400] =	vst v63  }
0x19b: {  	s5 =	simm.s32 $0x2FA8  }
0x19c: {  	[tilespmem:s5], [sflag:$0x1] =	stream.indirect.gather [hbm4b:s2+s13], $0x1, s0, s13, $0xb8;
	[tilespmem:$0xE400] =	vst v63  }
0x19d: {  	s24 =	simm.s32 $0x3C28  }
0x19e: {  	[tilespmem:s24], [sflag:$0x1] =	stream.indirect.gather [hbm4b:s4+s13], $0x1, s0, s13, $0xb8;
	[tilespmem:$0xE400] =	vst v63  }
0x19f: {  	s25 =	simm.s32 $0x3070  }
0x1a0: {  	[tilespmem:s25], [sflag:$0x1] =	stream.indirect.gather [hbm4b:s2+s13], $0x1, s6, s13, $0xb8;
	[tilespmem:$0xE400] =	vst v63  }
0x1a1: {  	s5 =	simm.s32 $0x3CF0  }
0x1a2: {  	[tilespmem:s5], [sflag:$0x1] =	stream.indirect.gather [hbm4b:s4+s13], $0x1, s6, s13, $0xb8;
	[tilespmem:$0xE400] =	vst v63  }
0x1a3: {  	s24 =	simm.s32 $0x3138  }
0x1a4: {  	[tilespmem:s24], [sflag:$0x1] =	stream.indirect.gather [hbm4b:s2+s13], $0x1, s3, s13, $0xb8;
	[tilespmem:$0xE400] =	vst v63  }
0x1a5: {  	s25 =	simm.s32 $0x3DB8  }
0x1a6: {  	[tilespmem:s25], [sflag:$0x1] =	stream.indirect.gather [hbm4b:s4+s13], $0x1, s3, s13, $0xb8;
	[tilespmem:$0xE400] =	vst v63  }
.LBB2_16:
.Ltmp11:
0x1a7: {  	(pc) =	sbr.rel @p0 .LBB2_20-.Ltmp11, $1  }
0x1a8: {  	_ =	sdelay $0x3  }
0x1a9: {  	_ =	swait.ge [sflag:s26], $0xC8  }
0x1aa: {  	[sflag:s26] =	ssyncset.done $0x0  }
0x1ab: {  	[sflag:s26] =	ssyncadd.s32 $0xFFFFFF38  }
0x1ac: {  	_ =	swait.ge [sflag:s26], $0xC8  }
0x1ad: {  	[sflag:s26] =	ssyncset.done $0x0  }
0x1ae: {  	[sflag:s26] =	ssyncadd.s32 $0xFFFFFF38  }
0x1af: {  	_ =	swait.ge [sflag:s26], $0xC8  }
0x1b0: {  	[sflag:s26] =	ssyncset.done $0x0  }
0x1b1: {  	[sflag:s26] =	ssyncadd.s32 $0xFFFFFF38  }
0x1b2: {  	_ =	swait.ge [sflag:s26], $0xC8  }
0x1b3: {  	[sflag:s26] =	ssyncset.done $0x0  }
0x1b4: {  	[sflag:s26] =	ssyncadd.s32 $0xFFFFFF38  }
0x1b5: {  	_ =	swait.ge [sflag:s26], $0xC8  }
0x1b6: {  	[sflag:s26] =	ssyncset.done $0x0  }
0x1b7: {  	[sflag:s26] =	ssyncadd.s32 $0xFFFFFF38  }
0x1b8: {  	_ =	swait.ge [sflag:s26], $0xC8  }
0x1b9: {  	[sflag:s26] =	ssyncset.done $0x0  }
0x1ba: {  	[sflag:s26] =	ssyncadd.s32 $0xFFFFFF38  }
0x1bb: {  	_ =	swait.ge [sflag:s26], $0xC8  }
0x1bc: {  	[sflag:s26] =	ssyncset.done $0x0  }
0x1bd: {  	[sflag:s26] =	ssyncadd.s32 $0xFFFFFF38  }
0x1be: {  	_ =	swait.ge [sflag:s26], $0xC8  }
0x1bf: {  	[sflag:s26] =	ssyncset.done $0x0  }
0x1c0: {  	[sflag:s26] =	ssyncadd.s32 $0xFFFFFF38  }
0x1c1: {  	_ =	swait.ge [sflag:s26], $0xC8  }
0x1c2: {  	[sflag:s26] =	ssyncset.done $0x0  }
0x1c3: {  	[sflag:s26] =	ssyncadd.s32 $0xFFFFFF38  }
0x1c4: {  	_ =	swait.ge [sflag:s26], $0xC8  }
0x1c5: {  	[sflag:s26] =	ssyncset.done $0x0  }
0x1c6: {  	[sflag:s26] =	ssyncadd.s32 $0xFFFFFF38  }
0x1c7: {  	_ =	swait.ge [sflag:s26], $0xC8  }
0x1c8: {  	[sflag:s26] =	ssyncset.done $0x0  }
0x1c9: {  	[sflag:s26] =	ssyncadd.s32 $0xFFFFFF38  }
0x1ca: {  	_ =	swait.ge [sflag:s26], $0xC8  }
0x1cb: {  	[sflag:s26] =	ssyncset.done $0x0  }
0x1cc: {  	[sflag:s26] =	ssyncadd.s32 $0xFFFFFF38  }
0x1cd: {  	_ =	swait.ge [sflag:s26], $0xC8  }
0x1ce: {  	[sflag:s26] =	ssyncset.done $0x0  }
0x1cf: {  	[sflag:s26] =	ssyncadd.s32 $0xFFFFFF38  }
0x1d0: {  	_ =	swait.ge [sflag:s26], $0xC8  }
0x1d1: {  	[sflag:s26] =	ssyncset.done $0x0  }
0x1d2: {  	[sflag:s26] =	ssyncadd.s32 $0xFFFFFF38  }
0x1d3: {  	_ =	swait.ge [sflag:s26], $0xC8  }
0x1d4: {  	[sflag:s26] =	ssyncset.done $0x0  }
0x1d5: {  	[sflag:s26] =	ssyncadd.s32 $0xFFFFFF38  }
0x1d6: {  	_ =	swait.ge [sflag:s26], $0xC8  }
0x1d7: {  	[sflag:s26] =	ssyncset.done $0x0  }
0x1d8: {  	[sflag:s26] =	ssyncadd.s32 $0xFFFFFF38  }
0x1d9: {  	_ =	swait.ge [sflag:s26], $0xC8  }
0x1da: {  	[sflag:s26] =	ssyncset.done $0x0  }
0x1db: {  	[sflag:s26] =	ssyncadd.s32 $0xFFFFFF38  }
0x1dc: {  	_ =	swait.ge [sflag:s26], $0xC8  }
0x1dd: {  	[sflag:s26] =	ssyncset.done $0x0  }
0x1de: {  	[sflag:s26] =	ssyncadd.s32 $0xFFFFFF38  }
0x1df: {  	_ =	swait.ge [sflag:s26], $0xC8  }
0x1e0: {  	[sflag:s26] =	ssyncset.done $0x0  }
0x1e1: {  	[sflag:s26] =	ssyncadd.s32 $0xFFFFFF38  }
0x1e2: {  	_ =	swait.ge [sflag:s26], $0xC8  }
0x1e3: {  	[sflag:s26] =	ssyncset.done $0x0  }
0x1e4: {  	[sflag:s26] =	ssyncadd.s32 $0xFFFFFF38  }
0x1e5: {  	_ =	swait.ge [sflag:s26], $0xC8  }
0x1e6: {  	[sflag:s26] =	ssyncset.done $0x0  }
0x1e7: {  	[sflag:s26] =	ssyncadd.s32 $0xFFFFFF38  }
0x1e8: {  	_ =	swait.ge [sflag:s26], $0xC8  }
0x1e9: {  	[sflag:s26] =	ssyncset.done $0x0  }
0x1ea: {  	[sflag:s26] =	ssyncadd.s32 $0xFFFFFF38  }
0x1eb: {  	_ =	swait.ge [sflag:s26], $0xC8  }
0x1ec: {  	[sflag:s26] =	ssyncset.done $0x0  }
0x1ed: {  	[sflag:s26] =	ssyncadd.s32 $0xFFFFFF38  }
0x1ee: {  	_ =	swait.ge [sflag:s26], $0xC8  }
0x1ef: {  	[sflag:s26] =	ssyncset.done $0x0  }
0x1f0: {  	[sflag:s26] =	ssyncadd.s32 $0xFFFFFF38  }
0x1f1: {  	_ =	swait.ge [sflag:s26], $0xC8  }
0x1f2: {  	[sflag:s26] =	ssyncset.done $0x0  }
0x1f3: {  	[sflag:s26] =	ssyncadd.s32 $0xFFFFFF38  }
0x1f4: {  	_ =	swait.ge [sflag:s26], $0xC8  }
0x1f5: {  	[sflag:s26] =	ssyncset.done $0x0  }
0x1f6: {  	[sflag:s26] =	ssyncadd.s32 $0xFFFFFF38  }
0x1f7: {  	_ =	swait.ge [sflag:s26], $0xC8  }
0x1f8: {  	[sflag:s26] =	ssyncset.done $0x0  }
0x1f9: {  	[sflag:s26] =	ssyncadd.s32 $0xFFFFFF38  }
0x1fa: {  	_ =	swait.ge [sflag:s26], $0xC8  }
0x1fb: {  	[sflag:s26] =	ssyncset.done $0x0  }
0x1fc: {  	[sflag:s26] =	ssyncadd.s32 $0xFFFFFF38  }
0x1fd: {  	_ =	swait.ge [sflag:s26], $0xC8  }
0x1fe: {  	[sflag:s26] =	ssyncset.done $0x0  }
0x1ff: {  	[sflag:s26] =	ssyncadd.s32 $0xFFFFFF38  }
0x200: {  	_ =	swait.ge [sflag:s26], $0xC8  }
0x201: {  	[sflag:s26] =	ssyncset.done $0x0  }
0x202: {  	[sflag:s26] =	ssyncadd.s32 $0xFFFFFF38  }
0x203: {  	_ =	swait.ge [sflag:s26], $0xC8  }
0x204: {  	[sflag:s26] =	ssyncset.done $0x0  }
0x205: {  	[sflag:s26] =	ssyncadd.s32 $0xFFFFFF38  }
0x206: {  	_ =	swait.ge [sflag:s26], $0xC8  }
0x207: {  	[sflag:s26] =	ssyncset.done $0x0  }
0x208: {  	s1 =	sshll.u32 s30, $0x7;
	[sflag:s26] =	ssyncadd.s32 $0xFFFFFF38  }
0x209: {  	v2 =	vld [tilespmem:s1+$0x6400]  }
0x20a: {  	v1 =	vld [tilespmem:s1+$0xA400];
	s1 =	simm.s32 $0x0  }
0x20b: {  	v3 =	vld [tilespmem:s1+$0x3E80]  }
0x20c: {  	v4 =	vld [tilespmem:s1+$0x4B00]  }
0x20d: {  	v5 =	vld [tilespmem:s1+$0x5780];
	_ =	sdelay $0x2  }
0x20e: {  	v3 =	vmul.f32 v3, v2;
	_ =	sdelay $0x1  }
0x20f: {  	v4 =	vmul.f32 v4, v1;
	v3 =	vadd.f32 v3, v5;
	_ =	sdelay $0x1  }
0x210: {  	s5 =	simm.s32 $0x10;
	s24 =	simm.s32 $0x80;
	v3 =	vadd.f32 v4, v3  }
.LBB2_18:
0x211: {  	p0 =	sne.s32 s24, $0x31C0;
	v4 =	vld [tilespmem:s5+$0x3E80]  }
0x212: {  	v5 =	vld [tilespmem:s5+$0x4B00];
	[tilespmem:s1+$0x5780] =	vst v3;
	s1 =	smov.u32 s5  }
0x213: {  	v3 =	vld [tilespmem:s1+$0x5780];
	_ =	sdelay $0x2  }
.Ltmp12:
0x214: {  	v4 =	vmul.f32 v4, v2;
	(pc) =	sbr.rel @p0 .LBB2_18-.Ltmp12, $3  }
0x215: {  	_ = 	snop  }
0x216: {  	v3 =	vadd.f32 v4, v3;
	v4 =	vmul.f32 v5, v1;
	_ =	sdelay $0x1  }
0x217: {  	s5 =	sshra.s32 s24, $0x2;
	s24 =	sadd.s32 $0x40, s24;
	v3 =	vadd.f32 v4, v3  }
0x218: {  	v4 =	vld [tilespmem:s5+$0x3E80]  }
0x219: {  	v5 =	vld [tilespmem:s5+$0x4B00];
	[tilespmem:s1+$0x5780] =	vst v3  }
0x21a: {  	v3 =	vld [tilespmem:s5+$0x5780];
	_ =	sdelay $0x2  }
0x21b: {  	v2 =	vmul.f32 v4, v2;
	_ =	sdelay $0x1  }
.Ltmp13:
0x21c: {  	v1 =	vmul.f32 v5, v1;
	v2 =	vadd.f32 v2, v3;
	(pc) =	sbr.rel .LBB2_20-.Ltmp13, $3  }
0x21d: {  	_ = 	snop  }
0x21e: {  	v1 =	vadd.f32 v1, v2;
	_ =	sdelay $0x1  }
0x21f: {  	[tilespmem:s5+$0x5780] =	vst v1  }
.LBB2_22:
0x220: {  	_ =	sfence.sel $0x180000  }
0x221: {  	[bflag:$0x0] =	sbarrier.arrive $0xFFFF  }
0x222: {  	_ =	strace $0x9000004A  }
0x223: {  	s0 =	stileid.u32;
	[bflag:$0x2] =	sbarrier.arrive $0xFFFF  }
0x224: {  	p0 =	sne.s32 s0, $0x0;
	s0 =	rddreg [dreg:$0x2]  }
0x225: {  	s0 =	sadd.s32 @!p0 $0x100000, s0  }
0x226: {  	[sflag:s0] =	ssyncadd.tile.s32 @!p0 $0x1;
	_ =	shalt  }
.Lfunc_end2:
_tile_overlayer_lowered:
.L_overlay_start_2:
0x227: {  	(tag) =	ssettag $0x2  }
0x228: {  	s0 =	rddreg [dreg:$0x0];
	s2 =	stileid.u32  }
0x229: {  	s1 =	rddreg [dreg:$0x1];
	p0 =	sne.s32 s2, $0x0  }
0x22a: {  	s3 =	rddreg [dreg:$0x2];
	[bflag:$0x3] =	sbarrier.arrive $0xFFFF;
	s2 =	simm.s32 @!p0 $0x1C03  }
0x22b: {  	[timem:s3], [sflag:s2] =	dma.local @!p0 [hbm:s0], s1  }
0x22c: {  	s0 =	simm.s32 @!p0 $0x3  }
0x22d: {  	_ =	swait.ge @!p0 [sflag:s0], s1  }
0x22e: {  	s1 =	ssub.s32 @!p0 $0x0, s1;
	[sflag:s0] =	ssyncset.done @!p0 $0x0  }
0x22f: {  	[sflag:s0] =	ssyncadd.s32 @!p0 s1  }
0x230: {  	[bflag:$0x3] =	sbarrier.arrive $0xFFFF  }
0x231: {  	_ =	shalt  }

</sc_bundles>
